<compile_context>
chip_gen: v7x
topology: tpu7x:2x2x1
jax: 0.10.2.dev20260603
libtpu: 0.0.44.dev20260713+nightly
codegen_flags: <defaults>
</compile_context>

<pallas_src>
import functools

import jax
import jax.numpy as jnp
from jax import lax
from jax.experimental import pallas as pl
from jax.experimental.pallas import tpu as pltpu
from jax.experimental.pallas import tpu_sc as plsc

N = 10000
E = 320000
D = 128
H = 2
C = 64
TD = 32
MSG = 16
HC = H * C

NC = 2
NS = 16
NW = NC * NS
EW = E // NW
G = 80
NCHUNK = EW // G
NPAD = 10240
ROWS_PER_TILE = NPAD // NS

BN = 2000
BE = 4000

KVW = 2 * HC
LW = 16
EXW = 8


def _sc_mesh():
  return plsc.VectorSubcoreMesh(
      core_axis_name="c", subcore_axis_name="s", num_cores=NC, num_subcores=NS)


def _node_proj_body(x_ref, lu_ref, wq_ref, bq_ref, wk_ref, bk_ref, wv_ref,
                    bv_ref, ws_ref, bs_ref, kv_ref, q_ref, skip_ref, lut_ref):
  x = x_ref[...]
  kv_ref[:, :HC] = jnp.dot(x, wk_ref[...], preferred_element_type=jnp.float32) + bk_ref[...]
  kv_ref[:, HC:] = jnp.dot(x, wv_ref[...], preferred_element_type=jnp.float32) + bv_ref[...]
  q_ref[...] = jnp.dot(x, wq_ref[...], preferred_element_type=jnp.float32) + bq_ref[...]
  skip_ref[...] = jnp.dot(x, ws_ref[...], preferred_element_type=jnp.float32) + bs_ref[...]
  lut_ref[...] = jnp.concatenate(
      [lu_ref[...], jnp.zeros((x.shape[0], LW - 1), jnp.float32)], axis=1)


def _node_proj(node_memory, last_update, Wq, bq, Wk, bk, Wv, bv, Ws, bs):
  wspec = pl.BlockSpec((D, HC), lambda i: (0, 0))
  bspec = pl.BlockSpec((1, HC), lambda i: (0, 0))
  return pl.pallas_call(
      _node_proj_body,
      grid=(N // BN,),
      in_specs=[pl.BlockSpec((BN, D), lambda i: (i, 0)),
                pl.BlockSpec((BN, 1), lambda i: (i, 0)),
                wspec, bspec, wspec, bspec, wspec, bspec, wspec, bspec],
      out_specs=[pl.BlockSpec((BN, KVW), lambda i: (i, 0)),
                 pl.BlockSpec((BN, HC), lambda i: (i, 0)),
                 pl.BlockSpec((BN, HC), lambda i: (i, 0)),
                 pl.BlockSpec((BN, LW), lambda i: (i, 0))],
      out_shape=[jax.ShapeDtypeStruct((N, KVW), jnp.float32),
                 jax.ShapeDtypeStruct((N, HC), jnp.float32),
                 jax.ShapeDtypeStruct((N, HC), jnp.float32),
                 jax.ShapeDtypeStruct((N, LW), jnp.float32)],
  )(node_memory, last_update[:, None], Wq, bq[None, :], Wk, bk[None, :],
    Wv, bv[None, :], Ws, bs[None, :])


def _gather_kernel(kv_tab, q_tab, lut_tab, src, dst):
  @functools.partial(
      pl.kernel,
      mesh=_sc_mesh(),
      out_type=(jax.ShapeDtypeStruct((E, KVW), jnp.float32),
                jax.ShapeDtypeStruct((E, HC), jnp.float32),
                jax.ShapeDtypeStruct((E, LW), jnp.float32)),
      scratch_types=[
          pltpu.VMEM((EW,), jnp.int32),
          pltpu.VMEM((EW,), jnp.int32),
          pltpu.VMEM((2, G, KVW), jnp.float32),
          pltpu.VMEM((2, G, HC), jnp.float32),
          pltpu.VMEM((2, G, LW), jnp.float32),
          pltpu.SemaphoreType.DMA((2,)),
          pltpu.SemaphoreType.DMA((2,)),
          pltpu.SemaphoreType.DMA((2,)),
          pltpu.SemaphoreType.DMA((2,)),
          pltpu.SemaphoreType.DMA((2,)),
          pltpu.SemaphoreType.DMA((2,)),
      ],
      compiler_params=pltpu.CompilerParams(use_tc_tiling_on_sc=False),
  )
  def body(kv_hbm, q_hbm, lut_hbm, src_hbm, dst_hbm, kvj_hbm, qi_hbm, luj_hbm,
           src_v, dst_v, kv_v, q_v, lu_v, gkv, gq, glu, wkv, wq, wlu):
    wid = lax.axis_index("s") * NC + lax.axis_index("c")
    base = wid * EW
    pltpu.sync_copy(src_hbm.at[pl.ds(base, EW)], src_v)
    pltpu.sync_copy(dst_hbm.at[pl.ds(base, EW)], dst_v)

    def start_gather(j, b):
      jo = j * G
      pltpu.async_copy(kv_hbm.at[src_v.at[pl.ds(jo, G)]], kv_v.at[b], gkv.at[b])
      pltpu.async_copy(q_hbm.at[dst_v.at[pl.ds(jo, G)]], q_v.at[b], gq.at[b])
      pltpu.async_copy(lut_hbm.at[src_v.at[pl.ds(jo, G)]], lu_v.at[b], glu.at[b])

    def wait_gather(b):
      pltpu.make_async_copy(kv_hbm.at[pl.ds(0, G)], kv_v.at[b], gkv.at[b]).wait()
      pltpu.make_async_copy(q_hbm.at[pl.ds(0, G)], q_v.at[b], gq.at[b]).wait()
      pltpu.make_async_copy(lut_hbm.at[pl.ds(0, G)], lu_v.at[b], glu.at[b]).wait()

    def start_wb(j, b):
      o = base + j * G
      pltpu.async_copy(kv_v.at[b], kvj_hbm.at[pl.ds(o, G)], wkv.at[b])
      pltpu.async_copy(q_v.at[b], qi_hbm.at[pl.ds(o, G)], wq.at[b])
      pltpu.async_copy(lu_v.at[b], luj_hbm.at[pl.ds(o, G)], wlu.at[b])

    def wait_wb(b):
      pltpu.make_async_copy(kv_v.at[b], kvj_hbm.at[pl.ds(0, G)], wkv.at[b]).wait()
      pltpu.make_async_copy(q_v.at[b], qi_hbm.at[pl.ds(0, G)], wq.at[b]).wait()
      pltpu.make_async_copy(lu_v.at[b], luj_hbm.at[pl.ds(0, G)], wlu.at[b]).wait()

    start_gather(0, 0)
    wait_gather(0)
    start_wb(0, 0)
    start_gather(1, 1)

    @pl.loop(0, (NCHUNK - 3) // 2)
    def _(g):
      j = 1 + 2 * g
      for b, dj in ((1, 0), (0, 1)):
        wait_gather(b)
        start_wb(j + dj, b)
        wait_wb(1 - b)
        start_gather(j + dj + 1, 1 - b)

    wait_gather(1)
    start_wb(NCHUNK - 2, 1)
    wait_wb(0)
    start_gather(NCHUNK - 1, 0)
    wait_gather(0)
    start_wb(NCHUNK - 1, 0)
    wait_wb(1)
    wait_wb(0)

  return body(kv_tab, q_tab, lut_tab, src, dst)


def _alpha_e_body(lut_ref, t_ref, msg_ref, wt_ref, bt_ref, wet_ref, wem_ref,
                  be_ref, qi_ref, k_ref, e_ref, alpha_ref, amax_ref):
  rel = jnp.maximum(t_ref[...] - lut_ref[:, :1], 0.0)
  enc = jnp.cos(rel * wt_ref[...] + bt_ref[...])
  e = jnp.dot(enc, wet_ref[...], preferred_element_type=jnp.float32)
  e += jnp.dot(msg_ref[...], wem_ref[...], preferred_element_type=jnp.float32)
  e += be_ref[...]
  e_ref[...] = e
  p = qi_ref[...] * (k_ref[...] + e)
  a0 = jnp.sum(p[:, :C], axis=1, keepdims=True)
  a1 = jnp.sum(p[:, C:], axis=1, keepdims=True)
  alpha = jnp.concatenate([a0, a1], axis=1) * (1.0 / 8.0)
  alpha_ref[...] = alpha
  m = jnp.max(alpha, axis=0, keepdims=True)

  @pl.when(pl.program_id(0) == 0)
  def _():
    amax_ref[...] = m

  @pl.when(pl.program_id(0) > 0)
  def _():
    amax_ref[...] = jnp.maximum(amax_ref[...], m)


def _alpha_e(lut, event_t, event_msg, wt, bt, We, be, qi, kvj):
  return pl.pallas_call(
      _alpha_e_body,
      grid=(E // BE,),
      in_specs=[pl.BlockSpec((BE, LW), lambda i: (i, 0)),
                pl.BlockSpec((BE, 1), lambda i: (i, 0)),
                pl.BlockSpec((BE, MSG), lambda i: (i, 0)),
                pl.BlockSpec((1, TD), lambda i: (0, 0)),
                pl.BlockSpec((1, TD), lambda i: (0, 0)),
                pl.BlockSpec((TD, HC), lambda i: (0, 0)),
                pl.BlockSpec((MSG, HC), lambda i: (0, 0)),
                pl.BlockSpec((1, HC), lambda i: (0, 0)),
                pl.BlockSpec((BE, HC), lambda i: (i, 0)),
                pl.BlockSpec((BE, HC), lambda i: (i, 0))],
      out_specs=[pl.BlockSpec((BE, HC), lambda i: (i, 0)),
                 pl.BlockSpec((BE, H), lambda i: (i, 0)),
                 pl.BlockSpec((1, H), lambda i: (0, 0))],
      out_shape=[jax.ShapeDtypeStruct((E, HC), jnp.float32),
                 jax.ShapeDtypeStruct((E, H), jnp.float32),
                 jax.ShapeDtypeStruct((1, H), jnp.float32)],
  )(lut, event_t[:, None], event_msg, wt[None, :], bt[None, :], We[:TD],
    We[TD:], be[None, :], qi, kvj)


def _wv_body(alpha_ref, amax_ref, v_ref, e_ref, w_ref, ex_ref):
  ex = jnp.exp(alpha_ref[...] - amax_ref[...])
  r = v_ref[...] + e_ref[...]
  w0 = r[:, :C] * ex[:, :1]
  w1 = r[:, C:] * ex[:, 1:2]
  w_ref[...] = jnp.concatenate([w0, w1], axis=1)
  ex_ref[...] = jnp.concatenate(
      [ex, jnp.zeros((ex.shape[0], EXW - H), jnp.float32)], axis=1)


def _wv(alpha, amax, kvj, e_tab):
  return pl.pallas_call(
      _wv_body,
      grid=(E // BE,),
      in_specs=[pl.BlockSpec((BE, H), lambda i: (i, 0)),
                pl.BlockSpec((1, H), lambda i: (0, 0)),
                pl.BlockSpec((BE, HC), lambda i: (i, 1)),
                pl.BlockSpec((BE, HC), lambda i: (i, 0))],
      out_specs=[pl.BlockSpec((BE, HC), lambda i: (i, 0)),
                 pl.BlockSpec((BE, EXW), lambda i: (i, 0))],
      out_shape=[jax.ShapeDtypeStruct((E, HC), jnp.float32),
                 jax.ShapeDtypeStruct((E, EXW), jnp.float32)],
  )(alpha, amax, kvj, e_tab)


def _scatter_kernel(w, ex8, dst, z128, z8):
  @functools.partial(
      pl.kernel,
      mesh=_sc_mesh(),
      out_type=(jax.ShapeDtypeStruct((NC * NPAD, HC), jnp.float32),
                jax.ShapeDtypeStruct((NC * NPAD, EXW), jnp.float32)),
      scratch_types=[
          pltpu.VMEM((EW,), jnp.int32),
          pltpu.VMEM((G, HC), jnp.float32),
          pltpu.VMEM((G, EXW), jnp.float32),
          pltpu.VMEM_SHARED((NPAD, HC), jnp.float32),
          pltpu.VMEM_SHARED((NPAD, EXW), jnp.float32),
      ],
      compiler_params=pltpu.CompilerParams(use_tc_tiling_on_sc=False),
  )
  def body(w_hbm, ex_hbm, dst_hbm, z128_hbm, z8_hbm, nump_hbm, denp_hbm,
           dst_v, w_v, ex_v, acc_sh, den_sh):
    cid = lax.axis_index("c")
    sid = lax.axis_index("s")
    wid = sid * NC + cid
    base = wid * EW
    rbase = sid * ROWS_PER_TILE

    pltpu.sync_copy(dst_hbm.at[pl.ds(base, EW)], dst_v)

    pltpu.sync_copy(z128_hbm.at[pl.ds(rbase, ROWS_PER_TILE)],
                    acc_sh.at[pl.ds(rbase, ROWS_PER_TILE)])
    pltpu.sync_copy(z8_hbm.at[pl.ds(rbase, ROWS_PER_TILE)],
                    den_sh.at[pl.ds(rbase, ROWS_PER_TILE)])

    plsc.subcore_barrier()

    @pl.loop(0, NCHUNK)
    def _(j):
      o = base + j * G
      pltpu.sync_copy(w_hbm.at[pl.ds(o, G)], w_v)
      pltpu.sync_copy(ex_hbm.at[pl.ds(o, G)], ex_v)
      pltpu.sync_copy(w_v, acc_sh.at[dst_v.at[pl.ds(j * G, G)]], add=True)
      pltpu.sync_copy(ex_v, den_sh.at[dst_v.at[pl.ds(j * G, G)]], add=True)

    plsc.subcore_barrier()

    obase = cid * NPAD + rbase
    pltpu.sync_copy(acc_sh.at[pl.ds(rbase, ROWS_PER_TILE)],
                    nump_hbm.at[pl.ds(obase, ROWS_PER_TILE)])
    pltpu.sync_copy(den_sh.at[pl.ds(rbase, ROWS_PER_TILE)],
                    denp_hbm.at[pl.ds(obase, ROWS_PER_TILE)])

  return body(w, ex8, dst, z128, z8)


def _final_body(nump_ref, denp_ref, skip_ref, out_ref):
  num = nump_ref[0] + nump_ref[1]
  den = denp_ref[0, :, :H] + denp_ref[1, :, :H]
  d0 = jnp.broadcast_to(den[:, :1], (num.shape[0], C))
  d1 = jnp.broadcast_to(den[:, 1:2], (num.shape[0], C))
  dfull = jnp.concatenate([d0, d1], axis=1)
  out_ref[...] = num / (dfull + 1e-30) + skip_ref[...]


def _finalize(nump, denp, skip):
  return pl.pallas_call(
      _final_body,
      grid=(N // BN,),
      in_specs=[pl.BlockSpec((NC, BN, HC), lambda i: (0, i, 0)),
                pl.BlockSpec((NC, BN, EXW), lambda i: (0, i, 0)),
                pl.BlockSpec((BN, HC), lambda i: (i, 0))],
      out_specs=pl.BlockSpec((BN, HC), lambda i: (i, 0)),
      out_shape=jax.ShapeDtypeStruct((N, HC), jnp.float32),
  )(nump, denp, skip)


def kernel(node_memory, last_update, edge_index, event_t, event_msg,
           wt, bt, Wq, bq, Wk, bk, Wv, bv, We, be, Ws, bs):
  src = edge_index[0]
  dst = edge_index[1]
  kv_tab, q_tab, skip, lut_tab = _node_proj(node_memory, last_update,
                                            Wq, bq, Wk, bk, Wv, bv, Ws, bs)
  kvj, qi, luj = _gather_kernel(kv_tab, q_tab, lut_tab, src, dst)
  e_tab, alpha, amax = _alpha_e(luj, event_t, event_msg, wt, bt, We, be,
                                qi, kvj)
  w, ex8 = _wv(alpha, amax, kvj, e_tab)
  z128 = jnp.zeros((NPAD, HC), jnp.float32)
  z8 = jnp.zeros((NPAD, EXW), jnp.float32)
  nump, denp = _scatter_kernel(w, ex8, dst, z128, z8)
  nump = nump.reshape(NC, NPAD, HC)
  denp = denp.reshape(NC, NPAD, EXW)
  return _finalize(nump, denp, skip)

# --- scband reference (transcript-rebuilt; emitter-appended) ---
"""Pipeline reference for scband-window-temporal-embedding-67216238183278 (READ-ONLY COPY).

The authoritative reference and input builder live on the scoring server;
editing this copy changes nothing except your own understanding.
"""

import jax, jax.numpy as jnp
import numpy as np

N = 10000
E = 320000
D = 128      # memory_dim (in_channels)
H = 2        # heads
C = 64       # out_dim // 2 (per-head channels)
TD = 32      # time encoder out_channels
MSG = 16     # raw_msg_dim
ED = MSG + TD  # edge_dim = 48


def setup_inputs(seed: int = 0) -> dict:
    key = jax.random.key(seed)
    ks = jax.random.split(key, 18)
    node_memory = jax.random.normal(ks[0], (N, D), dtype=jnp.float32)
    last_update = jax.random.uniform(ks[1], (N,), dtype=jnp.float32)
    edge_index = jax.random.randint(ks[2], (2, E), 0, N, dtype=jnp.int32)
    event_t = jax.random.uniform(ks[3], (E,), dtype=jnp.float32) * 2.0
    event_msg = jax.random.normal(ks[4], (E, MSG), dtype=jnp.float32)
    def lin(k, fan_in, shape):
        return jax.random.normal(k, shape, dtype=jnp.float32) / np.sqrt(fan_in)
    # TimeEncoder: cos(Linear(1 -> TD))
    wt = lin(ks[5], 1, (TD,))
    bt = jnp.zeros((TD,), jnp.float32)
    # TransformerConv params (stored as [in, out] for x @ W + b)
    Wq = lin(ks[6], D, (D, H * C)); bq = jnp.zeros((H * C,), jnp.float32)
    Wk = lin(ks[7], D, (D, H * C)); bk = jnp.zeros((H * C,), jnp.float32)
    Wv = lin(ks[8], D, (D, H * C)); bv = jnp.zeros((H * C,), jnp.float32)
    We = lin(ks[9], ED, (ED, H * C)); be = jnp.zeros((H * C,), jnp.float32)
    Ws = lin(ks[10], D, (D, H * C)); bs = jnp.zeros((H * C,), jnp.float32)  # root/skip lin
    return {"node_memory": node_memory, "last_update": last_update,
            "edge_index": edge_index, "event_t": event_t, "event_msg": event_msg,
            "wt": wt, "bt": bt, "Wq": Wq, "bq": bq, "Wk": Wk, "bk": bk,
            "Wv": Wv, "bv": bv, "We": We, "be": be, "Ws": Ws, "bs": bs}


def reference(node_memory, last_update, edge_index, event_t, event_msg,
              wt, bt, Wq, bq, Wk, bk, Wv, bv, We, be, Ws, bs):
    src = edge_index[0]
    dst = edge_index[1]
    # relative time + time encoding (TGN TimeEncoder: cos of linear)
    rel_t = event_t - jnp.take(last_update, src, axis=0).astype(jnp.float32)
    rel_t = jnp.clip(rel_t, 0.0, None)
    rel_t_enc = jnp.cos(rel_t[:, None] * wt[None, :] + bt[None, :])
    edge_attr = jnp.concatenate([rel_t_enc, event_msg.astype(node_memory.dtype)], axis=-1)
    # TransformerConv(in=D, out=C, heads=H, edge_dim=ED), eval mode (dropout off)
    q = (node_memory @ Wq + bq).reshape(N, H, C)
    k = (node_memory @ Wk + bk).reshape(N, H, C)
    v = (node_memory @ Wv + bv).reshape(N, H, C)
    e = (edge_attr @ We + be).reshape(E, H, C)
    q_i = jnp.take(q, dst, axis=0)
    k_j = jnp.take(k, src, axis=0) + e
    v_j = jnp.take(v, src, axis=0) + e
    alpha = jnp.sum(q_i * k_j, axis=-1) / jnp.sqrt(jnp.float32(C))  # [E, H]
    amax = jax.ops.segment_max(alpha, dst, num_segments=N)
    amax = jnp.where(jnp.isfinite(amax), amax, 0.0)
    ex = jnp.exp(alpha - jnp.take(amax, dst, axis=0))
    denom = jax.ops.segment_sum(ex, dst, num_segments=N)
    attn = ex / (jnp.take(denom, dst, axis=0) + 1e-16)  # segment softmax over incoming edges
    out = jax.ops.segment_sum(attn[:, :, None] * v_j, dst, num_segments=N)  # [N, H, C]
    out = out.reshape(N, H * C)
    out = out + node_memory @ Ws + bs  # root_weight skip (concat=True)
    return out

if __name__ == "__main__":
    import jax
    _d = setup_inputs()
    print(jax.jit(kernel)(*tuple(_d.values())))

</pallas_src>

<mosaic_0001>
#map = affine_map<(d0, d1) -> (0, 0)>
#map1 = affine_map<(d0, d1) -> (0)>
module attributes {stable_mosaic.version = 14 : i64} {
  func.func @body(%arg0: i32, %arg1: i32, %arg2: memref<320000x128xf32, #tpu.memory_space<hbm>>, %arg3: memref<320000x8xf32, #tpu.memory_space<hbm>>, %arg4: memref<320000xi32, #tpu.memory_space<hbm>>, %arg5: memref<10240x128xf32, #tpu.memory_space<hbm>>, %arg6: memref<10240x8xf32, #tpu.memory_space<hbm>>, %arg7: memref<20480x128xf32, #tpu.memory_space<hbm>>, %arg8: memref<20480x8xf32, #tpu.memory_space<hbm>>, %arg9: memref<10000xi32, #tpu.memory_space<vmem>>, %arg10: memref<80x128xf32, #tpu.memory_space<vmem>>, %arg11: memref<80x8xf32, #tpu.memory_space<vmem>>, %arg12: memref<10240x128xf32, #tpu.memory_space<vmem_shared>>, %arg13: memref<10240x8xf32, #tpu.memory_space<vmem_shared>>) attributes {dimension_semantics = [#tpu.dimension_semantics<core_parallel>, #tpu.dimension_semantics<subcore_parallel>], iteration_bounds = array<i64: 2, 16>, scalar_prefetch = 0 : i64, scratch_operands = 5 : i64, tpu.core_type = #tpu.core_type<sc_vector_subcore>, window_params = [{transform_indices = #map}, {transform_indices = #map}, {transform_indices = #map1}, {transform_indices = #map}, {transform_indices = #map}, {transform_indices = #map}, {transform_indices = #map}]} {
    %mul3A = arith.constant 2 : i32
    %mul3A_0 = arith.muli %arg1, %mul3A : i32
    %add3A = arith.addi %mul3A_0, %arg0 : i32
    %mul3A_1 = arith.constant 10000 : i32
    %mul3A_2 = arith.muli %add3A, %mul3A_1 : i32
    %mul3A_3 = arith.constant 640 : i32
    %mul3A_4 = arith.muli %arg1, %mul3A_3 : i32
    "tpu.region"() ({
      %run_scoped3A = tpu.sem_alloc : memref<!tpu.dma_semaphore, #tpu.memory_space<semaphore_mem>>
      %dma_start3A = tpu.memref_slice %arg4[%mul3A_2] : memref<320000xi32, #tpu.memory_space<hbm>> -> memref<10000xi32, #tpu.memory_space<hbm>>
      %dma_start3A_13 = tpu.memref_slice %arg4[%mul3A_2] : memref<320000xi32, #tpu.memory_space<hbm>> -> memref<10000xi32, #tpu.memory_space<hbm>>
      tpu.enqueue_dma source(%dma_start3A_13 : memref<10000xi32, #tpu.memory_space<hbm>>) target(%arg9 : memref<10000xi32, #tpu.memory_space<vmem>>) target_semaphore(%run_scoped3A : memref<!tpu.dma_semaphore, #tpu.memory_space<semaphore_mem>>)
      %dma_wait3A = tpu.memref_slice %arg4[%mul3A_2] : memref<320000xi32, #tpu.memory_space<hbm>> -> memref<10000xi32, #tpu.memory_space<hbm>>
      %dma_wait3A_14 = tpu.memref_slice %arg4[%mul3A_2] : memref<320000xi32, #tpu.memory_space<hbm>> -> memref<10000xi32, #tpu.memory_space<hbm>>
      tpu.wait_dma2 semaphore(%run_scoped3A : memref<!tpu.dma_semaphore, #tpu.memory_space<semaphore_mem>>) src(%dma_wait3A_14 : memref<10000xi32, #tpu.memory_space<hbm>>) dst(%arg9 : memref<10000xi32, #tpu.memory_space<vmem>>)
      tpu.yield
    }) : () -> ()
    "tpu.region"() ({
      %run_scoped3A = tpu.sem_alloc : memref<!tpu.dma_semaphore, #tpu.memory_space<semaphore_mem>>
      %dma_start3A = arith.constant 0 : i32
      %dma_start3A_13 = tpu.memref_slice %arg12[%mul3A_4, %dma_start3A] : memref<10240x128xf32, #tpu.memory_space<vmem_shared>> -> memref<640x128xf32, #tpu.memory_space<vmem_shared>>
      %dma_start3A_14 = arith.constant 0 : i32
      %dma_start3A_15 = tpu.memref_slice %arg5[%mul3A_4, %dma_start3A_14] : memref<10240x128xf32, #tpu.memory_space<hbm>> -> memref<640x128xf32, #tpu.memory_space<hbm>>
      tpu.enqueue_dma source(%dma_start3A_15 : memref<640x128xf32, #tpu.memory_space<hbm>>) target(%dma_start3A_13 : memref<640x128xf32, #tpu.memory_space<vmem_shared>>) target_semaphore(%run_scoped3A : memref<!tpu.dma_semaphore, #tpu.memory_space<semaphore_mem>>)
      %dma_wait3A = arith.constant 0 : i32
      %dma_wait3A_16 = tpu.memref_slice %arg12[%mul3A_4, %dma_wait3A] : memref<10240x128xf32, #tpu.memory_space<vmem_shared>> -> memref<640x128xf32, #tpu.memory_space<vmem_shared>>
      %dma_wait3A_17 = arith.constant 0 : i32
      %dma_wait3A_18 = tpu.memref_slice %arg5[%mul3A_4, %dma_wait3A_17] : memref<10240x128xf32, #tpu.memory_space<hbm>> -> memref<640x128xf32, #tpu.memory_space<hbm>>
      tpu.wait_dma2 semaphore(%run_scoped3A : memref<!tpu.dma_semaphore, #tpu.memory_space<semaphore_mem>>) src(%dma_wait3A_18 : memref<640x128xf32, #tpu.memory_space<hbm>>) dst(%dma_wait3A_16 : memref<640x128xf32, #tpu.memory_space<vmem_shared>>)
      tpu.yield
    }) : () -> ()
    "tpu.region"() ({
      %run_scoped3A = tpu.sem_alloc : memref<!tpu.dma_semaphore, #tpu.memory_space<semaphore_mem>>
      %dma_start3A = arith.constant 0 : i32
      %dma_start3A_13 = tpu.memref_slice %arg13[%mul3A_4, %dma_start3A] : memref<10240x8xf32, #tpu.memory_space<vmem_shared>> -> memref<640x8xf32, #tpu.memory_space<vmem_shared>>
      %dma_start3A_14 = arith.constant 0 : i32
      %dma_start3A_15 = tpu.memref_slice %arg6[%mul3A_4, %dma_start3A_14] : memref<10240x8xf32, #tpu.memory_space<hbm>> -> memref<640x8xf32, #tpu.memory_space<hbm>>
      tpu.enqueue_dma source(%dma_start3A_15 : memref<640x8xf32, #tpu.memory_space<hbm>>) target(%dma_start3A_13 : memref<640x8xf32, #tpu.memory_space<vmem_shared>>) target_semaphore(%run_scoped3A : memref<!tpu.dma_semaphore, #tpu.memory_space<semaphore_mem>>)
      %dma_wait3A = arith.constant 0 : i32
      %dma_wait3A_16 = tpu.memref_slice %arg13[%mul3A_4, %dma_wait3A] : memref<10240x8xf32, #tpu.memory_space<vmem_shared>> -> memref<640x8xf32, #tpu.memory_space<vmem_shared>>
      %dma_wait3A_17 = arith.constant 0 : i32
      %dma_wait3A_18 = tpu.memref_slice %arg6[%mul3A_4, %dma_wait3A_17] : memref<10240x8xf32, #tpu.memory_space<hbm>> -> memref<640x8xf32, #tpu.memory_space<hbm>>
      tpu.wait_dma2 semaphore(%run_scoped3A : memref<!tpu.dma_semaphore, #tpu.memory_space<semaphore_mem>>) src(%dma_wait3A_18 : memref<640x8xf32, #tpu.memory_space<hbm>>) dst(%dma_wait3A_16 : memref<640x8xf32, #tpu.memory_space<vmem_shared>>)
      tpu.yield
    }) : () -> ()
    %barrier3A = arith.constant 0 : index
    tpu.barrier barrier_id(%barrier3A)
    %scan3A = arith.constant 0 : i32
    %scan3A_5 = arith.constant 125 : i32
    %scan3A_6 = arith.addi %scan3A, %scan3A_5 : i32
    %scan3A_7 = arith.constant 1 : i32
    scf.for %scan3A_13 = %scan3A to %scan3A_6 step %scan3A_7  : i32 {
      %mul3A_14 = arith.constant 1 : i32
      %mul3A_15 = arith.muli %scan3A_13, %mul3A_14 : i32
      %add3A_16 = arith.constant 0 : i32
      %add3A_17 = arith.addi %add3A_16, %mul3A_15 : i32
      %mul3A_18 = arith.constant 80 : i32
      %mul3A_19 = arith.muli %add3A_17, %mul3A_18 : i32
      %add3A_20 = arith.addi %mul3A_2, %mul3A_19 : i32
      "tpu.region"() ({
        %run_scoped3A = tpu.sem_alloc : memref<!tpu.dma_semaphore, #tpu.memory_space<semaphore_mem>>
        %dma_start3A = arith.constant 0 : i32
        %dma_start3A_25 = tpu.memref_slice %arg2[%add3A_20, %dma_start3A] : memref<320000x128xf32, #tpu.memory_space<hbm>> -> memref<80x128xf32, #tpu.memory_space<hbm>>
        %dma_start3A_26 = arith.constant 0 : i32
        %dma_start3A_27 = tpu.memref_slice %arg2[%add3A_20, %dma_start3A_26] : memref<320000x128xf32, #tpu.memory_space<hbm>> -> memref<80x128xf32, #tpu.memory_space<hbm>>
        tpu.enqueue_dma source(%dma_start3A_27 : memref<80x128xf32, #tpu.memory_space<hbm>>) target(%arg10 : memref<80x128xf32, #tpu.memory_space<vmem>>) target_semaphore(%run_scoped3A : memref<!tpu.dma_semaphore, #tpu.memory_space<semaphore_mem>>)
        %dma_wait3A = arith.constant 0 : i32
        %dma_wait3A_28 = tpu.memref_slice %arg2[%add3A_20, %dma_wait3A] : memref<320000x128xf32, #tpu.memory_space<hbm>> -> memref<80x128xf32, #tpu.memory_space<hbm>>
        %dma_wait3A_29 = arith.constant 0 : i32
        %dma_wait3A_30 = tpu.memref_slice %arg2[%add3A_20, %dma_wait3A_29] : memref<320000x128xf32, #tpu.memory_space<hbm>> -> memref<80x128xf32, #tpu.memory_space<hbm>>
        tpu.wait_dma2 semaphore(%run_scoped3A : memref<!tpu.dma_semaphore, #tpu.memory_space<semaphore_mem>>) src(%dma_wait3A_30 : memref<80x128xf32, #tpu.memory_space<hbm>>) dst(%arg10 : memref<80x128xf32, #tpu.memory_space<vmem>>)
        tpu.yield
      }) : () -> ()
      "tpu.region"() ({
        %run_scoped3A = tpu.sem_alloc : memref<!tpu.dma_semaphore, #tpu.memory_space<semaphore_mem>>
        %dma_start3A = arith.constant 0 : i32
        %dma_start3A_25 = tpu.memref_slice %arg3[%add3A_20, %dma_start3A] : memref<320000x8xf32, #tpu.memory_space<hbm>> -> memref<80x8xf32, #tpu.memory_space<hbm>>
        %dma_start3A_26 = arith.constant 0 : i32
        %dma_start3A_27 = tpu.memref_slice %arg3[%add3A_20, %dma_start3A_26] : memref<320000x8xf32, #tpu.memory_space<hbm>> -> memref<80x8xf32, #tpu.memory_space<hbm>>
        tpu.enqueue_dma source(%dma_start3A_27 : memref<80x8xf32, #tpu.memory_space<hbm>>) target(%arg11 : memref<80x8xf32, #tpu.memory_space<vmem>>) target_semaphore(%run_scoped3A : memref<!tpu.dma_semaphore, #tpu.memory_space<semaphore_mem>>)
        %dma_wait3A = arith.constant 0 : i32
        %dma_wait3A_28 = tpu.memref_slice %arg3[%add3A_20, %dma_wait3A] : memref<320000x8xf32, #tpu.memory_space<hbm>> -> memref<80x8xf32, #tpu.memory_space<hbm>>
        %dma_wait3A_29 = arith.constant 0 : i32
        %dma_wait3A_30 = tpu.memref_slice %arg3[%add3A_20, %dma_wait3A_29] : memref<320000x8xf32, #tpu.memory_space<hbm>> -> memref<80x8xf32, #tpu.memory_space<hbm>>
        tpu.wait_dma2 semaphore(%run_scoped3A : memref<!tpu.dma_semaphore, #tpu.memory_space<semaphore_mem>>) src(%dma_wait3A_30 : memref<80x8xf32, #tpu.memory_space<hbm>>) dst(%arg11 : memref<80x8xf32, #tpu.memory_space<vmem>>)
        tpu.yield
      }) : () -> ()
      %mul3A_21 = arith.constant 80 : i32
      %mul3A_22 = arith.muli %add3A_17, %mul3A_21 : i32
      "tpu.region"() ({
        %run_scoped3A = tpu.sem_alloc : memref<!tpu.dma_semaphore, #tpu.memory_space<semaphore_mem>>
        %dma_start3A = tpu.memref_slice %arg9[%mul3A_22] : memref<10000xi32, #tpu.memory_space<vmem>> -> memref<80xi32, #tpu.memory_space<vmem>>
        %dma_start3A_25 = arith.constant 0 : i32
        %dma_start3A_26 = arith.constant 0 : i32
        %dma_start3A_27 = tpu.memref_slice %arg12[%dma_start3A_25, %dma_start3A_26] : memref<10240x128xf32, #tpu.memory_space<vmem_shared>> -> memref<10240x128xf32, #tpu.memory_space<vmem_shared>>
        tpu.enqueue_indirect_dma source(%arg10 : memref<80x128xf32, #tpu.memory_space<vmem>>) target(%dma_start3A_27 : memref<10240x128xf32, #tpu.memory_space<vmem_shared>>) offsets(%dma_start3A : memref<80xi32, #tpu.memory_space<vmem>>) semaphore(%run_scoped3A : memref<!tpu.dma_semaphore, #tpu.memory_space<semaphore_mem>>) {add = true}
        %dma_wait3A = tpu.memref_slice %arg9[%mul3A_22] : memref<10000xi32, #tpu.memory_space<vmem>> -> memref<80xi32, #tpu.memory_space<vmem>>
        %dma_wait3A_28 = arith.constant 0 : i32
        %dma_wait3A_29 = arith.constant 0 : i32
        %dma_wait3A_30 = tpu.memref_slice %arg12[%dma_wait3A_28, %dma_wait3A_29] : memref<10240x128xf32, #tpu.memory_space<vmem_shared>> -> memref<10240x128xf32, #tpu.memory_space<vmem_shared>>
        tpu.wait_indirect_dma semaphore(%run_scoped3A : memref<!tpu.dma_semaphore, #tpu.memory_space<semaphore_mem>>) src(%arg10 : memref<80x128xf32, #tpu.memory_space<vmem>>) dst(%dma_wait3A_30 : memref<10240x128xf32, #tpu.memory_space<vmem_shared>>)
        tpu.yield
      }) : () -> ()
      %mul3A_23 = arith.constant 80 : i32
      %mul3A_24 = arith.muli %add3A_17, %mul3A_23 : i32
      "tpu.region"() ({
        %run_scoped3A = tpu.sem_alloc : memref<!tpu.dma_semaphore, #tpu.memory_space<semaphore_mem>>
        %dma_start3A = tpu.memref_slice %arg9[%mul3A_24] : memref<10000xi32, #tpu.memory_space<vmem>> -> memref<80xi32, #tpu.memory_space<vmem>>
        %dma_start3A_25 = arith.constant 0 : i32
        %dma_start3A_26 = arith.constant 0 : i32
        %dma_start3A_27 = tpu.memref_slice %arg13[%dma_start3A_25, %dma_start3A_26] : memref<10240x8xf32, #tpu.memory_space<vmem_shared>> -> memref<10240x8xf32, #tpu.memory_space<vmem_shared>>
        tpu.enqueue_indirect_dma source(%arg11 : memref<80x8xf32, #tpu.memory_space<vmem>>) target(%dma_start3A_27 : memref<10240x8xf32, #tpu.memory_space<vmem_shared>>) offsets(%dma_start3A : memref<80xi32, #tpu.memory_space<vmem>>) semaphore(%run_scoped3A : memref<!tpu.dma_semaphore, #tpu.memory_space<semaphore_mem>>) {add = true}
        %dma_wait3A = tpu.memref_slice %arg9[%mul3A_24] : memref<10000xi32, #tpu.memory_space<vmem>> -> memref<80xi32, #tpu.memory_space<vmem>>
        %dma_wait3A_28 = arith.constant 0 : i32
        %dma_wait3A_29 = arith.constant 0 : i32
        %dma_wait3A_30 = tpu.memref_slice %arg13[%dma_wait3A_28, %dma_wait3A_29] : memref<10240x8xf32, #tpu.memory_space<vmem_shared>> -> memref<10240x8xf32, #tpu.memory_space<vmem_shared>>
        tpu.wait_indirect_dma semaphore(%run_scoped3A : memref<!tpu.dma_semaphore, #tpu.memory_space<semaphore_mem>>) src(%arg11 : memref<80x8xf32, #tpu.memory_space<vmem>>) dst(%dma_wait3A_30 : memref<10240x8xf32, #tpu.memory_space<vmem_shared>>)
        tpu.yield
      }) : () -> ()
    }
    %scan3A_8 = arith.constant 125 : i32
    %barrier3A_9 = arith.constant 0 : index
    tpu.barrier barrier_id(%barrier3A_9)
    %mul3A_10 = arith.constant 10240 : i32
    %mul3A_11 = arith.muli %arg0, %mul3A_10 : i32
    %add3A_12 = arith.addi %mul3A_11, %mul3A_4 : i32
    "tpu.region"() ({
      %run_scoped3A = tpu.sem_alloc : memref<!tpu.dma_semaphore, #tpu.memory_space<semaphore_mem>>
      %dma_start3A = arith.constant 0 : i32
      %dma_start3A_13 = tpu.memref_slice %arg7[%add3A_12, %dma_start3A] : memref<20480x128xf32, #tpu.memory_space<hbm>> -> memref<640x128xf32, #tpu.memory_space<hbm>>
      %dma_start3A_14 = arith.constant 0 : i32
      %dma_start3A_15 = tpu.memref_slice %arg12[%mul3A_4, %dma_start3A_14] : memref<10240x128xf32, #tpu.memory_space<vmem_shared>> -> memref<640x128xf32, #tpu.memory_space<vmem_shared>>
      tpu.enqueue_dma source(%dma_start3A_15 : memref<640x128xf32, #tpu.memory_space<vmem_shared>>) target(%dma_start3A_13 : memref<640x128xf32, #tpu.memory_space<hbm>>) target_semaphore(%run_scoped3A : memref<!tpu.dma_semaphore, #tpu.memory_space<semaphore_mem>>)
      %dma_wait3A = arith.constant 0 : i32
      %dma_wait3A_16 = tpu.memref_slice %arg7[%add3A_12, %dma_wait3A] : memref<20480x128xf32, #tpu.memory_space<hbm>> -> memref<640x128xf32, #tpu.memory_space<hbm>>
      %dma_wait3A_17 = arith.constant 0 : i32
      %dma_wait3A_18 = tpu.memref_slice %arg12[%mul3A_4, %dma_wait3A_17] : memref<10240x128xf32, #tpu.memory_space<vmem_shared>> -> memref<640x128xf32, #tpu.memory_space<vmem_shared>>
      tpu.wait_dma2 semaphore(%run_scoped3A : memref<!tpu.dma_semaphore, #tpu.memory_space<semaphore_mem>>) src(%dma_wait3A_18 : memref<640x128xf32, #tpu.memory_space<vmem_shared>>) dst(%dma_wait3A_16 : memref<640x128xf32, #tpu.memory_space<hbm>>)
      tpu.yield
    }) : () -> ()
    "tpu.region"() ({
      %run_scoped3A = tpu.sem_alloc : memref<!tpu.dma_semaphore, #tpu.memory_space<semaphore_mem>>
      %dma_start3A = arith.constant 0 : i32
      %dma_start3A_13 = tpu.memref_slice %arg8[%add3A_12, %dma_start3A] : memref<20480x8xf32, #tpu.memory_space<hbm>> -> memref<640x8xf32, #tpu.memory_space<hbm>>
      %dma_start3A_14 = arith.constant 0 : i32
      %dma_start3A_15 = tpu.memref_slice %arg13[%mul3A_4, %dma_start3A_14] : memref<10240x8xf32, #tpu.memory_space<vmem_shared>> -> memref<640x8xf32, #tpu.memory_space<vmem_shared>>
      tpu.enqueue_dma source(%dma_start3A_15 : memref<640x8xf32, #tpu.memory_space<vmem_shared>>) target(%dma_start3A_13 : memref<640x8xf32, #tpu.memory_space<hbm>>) target_semaphore(%run_scoped3A : memref<!tpu.dma_semaphore, #tpu.memory_space<semaphore_mem>>)
      %dma_wait3A = arith.constant 0 : i32
      %dma_wait3A_16 = tpu.memref_slice %arg8[%add3A_12, %dma_wait3A] : memref<20480x8xf32, #tpu.memory_space<hbm>> -> memref<640x8xf32, #tpu.memory_space<hbm>>
      %dma_wait3A_17 = arith.constant 0 : i32
      %dma_wait3A_18 = tpu.memref_slice %arg13[%mul3A_4, %dma_wait3A_17] : memref<10240x8xf32, #tpu.memory_space<vmem_shared>> -> memref<640x8xf32, #tpu.memory_space<vmem_shared>>
      tpu.wait_dma2 semaphore(%run_scoped3A : memref<!tpu.dma_semaphore, #tpu.memory_space<semaphore_mem>>) src(%dma_wait3A_18 : memref<640x8xf32, #tpu.memory_space<vmem_shared>>) dst(%dma_wait3A_16 : memref<640x8xf32, #tpu.memory_space<hbm>>)
      tpu.yield
    }) : () -> ()
    return
  }
}

#map = affine_map<(d0, d1) -> (0, 0)>
#map1 = affine_map<(d0, d1) -> (0)>
module attributes {stable_mosaic.version = 14 : i64} {
  func.func @body(%arg0: i32, %arg1: i32, %arg2: memref<10000x256xf32, #tpu.memory_space<hbm>>, %arg3: memref<10000x128xf32, #tpu.memory_space<hbm>>, %arg4: memref<10000x16xf32, #tpu.memory_space<hbm>>, %arg5: memref<320000xi32, #tpu.memory_space<hbm>>, %arg6: memref<320000xi32, #tpu.memory_space<hbm>>, %arg7: memref<320000x256xf32, #tpu.memory_space<hbm>>, %arg8: memref<320000x128xf32, #tpu.memory_space<hbm>>, %arg9: memref<320000x16xf32, #tpu.memory_space<hbm>>, %arg10: memref<10000xi32, #tpu.memory_space<vmem>>, %arg11: memref<10000xi32, #tpu.memory_space<vmem>>, %arg12: memref<2x80x256xf32, #tpu.memory_space<vmem>>, %arg13: memref<2x80x128xf32, #tpu.memory_space<vmem>>, %arg14: memref<2x80x16xf32, #tpu.memory_space<vmem>>, %arg15: memref<2x!tpu.dma_semaphore, #tpu.memory_space<semaphore_mem>>, %arg16: memref<2x!tpu.dma_semaphore, #tpu.memory_space<semaphore_mem>>, %arg17: memref<2x!tpu.dma_semaphore, #tpu.memory_space<semaphore_mem>>, %arg18: memref<2x!tpu.dma_semaphore, #tpu.memory_space<semaphore_mem>>, %arg19: memref<2x!tpu.dma_semaphore, #tpu.memory_space<semaphore_mem>>, %arg20: memref<2x!tpu.dma_semaphore, #tpu.memory_space<semaphore_mem>>) attributes {dimension_semantics = [#tpu.dimension_semantics<core_parallel>, #tpu.dimension_semantics<subcore_parallel>], iteration_bounds = array<i64: 2, 16>, scalar_prefetch = 0 : i64, scratch_operands = 11 : i64, tpu.core_type = #tpu.core_type<sc_vector_subcore>, window_params = [{transform_indices = #map}, {transform_indices = #map}, {transform_indices = #map}, {transform_indices = #map1}, {transform_indices = #map1}, {transform_indices = #map}, {transform_indices = #map}, {transform_indices = #map}]} {
    %mul3A = arith.constant 2 : i32
    %mul3A_0 = arith.muli %arg1, %mul3A : i32
    %add3A = arith.addi %mul3A_0, %arg0 : i32
    %mul3A_1 = arith.constant 10000 : i32
    %mul3A_2 = arith.muli %add3A, %mul3A_1 : i32
    "tpu.region"() ({
      %run_scoped3A = tpu.sem_alloc : memref<!tpu.dma_semaphore, #tpu.memory_space<semaphore_mem>>
      %dma_start3A_596 = tpu.memref_slice %arg5[%mul3A_2] : memref<320000xi32, #tpu.memory_space<hbm>> -> memref<10000xi32, #tpu.memory_space<hbm>>
      %dma_start3A_597 = tpu.memref_slice %arg5[%mul3A_2] : memref<320000xi32, #tpu.memory_space<hbm>> -> memref<10000xi32, #tpu.memory_space<hbm>>
      tpu.enqueue_dma source(%dma_start3A_597 : memref<10000xi32, #tpu.memory_space<hbm>>) target(%arg10 : memref<10000xi32, #tpu.memory_space<vmem>>) target_semaphore(%run_scoped3A : memref<!tpu.dma_semaphore, #tpu.memory_space<semaphore_mem>>)
      %dma_wait3A_598 = tpu.memref_slice %arg5[%mul3A_2] : memref<320000xi32, #tpu.memory_space<hbm>> -> memref<10000xi32, #tpu.memory_space<hbm>>
      %dma_wait3A_599 = tpu.memref_slice %arg5[%mul3A_2] : memref<320000xi32, #tpu.memory_space<hbm>> -> memref<10000xi32, #tpu.memory_space<hbm>>
      tpu.wait_dma2 semaphore(%run_scoped3A : memref<!tpu.dma_semaphore, #tpu.memory_space<semaphore_mem>>) src(%dma_wait3A_599 : memref<10000xi32, #tpu.memory_space<hbm>>) dst(%arg10 : memref<10000xi32, #tpu.memory_space<vmem>>)
      tpu.yield
    }) : () -> ()
    "tpu.region"() ({
      %run_scoped3A = tpu.sem_alloc : memref<!tpu.dma_semaphore, #tpu.memory_space<semaphore_mem>>
      %dma_start3A_596 = tpu.memref_slice %arg6[%mul3A_2] : memref<320000xi32, #tpu.memory_space<hbm>> -> memref<10000xi32, #tpu.memory_space<hbm>>
      %dma_start3A_597 = tpu.memref_slice %arg6[%mul3A_2] : memref<320000xi32, #tpu.memory_space<hbm>> -> memref<10000xi32, #tpu.memory_space<hbm>>
      tpu.enqueue_dma source(%dma_start3A_597 : memref<10000xi32, #tpu.memory_space<hbm>>) target(%arg11 : memref<10000xi32, #tpu.memory_space<vmem>>) target_semaphore(%run_scoped3A : memref<!tpu.dma_semaphore, #tpu.memory_space<semaphore_mem>>)
      %dma_wait3A_598 = tpu.memref_slice %arg6[%mul3A_2] : memref<320000xi32, #tpu.memory_space<hbm>> -> memref<10000xi32, #tpu.memory_space<hbm>>
      %dma_wait3A_599 = tpu.memref_slice %arg6[%mul3A_2] : memref<320000xi32, #tpu.memory_space<hbm>> -> memref<10000xi32, #tpu.memory_space<hbm>>
      tpu.wait_dma2 semaphore(%run_scoped3A : memref<!tpu.dma_semaphore, #tpu.memory_space<semaphore_mem>>) src(%dma_wait3A_599 : memref<10000xi32, #tpu.memory_space<hbm>>) dst(%arg11 : memref<10000xi32, #tpu.memory_space<vmem>>)
      tpu.yield
    }) : () -> ()
    %dma_start3A = arith.constant 0 : i32
    %dma_start3A_3 = arith.constant 0 : i32
    %dma_start3A_4 = arith.constant 0 : i32
    %dma_start3A_5 = arith.constant 0 : i32
    %dma_start3A_6 = tpu.memref_slice %arg12[%dma_start3A, %dma_start3A_4, %dma_start3A_5] : memref<2x80x256xf32, #tpu.memory_space<vmem>> -> memref<1x80x256xf32, #tpu.memory_space<vmem>>
    %dma_start3A_7 = tpu.memref_squeeze %dma_start3A_6 : memref<1x80x256xf32, #tpu.memory_space<vmem>> -> memref<80x256xf32, #tpu.memory_space<vmem>>
    %dma_start3A_8 = arith.constant 0 : i32
    %dma_start3A_9 = tpu.memref_slice %arg10[%dma_start3A_8] : memref<10000xi32, #tpu.memory_space<vmem>> -> memref<80xi32, #tpu.memory_space<vmem>>
    %dma_start3A_10 = arith.constant 0 : i32
    %dma_start3A_11 = arith.constant 0 : i32
    %dma_start3A_12 = tpu.memref_slice %arg2[%dma_start3A_10, %dma_start3A_11] : memref<10000x256xf32, #tpu.memory_space<hbm>> -> memref<10000x256xf32, #tpu.memory_space<hbm>>
    %dma_start3A_13 = tpu.memref_slice %arg15[%dma_start3A_3] : memref<2x!tpu.dma_semaphore, #tpu.memory_space<semaphore_mem>> -> memref<1x!tpu.dma_semaphore, #tpu.memory_space<semaphore_mem>>
    %dma_start3A_14 = tpu.memref_squeeze %dma_start3A_13 : memref<1x!tpu.dma_semaphore, #tpu.memory_space<semaphore_mem>> -> memref<!tpu.dma_semaphore, #tpu.memory_space<semaphore_mem>>
    tpu.enqueue_indirect_dma source(%dma_start3A_12 : memref<10000x256xf32, #tpu.memory_space<hbm>>) target(%dma_start3A_7 : memref<80x256xf32, #tpu.memory_space<vmem>>) offsets(%dma_start3A_9 : memref<80xi32, #tpu.memory_space<vmem>>) semaphore(%dma_start3A_14 : memref<!tpu.dma_semaphore, #tpu.memory_space<semaphore_mem>>)
    %dma_start3A_15 = arith.constant 0 : i32
    %dma_start3A_16 = arith.constant 0 : i32
    %dma_start3A_17 = arith.constant 0 : i32
    %dma_start3A_18 = arith.constant 0 : i32
    %dma_start3A_19 = tpu.memref_slice %arg13[%dma_start3A_15, %dma_start3A_17, %dma_start3A_18] : memref<2x80x128xf32, #tpu.memory_space<vmem>> -> memref<1x80x128xf32, #tpu.memory_space<vmem>>
    %dma_start3A_20 = tpu.memref_squeeze %dma_start3A_19 : memref<1x80x128xf32, #tpu.memory_space<vmem>> -> memref<80x128xf32, #tpu.memory_space<vmem>>
    %dma_start3A_21 = arith.constant 0 : i32
    %dma_start3A_22 = tpu.memref_slice %arg11[%dma_start3A_21] : memref<10000xi32, #tpu.memory_space<vmem>> -> memref<80xi32, #tpu.memory_space<vmem>>
    %dma_start3A_23 = arith.constant 0 : i32
    %dma_start3A_24 = arith.constant 0 : i32
    %dma_start3A_25 = tpu.memref_slice %arg3[%dma_start3A_23, %dma_start3A_24] : memref<10000x128xf32, #tpu.memory_space<hbm>> -> memref<10000x128xf32, #tpu.memory_space<hbm>>
    %dma_start3A_26 = tpu.memref_slice %arg16[%dma_start3A_16] : memref<2x!tpu.dma_semaphore, #tpu.memory_space<semaphore_mem>> -> memref<1x!tpu.dma_semaphore, #tpu.memory_space<semaphore_mem>>
    %dma_start3A_27 = tpu.memref_squeeze %dma_start3A_26 : memref<1x!tpu.dma_semaphore, #tpu.memory_space<semaphore_mem>> -> memref<!tpu.dma_semaphore, #tpu.memory_space<semaphore_mem>>
    tpu.enqueue_indirect_dma source(%dma_start3A_25 : memref<10000x128xf32, #tpu.memory_space<hbm>>) target(%dma_start3A_20 : memref<80x128xf32, #tpu.memory_space<vmem>>) offsets(%dma_start3A_22 : memref<80xi32, #tpu.memory_space<vmem>>) semaphore(%dma_start3A_27 : memref<!tpu.dma_semaphore, #tpu.memory_space<semaphore_mem>>)
    %dma_start3A_28 = arith.constant 0 : i32
    %dma_start3A_29 = arith.constant 0 : i32
    %dma_start3A_30 = arith.constant 0 : i32
    %dma_start3A_31 = arith.constant 0 : i32
    %dma_start3A_32 = tpu.memref_slice %arg14[%dma_start3A_28, %dma_start3A_30, %dma_start3A_31] : memref<2x80x16xf32, #tpu.memory_space<vmem>> -> memref<1x80x16xf32, #tpu.memory_space<vmem>>
    %dma_start3A_33 = tpu.memref_squeeze %dma_start3A_32 : memref<1x80x16xf32, #tpu.memory_space<vmem>> -> memref<80x16xf32, #tpu.memory_space<vmem>>
    %dma_start3A_34 = arith.constant 0 : i32
    %dma_start3A_35 = tpu.memref_slice %arg10[%dma_start3A_34] : memref<10000xi32, #tpu.memory_space<vmem>> -> memref<80xi32, #tpu.memory_space<vmem>>
    %dma_start3A_36 = arith.constant 0 : i32
    %dma_start3A_37 = arith.constant 0 : i32
    %dma_start3A_38 = tpu.memref_slice %arg4[%dma_start3A_36, %dma_start3A_37] : memref<10000x16xf32, #tpu.memory_space<hbm>> -> memref<10000x16xf32, #tpu.memory_space<hbm>>
    %dma_start3A_39 = tpu.memref_slice %arg17[%dma_start3A_29] : memref<2x!tpu.dma_semaphore, #tpu.memory_space<semaphore_mem>> -> memref<1x!tpu.dma_semaphore, #tpu.memory_space<semaphore_mem>>
    %dma_start3A_40 = tpu.memref_squeeze %dma_start3A_39 : memref<1x!tpu.dma_semaphore, #tpu.memory_space<semaphore_mem>> -> memref<!tpu.dma_semaphore, #tpu.memory_space<semaphore_mem>>
    tpu.enqueue_indirect_dma source(%dma_start3A_38 : memref<10000x16xf32, #tpu.memory_space<hbm>>) target(%dma_start3A_33 : memref<80x16xf32, #tpu.memory_space<vmem>>) offsets(%dma_start3A_35 : memref<80xi32, #tpu.memory_space<vmem>>) semaphore(%dma_start3A_40 : memref<!tpu.dma_semaphore, #tpu.memory_space<semaphore_mem>>)
    %dma_wait3A = arith.constant 0 : i32
    %dma_wait3A_41 = arith.constant 0 : i32
    %dma_wait3A_42 = arith.constant 0 : i32
    %dma_wait3A_43 = arith.constant 0 : i32
    %dma_wait3A_44 = tpu.memref_slice %arg12[%dma_wait3A, %dma_wait3A_42, %dma_wait3A_43] : memref<2x80x256xf32, #tpu.memory_space<vmem>> -> memref<1x80x256xf32, #tpu.memory_space<vmem>>
    %dma_wait3A_45 = tpu.memref_squeeze %dma_wait3A_44 : memref<1x80x256xf32, #tpu.memory_space<vmem>> -> memref<80x256xf32, #tpu.memory_space<vmem>>
    %dma_wait3A_46 = arith.constant 0 : i32
    %dma_wait3A_47 = arith.constant 0 : i32
    %dma_wait3A_48 = tpu.memref_slice %arg2[%dma_wait3A_46, %dma_wait3A_47] : memref<10000x256xf32, #tpu.memory_space<hbm>> -> memref<80x256xf32, #tpu.memory_space<hbm>>
    %dma_wait3A_49 = tpu.memref_slice %arg15[%dma_wait3A_41] : memref<2x!tpu.dma_semaphore, #tpu.memory_space<semaphore_mem>> -> memref<1x!tpu.dma_semaphore, #tpu.memory_space<semaphore_mem>>
    %dma_wait3A_50 = tpu.memref_squeeze %dma_wait3A_49 : memref<1x!tpu.dma_semaphore, #tpu.memory_space<semaphore_mem>> -> memref<!tpu.dma_semaphore, #tpu.memory_space<semaphore_mem>>
    %dma_wait3A_51 = arith.constant 0 : i32
    %dma_wait3A_52 = arith.constant 0 : i32
    %dma_wait3A_53 = tpu.memref_slice %arg12[%dma_wait3A, %dma_wait3A_51, %dma_wait3A_52] : memref<2x80x256xf32, #tpu.memory_space<vmem>> -> memref<1x80x256xf32, #tpu.memory_space<vmem>>
    %dma_wait3A_54 = tpu.memref_squeeze %dma_wait3A_53 : memref<1x80x256xf32, #tpu.memory_space<vmem>> -> memref<80x256xf32, #tpu.memory_space<vmem>>
    %dma_wait3A_55 = arith.constant 0 : i32
    %dma_wait3A_56 = arith.constant 0 : i32
    %dma_wait3A_57 = tpu.memref_slice %arg2[%dma_wait3A_55, %dma_wait3A_56] : memref<10000x256xf32, #tpu.memory_space<hbm>> -> memref<80x256xf32, #tpu.memory_space<hbm>>
    tpu.wait_dma2 semaphore(%dma_wait3A_50 : memref<!tpu.dma_semaphore, #tpu.memory_space<semaphore_mem>>) src(%dma_wait3A_57 : memref<80x256xf32, #tpu.memory_space<hbm>>) dst(%dma_wait3A_54 : memref<80x256xf32, #tpu.memory_space<vmem>>)
    %dma_wait3A_58 = arith.constant 0 : i32
    %dma_wait3A_59 = arith.constant 0 : i32
    %dma_wait3A_60 = arith.constant 0 : i32
    %dma_wait3A_61 = arith.constant 0 : i32
    %dma_wait3A_62 = tpu.memref_slice %arg13[%dma_wait3A_58, %dma_wait3A_60, %dma_wait3A_61] : memref<2x80x128xf32, #tpu.memory_space<vmem>> -> memref<1x80x128xf32, #tpu.memory_space<vmem>>
    %dma_wait3A_63 = tpu.memref_squeeze %dma_wait3A_62 : memref<1x80x128xf32, #tpu.memory_space<vmem>> -> memref<80x128xf32, #tpu.memory_space<vmem>>
    %dma_wait3A_64 = arith.constant 0 : i32
    %dma_wait3A_65 = arith.constant 0 : i32
    %dma_wait3A_66 = tpu.memref_slice %arg3[%dma_wait3A_64, %dma_wait3A_65] : memref<10000x128xf32, #tpu.memory_space<hbm>> -> memref<80x128xf32, #tpu.memory_space<hbm>>
    %dma_wait3A_67 = tpu.memref_slice %arg16[%dma_wait3A_59] : memref<2x!tpu.dma_semaphore, #tpu.memory_space<semaphore_mem>> -> memref<1x!tpu.dma_semaphore, #tpu.memory_space<semaphore_mem>>
    %dma_wait3A_68 = tpu.memref_squeeze %dma_wait3A_67 : memref<1x!tpu.dma_semaphore, #tpu.memory_space<semaphore_mem>> -> memref<!tpu.dma_semaphore, #tpu.memory_space<semaphore_mem>>
    %dma_wait3A_69 = arith.constant 0 : i32
    %dma_wait3A_70 = arith.constant 0 : i32
    %dma_wait3A_71 = tpu.memref_slice %arg13[%dma_wait3A_58, %dma_wait3A_69, %dma_wait3A_70] : memref<2x80x128xf32, #tpu.memory_space<vmem>> -> memref<1x80x128xf32, #tpu.memory_space<vmem>>
    %dma_wait3A_72 = tpu.memref_squeeze %dma_wait3A_71 : memref<1x80x128xf32, #tpu.memory_space<vmem>> -> memref<80x128xf32, #tpu.memory_space<vmem>>
    %dma_wait3A_73 = arith.constant 0 : i32
    %dma_wait3A_74 = arith.constant 0 : i32
    %dma_wait3A_75 = tpu.memref_slice %arg3[%dma_wait3A_73, %dma_wait3A_74] : memref<10000x128xf32, #tpu.memory_space<hbm>> -> memref<80x128xf32, #tpu.memory_space<hbm>>
    tpu.wait_dma2 semaphore(%dma_wait3A_68 : memref<!tpu.dma_semaphore, #tpu.memory_space<semaphore_mem>>) src(%dma_wait3A_75 : memref<80x128xf32, #tpu.memory_space<hbm>>) dst(%dma_wait3A_72 : memref<80x128xf32, #tpu.memory_space<vmem>>)
    %dma_wait3A_76 = arith.constant 0 : i32
    %dma_wait3A_77 = arith.constant 0 : i32
    %dma_wait3A_78 = arith.constant 0 : i32
    %dma_wait3A_79 = arith.constant 0 : i32
    %dma_wait3A_80 = tpu.memref_slice %arg14[%dma_wait3A_76, %dma_wait3A_78, %dma_wait3A_79] : memref<2x80x16xf32, #tpu.memory_space<vmem>> -> memref<1x80x16xf32, #tpu.memory_space<vmem>>
    %dma_wait3A_81 = tpu.memref_squeeze %dma_wait3A_80 : memref<1x80x16xf32, #tpu.memory_space<vmem>> -> memref<80x16xf32, #tpu.memory_space<vmem>>
    %dma_wait3A_82 = arith.constant 0 : i32
    %dma_wait3A_83 = arith.constant 0 : i32
    %dma_wait3A_84 = tpu.memref_slice %arg4[%dma_wait3A_82, %dma_wait3A_83] : memref<10000x16xf32, #tpu.memory_space<hbm>> -> memref<80x16xf32, #tpu.memory_space<hbm>>
    %dma_wait3A_85 = tpu.memref_slice %arg17[%dma_wait3A_77] : memref<2x!tpu.dma_semaphore, #tpu.memory_space<semaphore_mem>> -> memref<1x!tpu.dma_semaphore, #tpu.memory_space<semaphore_mem>>
    %dma_wait3A_86 = tpu.memref_squeeze %dma_wait3A_85 : memref<1x!tpu.dma_semaphore, #tpu.memory_space<semaphore_mem>> -> memref<!tpu.dma_semaphore, #tpu.memory_space<semaphore_mem>>
    %dma_wait3A_87 = arith.constant 0 : i32
    %dma_wait3A_88 = arith.constant 0 : i32
    %dma_wait3A_89 = tpu.memref_slice %arg14[%dma_wait3A_76, %dma_wait3A_87, %dma_wait3A_88] : memref<2x80x16xf32, #tpu.memory_space<vmem>> -> memref<1x80x16xf32, #tpu.memory_space<vmem>>
    %dma_wait3A_90 = tpu.memref_squeeze %dma_wait3A_89 : memref<1x80x16xf32, #tpu.memory_space<vmem>> -> memref<80x16xf32, #tpu.memory_space<vmem>>
    %dma_wait3A_91 = arith.constant 0 : i32
    %dma_wait3A_92 = arith.constant 0 : i32
    %dma_wait3A_93 = tpu.memref_slice %arg4[%dma_wait3A_91, %dma_wait3A_92] : memref<10000x16xf32, #tpu.memory_space<hbm>> -> memref<80x16xf32, #tpu.memory_space<hbm>>
    tpu.wait_dma2 semaphore(%dma_wait3A_86 : memref<!tpu.dma_semaphore, #tpu.memory_space<semaphore_mem>>) src(%dma_wait3A_93 : memref<80x16xf32, #tpu.memory_space<hbm>>) dst(%dma_wait3A_90 : memref<80x16xf32, #tpu.memory_space<vmem>>)
    %add3A_94 = arith.constant 0 : i32
    %add3A_95 = arith.addi %mul3A_2, %add3A_94 : i32
    %dma_start3A_96 = arith.constant 0 : i32
    %dma_start3A_97 = arith.constant 0 : i32
    %dma_start3A_98 = arith.constant 0 : i32
    %dma_start3A_99 = arith.constant 0 : i32
    %dma_start3A_100 = tpu.memref_slice %arg12[%dma_start3A_96, %dma_start3A_98, %dma_start3A_99] : memref<2x80x256xf32, #tpu.memory_space<vmem>> -> memref<1x80x256xf32, #tpu.memory_space<vmem>>
    %dma_start3A_101 = tpu.memref_squeeze %dma_start3A_100 : memref<1x80x256xf32, #tpu.memory_space<vmem>> -> memref<80x256xf32, #tpu.memory_space<vmem>>
    %dma_start3A_102 = arith.constant 0 : i32
    %dma_start3A_103 = tpu.memref_slice %arg7[%add3A_95, %dma_start3A_102] : memref<320000x256xf32, #tpu.memory_space<hbm>> -> memref<80x256xf32, #tpu.memory_space<hbm>>
    %dma_start3A_104 = tpu.memref_slice %arg18[%dma_start3A_97] : memref<2x!tpu.dma_semaphore, #tpu.memory_space<semaphore_mem>> -> memref<1x!tpu.dma_semaphore, #tpu.memory_space<semaphore_mem>>
    %dma_start3A_105 = tpu.memref_squeeze %dma_start3A_104 : memref<1x!tpu.dma_semaphore, #tpu.memory_space<semaphore_mem>> -> memref<!tpu.dma_semaphore, #tpu.memory_space<semaphore_mem>>
    %dma_start3A_106 = arith.constant 0 : i32
    %dma_start3A_107 = tpu.memref_slice %arg7[%add3A_95, %dma_start3A_106] : memref<320000x256xf32, #tpu.memory_space<hbm>> -> memref<80x256xf32, #tpu.memory_space<hbm>>
    %dma_start3A_108 = arith.constant 0 : i32
    %dma_start3A_109 = arith.constant 0 : i32
    %dma_start3A_110 = tpu.memref_slice %arg12[%dma_start3A_96, %dma_start3A_108, %dma_start3A_109] : memref<2x80x256xf32, #tpu.memory_space<vmem>> -> memref<1x80x256xf32, #tpu.memory_space<vmem>>
    %dma_start3A_111 = tpu.memref_squeeze %dma_start3A_110 : memref<1x80x256xf32, #tpu.memory_space<vmem>> -> memref<80x256xf32, #tpu.memory_space<vmem>>
    tpu.enqueue_dma source(%dma_start3A_111 : memref<80x256xf32, #tpu.memory_space<vmem>>) target(%dma_start3A_107 : memref<80x256xf32, #tpu.memory_space<hbm>>) target_semaphore(%dma_start3A_105 : memref<!tpu.dma_semaphore, #tpu.memory_space<semaphore_mem>>)
    %dma_start3A_112 = arith.constant 0 : i32
    %dma_start3A_113 = arith.constant 0 : i32
    %dma_start3A_114 = arith.constant 0 : i32
    %dma_start3A_115 = arith.constant 0 : i32
    %dma_start3A_116 = tpu.memref_slice %arg13[%dma_start3A_112, %dma_start3A_114, %dma_start3A_115] : memref<2x80x128xf32, #tpu.memory_space<vmem>> -> memref<1x80x128xf32, #tpu.memory_space<vmem>>
    %dma_start3A_117 = tpu.memref_squeeze %dma_start3A_116 : memref<1x80x128xf32, #tpu.memory_space<vmem>> -> memref<80x128xf32, #tpu.memory_space<vmem>>
    %dma_start3A_118 = arith.constant 0 : i32
    %dma_start3A_119 = tpu.memref_slice %arg8[%add3A_95, %dma_start3A_118] : memref<320000x128xf32, #tpu.memory_space<hbm>> -> memref<80x128xf32, #tpu.memory_space<hbm>>
    %dma_start3A_120 = tpu.memref_slice %arg19[%dma_start3A_113] : memref<2x!tpu.dma_semaphore, #tpu.memory_space<semaphore_mem>> -> memref<1x!tpu.dma_semaphore, #tpu.memory_space<semaphore_mem>>
    %dma_start3A_121 = tpu.memref_squeeze %dma_start3A_120 : memref<1x!tpu.dma_semaphore, #tpu.memory_space<semaphore_mem>> -> memref<!tpu.dma_semaphore, #tpu.memory_space<semaphore_mem>>
    %dma_start3A_122 = arith.constant 0 : i32
    %dma_start3A_123 = tpu.memref_slice %arg8[%add3A_95, %dma_start3A_122] : memref<320000x128xf32, #tpu.memory_space<hbm>> -> memref<80x128xf32, #tpu.memory_space<hbm>>
    %dma_start3A_124 = arith.constant 0 : i32
    %dma_start3A_125 = arith.constant 0 : i32
    %dma_start3A_126 = tpu.memref_slice %arg13[%dma_start3A_112, %dma_start3A_124, %dma_start3A_125] : memref<2x80x128xf32, #tpu.memory_space<vmem>> -> memref<1x80x128xf32, #tpu.memory_space<vmem>>
    %dma_start3A_127 = tpu.memref_squeeze %dma_start3A_126 : memref<1x80x128xf32, #tpu.memory_space<vmem>> -> memref<80x128xf32, #tpu.memory_space<vmem>>
    tpu.enqueue_dma source(%dma_start3A_127 : memref<80x128xf32, #tpu.memory_space<vmem>>) target(%dma_start3A_123 : memref<80x128xf32, #tpu.memory_space<hbm>>) target_semaphore(%dma_start3A_121 : memref<!tpu.dma_semaphore, #tpu.memory_space<semaphore_mem>>)
    %dma_start3A_128 = arith.constant 0 : i32
    %dma_start3A_129 = arith.constant 0 : i32
    %dma_start3A_130 = arith.constant 0 : i32
    %dma_start3A_131 = arith.constant 0 : i32
    %dma_start3A_132 = tpu.memref_slice %arg14[%dma_start3A_128, %dma_start3A_130, %dma_start3A_131] : memref<2x80x16xf32, #tpu.memory_space<vmem>> -> memref<1x80x16xf32, #tpu.memory_space<vmem>>
    %dma_start3A_133 = tpu.memref_squeeze %dma_start3A_132 : memref<1x80x16xf32, #tpu.memory_space<vmem>> -> memref<80x16xf32, #tpu.memory_space<vmem>>
    %dma_start3A_134 = arith.constant 0 : i32
    %dma_start3A_135 = tpu.memref_slice %arg9[%add3A_95, %dma_start3A_134] : memref<320000x16xf32, #tpu.memory_space<hbm>> -> memref<80x16xf32, #tpu.memory_space<hbm>>
    %dma_start3A_136 = tpu.memref_slice %arg20[%dma_start3A_129] : memref<2x!tpu.dma_semaphore, #tpu.memory_space<semaphore_mem>> -> memref<1x!tpu.dma_semaphore, #tpu.memory_space<semaphore_mem>>
    %dma_start3A_137 = tpu.memref_squeeze %dma_start3A_136 : memref<1x!tpu.dma_semaphore, #tpu.memory_space<semaphore_mem>> -> memref<!tpu.dma_semaphore, #tpu.memory_space<semaphore_mem>>
    %dma_start3A_138 = arith.constant 0 : i32
    %dma_start3A_139 = tpu.memref_slice %arg9[%add3A_95, %dma_start3A_138] : memref<320000x16xf32, #tpu.memory_space<hbm>> -> memref<80x16xf32, #tpu.memory_space<hbm>>
    %dma_start3A_140 = arith.constant 0 : i32
    %dma_start3A_141 = arith.constant 0 : i32
    %dma_start3A_142 = tpu.memref_slice %arg14[%dma_start3A_128, %dma_start3A_140, %dma_start3A_141] : memref<2x80x16xf32, #tpu.memory_space<vmem>> -> memref<1x80x16xf32, #tpu.memory_space<vmem>>
    %dma_start3A_143 = tpu.memref_squeeze %dma_start3A_142 : memref<1x80x16xf32, #tpu.memory_space<vmem>> -> memref<80x16xf32, #tpu.memory_space<vmem>>
    tpu.enqueue_dma source(%dma_start3A_143 : memref<80x16xf32, #tpu.memory_space<vmem>>) target(%dma_start3A_139 : memref<80x16xf32, #tpu.memory_space<hbm>>) target_semaphore(%dma_start3A_137 : memref<!tpu.dma_semaphore, #tpu.memory_space<semaphore_mem>>)
    %dma_start3A_144 = arith.constant 1 : i32
    %dma_start3A_145 = arith.constant 1 : i32
    %dma_start3A_146 = arith.constant 0 : i32
    %dma_start3A_147 = arith.constant 0 : i32
    %dma_start3A_148 = tpu.memref_slice %arg12[%dma_start3A_144, %dma_start3A_146, %dma_start3A_147] : memref<2x80x256xf32, #tpu.memory_space<vmem>> -> memref<1x80x256xf32, #tpu.memory_space<vmem>>
    %dma_start3A_149 = tpu.memref_squeeze %dma_start3A_148 : memref<1x80x256xf32, #tpu.memory_space<vmem>> -> memref<80x256xf32, #tpu.memory_space<vmem>>
    %dma_start3A_150 = arith.constant 80 : i32
    %dma_start3A_151 = tpu.memref_slice %arg10[%dma_start3A_150] : memref<10000xi32, #tpu.memory_space<vmem>> -> memref<80xi32, #tpu.memory_space<vmem>>
    %dma_start3A_152 = arith.constant 0 : i32
    %dma_start3A_153 = arith.constant 0 : i32
    %dma_start3A_154 = tpu.memref_slice %arg2[%dma_start3A_152, %dma_start3A_153] : memref<10000x256xf32, #tpu.memory_space<hbm>> -> memref<10000x256xf32, #tpu.memory_space<hbm>>
    %dma_start3A_155 = tpu.memref_slice %arg15[%dma_start3A_145] : memref<2x!tpu.dma_semaphore, #tpu.memory_space<semaphore_mem>> -> memref<1x!tpu.dma_semaphore, #tpu.memory_space<semaphore_mem>>
    %dma_start3A_156 = tpu.memref_squeeze %dma_start3A_155 : memref<1x!tpu.dma_semaphore, #tpu.memory_space<semaphore_mem>> -> memref<!tpu.dma_semaphore, #tpu.memory_space<semaphore_mem>>
    tpu.enqueue_indirect_dma source(%dma_start3A_154 : memref<10000x256xf32, #tpu.memory_space<hbm>>) target(%dma_start3A_149 : memref<80x256xf32, #tpu.memory_space<vmem>>) offsets(%dma_start3A_151 : memref<80xi32, #tpu.memory_space<vmem>>) semaphore(%dma_start3A_156 : memref<!tpu.dma_semaphore, #tpu.memory_space<semaphore_mem>>)
    %dma_start3A_157 = arith.constant 1 : i32
    %dma_start3A_158 = arith.constant 1 : i32
    %dma_start3A_159 = arith.constant 0 : i32
    %dma_start3A_160 = arith.constant 0 : i32
    %dma_start3A_161 = tpu.memref_slice %arg13[%dma_start3A_157, %dma_start3A_159, %dma_start3A_160] : memref<2x80x128xf32, #tpu.memory_space<vmem>> -> memref<1x80x128xf32, #tpu.memory_space<vmem>>
    %dma_start3A_162 = tpu.memref_squeeze %dma_start3A_161 : memref<1x80x128xf32, #tpu.memory_space<vmem>> -> memref<80x128xf32, #tpu.memory_space<vmem>>
    %dma_start3A_163 = arith.constant 80 : i32
    %dma_start3A_164 = tpu.memref_slice %arg11[%dma_start3A_163] : memref<10000xi32, #tpu.memory_space<vmem>> -> memref<80xi32, #tpu.memory_space<vmem>>
    %dma_start3A_165 = arith.constant 0 : i32
    %dma_start3A_166 = arith.constant 0 : i32
    %dma_start3A_167 = tpu.memref_slice %arg3[%dma_start3A_165, %dma_start3A_166] : memref<10000x128xf32, #tpu.memory_space<hbm>> -> memref<10000x128xf32, #tpu.memory_space<hbm>>
    %dma_start3A_168 = tpu.memref_slice %arg16[%dma_start3A_158] : memref<2x!tpu.dma_semaphore, #tpu.memory_space<semaphore_mem>> -> memref<1x!tpu.dma_semaphore, #tpu.memory_space<semaphore_mem>>
    %dma_start3A_169 = tpu.memref_squeeze %dma_start3A_168 : memref<1x!tpu.dma_semaphore, #tpu.memory_space<semaphore_mem>> -> memref<!tpu.dma_semaphore, #tpu.memory_space<semaphore_mem>>
    tpu.enqueue_indirect_dma source(%dma_start3A_167 : memref<10000x128xf32, #tpu.memory_space<hbm>>) target(%dma_start3A_162 : memref<80x128xf32, #tpu.memory_space<vmem>>) offsets(%dma_start3A_164 : memref<80xi32, #tpu.memory_space<vmem>>) semaphore(%dma_start3A_169 : memref<!tpu.dma_semaphore, #tpu.memory_space<semaphore_mem>>)
    %dma_start3A_170 = arith.constant 1 : i32
    %dma_start3A_171 = arith.constant 1 : i32
    %dma_start3A_172 = arith.constant 0 : i32
    %dma_start3A_173 = arith.constant 0 : i32
    %dma_start3A_174 = tpu.memref_slice %arg14[%dma_start3A_170, %dma_start3A_172, %dma_start3A_173] : memref<2x80x16xf32, #tpu.memory_space<vmem>> -> memref<1x80x16xf32, #tpu.memory_space<vmem>>
    %dma_start3A_175 = tpu.memref_squeeze %dma_start3A_174 : memref<1x80x16xf32, #tpu.memory_space<vmem>> -> memref<80x16xf32, #tpu.memory_space<vmem>>
    %dma_start3A_176 = arith.constant 80 : i32
    %dma_start3A_177 = tpu.memref_slice %arg10[%dma_start3A_176] : memref<10000xi32, #tpu.memory_space<vmem>> -> memref<80xi32, #tpu.memory_space<vmem>>
    %dma_start3A_178 = arith.constant 0 : i32
    %dma_start3A_179 = arith.constant 0 : i32
    %dma_start3A_180 = tpu.memref_slice %arg4[%dma_start3A_178, %dma_start3A_179] : memref<10000x16xf32, #tpu.memory_space<hbm>> -> memref<10000x16xf32, #tpu.memory_space<hbm>>
    %dma_start3A_181 = tpu.memref_slice %arg17[%dma_start3A_171] : memref<2x!tpu.dma_semaphore, #tpu.memory_space<semaphore_mem>> -> memref<1x!tpu.dma_semaphore, #tpu.memory_space<semaphore_mem>>
    %dma_start3A_182 = tpu.memref_squeeze %dma_start3A_181 : memref<1x!tpu.dma_semaphore, #tpu.memory_space<semaphore_mem>> -> memref<!tpu.dma_semaphore, #tpu.memory_space<semaphore_mem>>
    tpu.enqueue_indirect_dma source(%dma_start3A_180 : memref<10000x16xf32, #tpu.memory_space<hbm>>) target(%dma_start3A_175 : memref<80x16xf32, #tpu.memory_space<vmem>>) offsets(%dma_start3A_177 : memref<80xi32, #tpu.memory_space<vmem>>) semaphore(%dma_start3A_182 : memref<!tpu.dma_semaphore, #tpu.memory_space<semaphore_mem>>)
    %scan3A = arith.constant 0 : i32
    %scan3A_183 = arith.constant 61 : i32
    %scan3A_184 = arith.addi %scan3A, %scan3A_183 : i32
    %scan3A_185 = arith.constant 1 : i32
    scf.for %scan3A_596 = %scan3A to %scan3A_184 step %scan3A_185  : i32 {
      %mul3A_597 = arith.constant 1 : i32
      %mul3A_598 = arith.muli %scan3A_596, %mul3A_597 : i32
      %add3A_599 = arith.constant 0 : i32
      %add3A_600 = arith.addi %add3A_599, %mul3A_598 : i32
      %mul3A_601 = arith.constant 2 : i32
      %mul3A_602 = arith.muli %mul3A_601, %add3A_600 : i32
      %add3A_603 = arith.constant 1 : i32
      %add3A_604 = arith.addi %add3A_603, %mul3A_602 : i32
      %dma_wait3A_605 = arith.constant 1 : i32
      %dma_wait3A_606 = arith.constant 1 : i32
      %dma_wait3A_607 = arith.constant 0 : i32
      %dma_wait3A_608 = arith.constant 0 : i32
      %dma_wait3A_609 = tpu.memref_slice %arg12[%dma_wait3A_605, %dma_wait3A_607, %dma_wait3A_608] : memref<2x80x256xf32, #tpu.memory_space<vmem>> -> memref<1x80x256xf32, #tpu.memory_space<vmem>>
      %dma_wait3A_610 = tpu.memref_squeeze %dma_wait3A_609 : memref<1x80x256xf32, #tpu.memory_space<vmem>> -> memref<80x256xf32, #tpu.memory_space<vmem>>
      %dma_wait3A_611 = arith.constant 0 : i32
      %dma_wait3A_612 = arith.constant 0 : i32
      %dma_wait3A_613 = tpu.memref_slice %arg2[%dma_wait3A_611, %dma_wait3A_612] : memref<10000x256xf32, #tpu.memory_space<hbm>> -> memref<80x256xf32, #tpu.memory_space<hbm>>
      %dma_wait3A_614 = tpu.memref_slice %arg15[%dma_wait3A_606] : memref<2x!tpu.dma_semaphore, #tpu.memory_space<semaphore_mem>> -> memref<1x!tpu.dma_semaphore, #tpu.memory_space<semaphore_mem>>
      %dma_wait3A_615 = tpu.memref_squeeze %dma_wait3A_614 : memref<1x!tpu.dma_semaphore, #tpu.memory_space<semaphore_mem>> -> memref<!tpu.dma_semaphore, #tpu.memory_space<semaphore_mem>>
      %dma_wait3A_616 = arith.constant 0 : i32
      %dma_wait3A_617 = arith.constant 0 : i32
      %dma_wait3A_618 = tpu.memref_slice %arg12[%dma_wait3A_605, %dma_wait3A_616, %dma_wait3A_617] : memref<2x80x256xf32, #tpu.memory_space<vmem>> -> memref<1x80x256xf32, #tpu.memory_space<vmem>>
      %dma_wait3A_619 = tpu.memref_squeeze %dma_wait3A_618 : memref<1x80x256xf32, #tpu.memory_space<vmem>> -> memref<80x256xf32, #tpu.memory_space<vmem>>
      %dma_wait3A_620 = arith.constant 0 : i32
      %dma_wait3A_621 = arith.constant 0 : i32
      %dma_wait3A_622 = tpu.memref_slice %arg2[%dma_wait3A_620, %dma_wait3A_621] : memref<10000x256xf32, #tpu.memory_space<hbm>> -> memref<80x256xf32, #tpu.memory_space<hbm>>
      tpu.wait_dma2 semaphore(%dma_wait3A_615 : memref<!tpu.dma_semaphore, #tpu.memory_space<semaphore_mem>>) src(%dma_wait3A_622 : memref<80x256xf32, #tpu.memory_space<hbm>>) dst(%dma_wait3A_619 : memref<80x256xf32, #tpu.memory_space<vmem>>)
      %dma_wait3A_623 = arith.constant 1 : i32
      %dma_wait3A_624 = arith.constant 1 : i32
      %dma_wait3A_625 = arith.constant 0 : i32
      %dma_wait3A_626 = arith.constant 0 : i32
      %dma_wait3A_627 = tpu.memref_slice %arg13[%dma_wait3A_623, %dma_wait3A_625, %dma_wait3A_626] : memref<2x80x128xf32, #tpu.memory_space<vmem>> -> memref<1x80x128xf32, #tpu.memory_space<vmem>>
      %dma_wait3A_628 = tpu.memref_squeeze %dma_wait3A_627 : memref<1x80x128xf32, #tpu.memory_space<vmem>> -> memref<80x128xf32, #tpu.memory_space<vmem>>
      %dma_wait3A_629 = arith.constant 0 : i32
      %dma_wait3A_630 = arith.constant 0 : i32
      %dma_wait3A_631 = tpu.memref_slice %arg3[%dma_wait3A_629, %dma_wait3A_630] : memref<10000x128xf32, #tpu.memory_space<hbm>> -> memref<80x128xf32, #tpu.memory_space<hbm>>
      %dma_wait3A_632 = tpu.memref_slice %arg16[%dma_wait3A_624] : memref<2x!tpu.dma_semaphore, #tpu.memory_space<semaphore_mem>> -> memref<1x!tpu.dma_semaphore, #tpu.memory_space<semaphore_mem>>
      %dma_wait3A_633 = tpu.memref_squeeze %dma_wait3A_632 : memref<1x!tpu.dma_semaphore, #tpu.memory_space<semaphore_mem>> -> memref<!tpu.dma_semaphore, #tpu.memory_space<semaphore_mem>>
      %dma_wait3A_634 = arith.constant 0 : i32
      %dma_wait3A_635 = arith.constant 0 : i32
      %dma_wait3A_636 = tpu.memref_slice %arg13[%dma_wait3A_623, %dma_wait3A_634, %dma_wait3A_635] : memref<2x80x128xf32, #tpu.memory_space<vmem>> -> memref<1x80x128xf32, #tpu.memory_space<vmem>>
      %dma_wait3A_637 = tpu.memref_squeeze %dma_wait3A_636 : memref<1x80x128xf32, #tpu.memory_space<vmem>> -> memref<80x128xf32, #tpu.memory_space<vmem>>
      %dma_wait3A_638 = arith.constant 0 : i32
      %dma_wait3A_639 = arith.constant 0 : i32
      %dma_wait3A_640 = tpu.memref_slice %arg3[%dma_wait3A_638, %dma_wait3A_639] : memref<10000x128xf32, #tpu.memory_space<hbm>> -> memref<80x128xf32, #tpu.memory_space<hbm>>
      tpu.wait_dma2 semaphore(%dma_wait3A_633 : memref<!tpu.dma_semaphore, #tpu.memory_space<semaphore_mem>>) src(%dma_wait3A_640 : memref<80x128xf32, #tpu.memory_space<hbm>>) dst(%dma_wait3A_637 : memref<80x128xf32, #tpu.memory_space<vmem>>)
      %dma_wait3A_641 = arith.constant 1 : i32
      %dma_wait3A_642 = arith.constant 1 : i32
      %dma_wait3A_643 = arith.constant 0 : i32
      %dma_wait3A_644 = arith.constant 0 : i32
      %dma_wait3A_645 = tpu.memref_slice %arg14[%dma_wait3A_641, %dma_wait3A_643, %dma_wait3A_644] : memref<2x80x16xf32, #tpu.memory_space<vmem>> -> memref<1x80x16xf32, #tpu.memory_space<vmem>>
      %dma_wait3A_646 = tpu.memref_squeeze %dma_wait3A_645 : memref<1x80x16xf32, #tpu.memory_space<vmem>> -> memref<80x16xf32, #tpu.memory_space<vmem>>
      %dma_wait3A_647 = arith.constant 0 : i32
      %dma_wait3A_648 = arith.constant 0 : i32
      %dma_wait3A_649 = tpu.memref_slice %arg4[%dma_wait3A_647, %dma_wait3A_648] : memref<10000x16xf32, #tpu.memory_space<hbm>> -> memref<80x16xf32, #tpu.memory_space<hbm>>
      %dma_wait3A_650 = tpu.memref_slice %arg17[%dma_wait3A_642] : memref<2x!tpu.dma_semaphore, #tpu.memory_space<semaphore_mem>> -> memref<1x!tpu.dma_semaphore, #tpu.memory_space<semaphore_mem>>
      %dma_wait3A_651 = tpu.memref_squeeze %dma_wait3A_650 : memref<1x!tpu.dma_semaphore, #tpu.memory_space<semaphore_mem>> -> memref<!tpu.dma_semaphore, #tpu.memory_space<semaphore_mem>>
      %dma_wait3A_652 = arith.constant 0 : i32
      %dma_wait3A_653 = arith.constant 0 : i32
      %dma_wait3A_654 = tpu.memref_slice %arg14[%dma_wait3A_641, %dma_wait3A_652, %dma_wait3A_653] : memref<2x80x16xf32, #tpu.memory_space<vmem>> -> memref<1x80x16xf32, #tpu.memory_space<vmem>>
      %dma_wait3A_655 = tpu.memref_squeeze %dma_wait3A_654 : memref<1x80x16xf32, #tpu.memory_space<vmem>> -> memref<80x16xf32, #tpu.memory_space<vmem>>
      %dma_wait3A_656 = arith.constant 0 : i32
      %dma_wait3A_657 = arith.constant 0 : i32
      %dma_wait3A_658 = tpu.memref_slice %arg4[%dma_wait3A_656, %dma_wait3A_657] : memref<10000x16xf32, #tpu.memory_space<hbm>> -> memref<80x16xf32, #tpu.memory_space<hbm>>
      tpu.wait_dma2 semaphore(%dma_wait3A_651 : memref<!tpu.dma_semaphore, #tpu.memory_space<semaphore_mem>>) src(%dma_wait3A_658 : memref<80x16xf32, #tpu.memory_space<hbm>>) dst(%dma_wait3A_655 : memref<80x16xf32, #tpu.memory_space<vmem>>)
      %add3A_659 = arith.constant 0 : i32
      %add3A_660 = arith.addi %add3A_604, %add3A_659 : i32
      %mul3A_661 = arith.constant 80 : i32
      %mul3A_662 = arith.muli %add3A_660, %mul3A_661 : i32
      %add3A_663 = arith.addi %mul3A_2, %mul3A_662 : i32
      %dma_start3A_664 = arith.constant 1 : i32
      %dma_start3A_665 = arith.constant 1 : i32
      %dma_start3A_666 = arith.constant 0 : i32
      %dma_start3A_667 = arith.constant 0 : i32
      %dma_start3A_668 = tpu.memref_slice %arg12[%dma_start3A_664, %dma_start3A_666, %dma_start3A_667] : memref<2x80x256xf32, #tpu.memory_space<vmem>> -> memref<1x80x256xf32, #tpu.memory_space<vmem>>
      %dma_start3A_669 = tpu.memref_squeeze %dma_start3A_668 : memref<1x80x256xf32, #tpu.memory_space<vmem>> -> memref<80x256xf32, #tpu.memory_space<vmem>>
      %dma_start3A_670 = arith.constant 0 : i32
      %dma_start3A_671 = tpu.memref_slice %arg7[%add3A_663, %dma_start3A_670] : memref<320000x256xf32, #tpu.memory_space<hbm>> -> memref<80x256xf32, #tpu.memory_space<hbm>>
      %dma_start3A_672 = tpu.memref_slice %arg18[%dma_start3A_665] : memref<2x!tpu.dma_semaphore, #tpu.memory_space<semaphore_mem>> -> memref<1x!tpu.dma_semaphore, #tpu.memory_space<semaphore_mem>>
      %dma_start3A_673 = tpu.memref_squeeze %dma_start3A_672 : memref<1x!tpu.dma_semaphore, #tpu.memory_space<semaphore_mem>> -> memref<!tpu.dma_semaphore, #tpu.memory_space<semaphore_mem>>
      %dma_start3A_674 = arith.constant 0 : i32
      %dma_start3A_675 = tpu.memref_slice %arg7[%add3A_663, %dma_start3A_674] : memref<320000x256xf32, #tpu.memory_space<hbm>> -> memref<80x256xf32, #tpu.memory_space<hbm>>
      %dma_start3A_676 = arith.constant 0 : i32
      %dma_start3A_677 = arith.constant 0 : i32
      %dma_start3A_678 = tpu.memref_slice %arg12[%dma_start3A_664, %dma_start3A_676, %dma_start3A_677] : memref<2x80x256xf32, #tpu.memory_space<vmem>> -> memref<1x80x256xf32, #tpu.memory_space<vmem>>
      %dma_start3A_679 = tpu.memref_squeeze %dma_start3A_678 : memref<1x80x256xf32, #tpu.memory_space<vmem>> -> memref<80x256xf32, #tpu.memory_space<vmem>>
      tpu.enqueue_dma source(%dma_start3A_679 : memref<80x256xf32, #tpu.memory_space<vmem>>) target(%dma_start3A_675 : memref<80x256xf32, #tpu.memory_space<hbm>>) target_semaphore(%dma_start3A_673 : memref<!tpu.dma_semaphore, #tpu.memory_space<semaphore_mem>>)
      %dma_start3A_680 = arith.constant 1 : i32
      %dma_start3A_681 = arith.constant 1 : i32
      %dma_start3A_682 = arith.constant 0 : i32
      %dma_start3A_683 = arith.constant 0 : i32
      %dma_start3A_684 = tpu.memref_slice %arg13[%dma_start3A_680, %dma_start3A_682, %dma_start3A_683] : memref<2x80x128xf32, #tpu.memory_space<vmem>> -> memref<1x80x128xf32, #tpu.memory_space<vmem>>
      %dma_start3A_685 = tpu.memref_squeeze %dma_start3A_684 : memref<1x80x128xf32, #tpu.memory_space<vmem>> -> memref<80x128xf32, #tpu.memory_space<vmem>>
      %dma_start3A_686 = arith.constant 0 : i32
      %dma_start3A_687 = tpu.memref_slice %arg8[%add3A_663, %dma_start3A_686] : memref<320000x128xf32, #tpu.memory_space<hbm>> -> memref<80x128xf32, #tpu.memory_space<hbm>>
      %dma_start3A_688 = tpu.memref_slice %arg19[%dma_start3A_681] : memref<2x!tpu.dma_semaphore, #tpu.memory_space<semaphore_mem>> -> memref<1x!tpu.dma_semaphore, #tpu.memory_space<semaphore_mem>>
      %dma_start3A_689 = tpu.memref_squeeze %dma_start3A_688 : memref<1x!tpu.dma_semaphore, #tpu.memory_space<semaphore_mem>> -> memref<!tpu.dma_semaphore, #tpu.memory_space<semaphore_mem>>
      %dma_start3A_690 = arith.constant 0 : i32
      %dma_start3A_691 = tpu.memref_slice %arg8[%add3A_663, %dma_start3A_690] : memref<320000x128xf32, #tpu.memory_space<hbm>> -> memref<80x128xf32, #tpu.memory_space<hbm>>
      %dma_start3A_692 = arith.constant 0 : i32
      %dma_start3A_693 = arith.constant 0 : i32
      %dma_start3A_694 = tpu.memref_slice %arg13[%dma_start3A_680, %dma_start3A_692, %dma_start3A_693] : memref<2x80x128xf32, #tpu.memory_space<vmem>> -> memref<1x80x128xf32, #tpu.memory_space<vmem>>
      %dma_start3A_695 = tpu.memref_squeeze %dma_start3A_694 : memref<1x80x128xf32, #tpu.memory_space<vmem>> -> memref<80x128xf32, #tpu.memory_space<vmem>>
      tpu.enqueue_dma source(%dma_start3A_695 : memref<80x128xf32, #tpu.memory_space<vmem>>) target(%dma_start3A_691 : memref<80x128xf32, #tpu.memory_space<hbm>>) target_semaphore(%dma_start3A_689 : memref<!tpu.dma_semaphore, #tpu.memory_space<semaphore_mem>>)
      %dma_start3A_696 = arith.constant 1 : i32
      %dma_start3A_697 = arith.constant 1 : i32
      %dma_start3A_698 = arith.constant 0 : i32
      %dma_start3A_699 = arith.constant 0 : i32
      %dma_start3A_700 = tpu.memref_slice %arg14[%dma_start3A_696, %dma_start3A_698, %dma_start3A_699] : memref<2x80x16xf32, #tpu.memory_space<vmem>> -> memref<1x80x16xf32, #tpu.memory_space<vmem>>
      %dma_start3A_701 = tpu.memref_squeeze %dma_start3A_700 : memref<1x80x16xf32, #tpu.memory_space<vmem>> -> memref<80x16xf32, #tpu.memory_space<vmem>>
      %dma_start3A_702 = arith.constant 0 : i32
      %dma_start3A_703 = tpu.memref_slice %arg9[%add3A_663, %dma_start3A_702] : memref<320000x16xf32, #tpu.memory_space<hbm>> -> memref<80x16xf32, #tpu.memory_space<hbm>>
      %dma_start3A_704 = tpu.memref_slice %arg20[%dma_start3A_697] : memref<2x!tpu.dma_semaphore, #tpu.memory_space<semaphore_mem>> -> memref<1x!tpu.dma_semaphore, #tpu.memory_space<semaphore_mem>>
      %dma_start3A_705 = tpu.memref_squeeze %dma_start3A_704 : memref<1x!tpu.dma_semaphore, #tpu.memory_space<semaphore_mem>> -> memref<!tpu.dma_semaphore, #tpu.memory_space<semaphore_mem>>
      %dma_start3A_706 = arith.constant 0 : i32
      %dma_start3A_707 = tpu.memref_slice %arg9[%add3A_663, %dma_start3A_706] : memref<320000x16xf32, #tpu.memory_space<hbm>> -> memref<80x16xf32, #tpu.memory_space<hbm>>
      %dma_start3A_708 = arith.constant 0 : i32
      %dma_start3A_709 = arith.constant 0 : i32
      %dma_start3A_710 = tpu.memref_slice %arg14[%dma_start3A_696, %dma_start3A_708, %dma_start3A_709] : memref<2x80x16xf32, #tpu.memory_space<vmem>> -> memref<1x80x16xf32, #tpu.memory_space<vmem>>
      %dma_start3A_711 = tpu.memref_squeeze %dma_start3A_710 : memref<1x80x16xf32, #tpu.memory_space<vmem>> -> memref<80x16xf32, #tpu.memory_space<vmem>>
      tpu.enqueue_dma source(%dma_start3A_711 : memref<80x16xf32, #tpu.memory_space<vmem>>) target(%dma_start3A_707 : memref<80x16xf32, #tpu.memory_space<hbm>>) target_semaphore(%dma_start3A_705 : memref<!tpu.dma_semaphore, #tpu.memory_space<semaphore_mem>>)
      %dma_wait3A_712 = arith.constant 0 : i32
      %dma_wait3A_713 = arith.constant 0 : i32
      %dma_wait3A_714 = arith.constant 0 : i32
      %dma_wait3A_715 = arith.constant 0 : i32
      %dma_wait3A_716 = tpu.memref_slice %arg12[%dma_wait3A_712, %dma_wait3A_714, %dma_wait3A_715] : memref<2x80x256xf32, #tpu.memory_space<vmem>> -> memref<1x80x256xf32, #tpu.memory_space<vmem>>
      %dma_wait3A_717 = tpu.memref_squeeze %dma_wait3A_716 : memref<1x80x256xf32, #tpu.memory_space<vmem>> -> memref<80x256xf32, #tpu.memory_space<vmem>>
      %dma_wait3A_718 = arith.constant 0 : i32
      %dma_wait3A_719 = arith.constant 0 : i32
      %dma_wait3A_720 = tpu.memref_slice %arg7[%dma_wait3A_718, %dma_wait3A_719] : memref<320000x256xf32, #tpu.memory_space<hbm>> -> memref<80x256xf32, #tpu.memory_space<hbm>>
      %dma_wait3A_721 = tpu.memref_slice %arg18[%dma_wait3A_713] : memref<2x!tpu.dma_semaphore, #tpu.memory_space<semaphore_mem>> -> memref<1x!tpu.dma_semaphore, #tpu.memory_space<semaphore_mem>>
      %dma_wait3A_722 = tpu.memref_squeeze %dma_wait3A_721 : memref<1x!tpu.dma_semaphore, #tpu.memory_space<semaphore_mem>> -> memref<!tpu.dma_semaphore, #tpu.memory_space<semaphore_mem>>
      %dma_wait3A_723 = arith.constant 0 : i32
      %dma_wait3A_724 = arith.constant 0 : i32
      %dma_wait3A_725 = tpu.memref_slice %arg7[%dma_wait3A_723, %dma_wait3A_724] : memref<320000x256xf32, #tpu.memory_space<hbm>> -> memref<80x256xf32, #tpu.memory_space<hbm>>
      %dma_wait3A_726 = arith.constant 0 : i32
      %dma_wait3A_727 = arith.constant 0 : i32
      %dma_wait3A_728 = tpu.memref_slice %arg12[%dma_wait3A_712, %dma_wait3A_726, %dma_wait3A_727] : memref<2x80x256xf32, #tpu.memory_space<vmem>> -> memref<1x80x256xf32, #tpu.memory_space<vmem>>
      %dma_wait3A_729 = tpu.memref_squeeze %dma_wait3A_728 : memref<1x80x256xf32, #tpu.memory_space<vmem>> -> memref<80x256xf32, #tpu.memory_space<vmem>>
      tpu.wait_dma2 semaphore(%dma_wait3A_722 : memref<!tpu.dma_semaphore, #tpu.memory_space<semaphore_mem>>) src(%dma_wait3A_729 : memref<80x256xf32, #tpu.memory_space<vmem>>) dst(%dma_wait3A_725 : memref<80x256xf32, #tpu.memory_space<hbm>>)
      %dma_wait3A_730 = arith.constant 0 : i32
      %dma_wait3A_731 = arith.constant 0 : i32
      %dma_wait3A_732 = arith.constant 0 : i32
      %dma_wait3A_733 = arith.constant 0 : i32
      %dma_wait3A_734 = tpu.memref_slice %arg13[%dma_wait3A_730, %dma_wait3A_732, %dma_wait3A_733] : memref<2x80x128xf32, #tpu.memory_space<vmem>> -> memref<1x80x128xf32, #tpu.memory_space<vmem>>
      %dma_wait3A_735 = tpu.memref_squeeze %dma_wait3A_734 : memref<1x80x128xf32, #tpu.memory_space<vmem>> -> memref<80x128xf32, #tpu.memory_space<vmem>>
      %dma_wait3A_736 = arith.constant 0 : i32
      %dma_wait3A_737 = arith.constant 0 : i32
      %dma_wait3A_738 = tpu.memref_slice %arg8[%dma_wait3A_736, %dma_wait3A_737] : memref<320000x128xf32, #tpu.memory_space<hbm>> -> memref<80x128xf32, #tpu.memory_space<hbm>>
      %dma_wait3A_739 = tpu.memref_slice %arg19[%dma_wait3A_731] : memref<2x!tpu.dma_semaphore, #tpu.memory_space<semaphore_mem>> -> memref<1x!tpu.dma_semaphore, #tpu.memory_space<semaphore_mem>>
      %dma_wait3A_740 = tpu.memref_squeeze %dma_wait3A_739 : memref<1x!tpu.dma_semaphore, #tpu.memory_space<semaphore_mem>> -> memref<!tpu.dma_semaphore, #tpu.memory_space<semaphore_mem>>
      %dma_wait3A_741 = arith.constant 0 : i32
      %dma_wait3A_742 = arith.constant 0 : i32
      %dma_wait3A_743 = tpu.memref_slice %arg8[%dma_wait3A_741, %dma_wait3A_742] : memref<320000x128xf32, #tpu.memory_space<hbm>> -> memref<80x128xf32, #tpu.memory_space<hbm>>
      %dma_wait3A_744 = arith.constant 0 : i32
      %dma_wait3A_745 = arith.constant 0 : i32
      %dma_wait3A_746 = tpu.memref_slice %arg13[%dma_wait3A_730, %dma_wait3A_744, %dma_wait3A_745] : memref<2x80x128xf32, #tpu.memory_space<vmem>> -> memref<1x80x128xf32, #tpu.memory_space<vmem>>
      %dma_wait3A_747 = tpu.memref_squeeze %dma_wait3A_746 : memref<1x80x128xf32, #tpu.memory_space<vmem>> -> memref<80x128xf32, #tpu.memory_space<vmem>>
      tpu.wait_dma2 semaphore(%dma_wait3A_740 : memref<!tpu.dma_semaphore, #tpu.memory_space<semaphore_mem>>) src(%dma_wait3A_747 : memref<80x128xf32, #tpu.memory_space<vmem>>) dst(%dma_wait3A_743 : memref<80x128xf32, #tpu.memory_space<hbm>>)
      %dma_wait3A_748 = arith.constant 0 : i32
      %dma_wait3A_749 = arith.constant 0 : i32
      %dma_wait3A_750 = arith.constant 0 : i32
      %dma_wait3A_751 = arith.constant 0 : i32
      %dma_wait3A_752 = tpu.memref_slice %arg14[%dma_wait3A_748, %dma_wait3A_750, %dma_wait3A_751] : memref<2x80x16xf32, #tpu.memory_space<vmem>> -> memref<1x80x16xf32, #tpu.memory_space<vmem>>
      %dma_wait3A_753 = tpu.memref_squeeze %dma_wait3A_752 : memref<1x80x16xf32, #tpu.memory_space<vmem>> -> memref<80x16xf32, #tpu.memory_space<vmem>>
      %dma_wait3A_754 = arith.constant 0 : i32
      %dma_wait3A_755 = arith.constant 0 : i32
      %dma_wait3A_756 = tpu.memref_slice %arg9[%dma_wait3A_754, %dma_wait3A_755] : memref<320000x16xf32, #tpu.memory_space<hbm>> -> memref<80x16xf32, #tpu.memory_space<hbm>>
      %dma_wait3A_757 = tpu.memref_slice %arg20[%dma_wait3A_749] : memref<2x!tpu.dma_semaphore, #tpu.memory_space<semaphore_mem>> -> memref<1x!tpu.dma_semaphore, #tpu.memory_space<semaphore_mem>>
      %dma_wait3A_758 = tpu.memref_squeeze %dma_wait3A_757 : memref<1x!tpu.dma_semaphore, #tpu.memory_space<semaphore_mem>> -> memref<!tpu.dma_semaphore, #tpu.memory_space<semaphore_mem>>
      %dma_wait3A_759 = arith.constant 0 : i32
      %dma_wait3A_760 = arith.constant 0 : i32
      %dma_wait3A_761 = tpu.memref_slice %arg9[%dma_wait3A_759, %dma_wait3A_760] : memref<320000x16xf32, #tpu.memory_space<hbm>> -> memref<80x16xf32, #tpu.memory_space<hbm>>
      %dma_wait3A_762 = arith.constant 0 : i32
      %dma_wait3A_763 = arith.constant 0 : i32
      %dma_wait3A_764 = tpu.memref_slice %arg14[%dma_wait3A_748, %dma_wait3A_762, %dma_wait3A_763] : memref<2x80x16xf32, #tpu.memory_space<vmem>> -> memref<1x80x16xf32, #tpu.memory_space<vmem>>
      %dma_wait3A_765 = tpu.memref_squeeze %dma_wait3A_764 : memref<1x80x16xf32, #tpu.memory_space<vmem>> -> memref<80x16xf32, #tpu.memory_space<vmem>>
      tpu.wait_dma2 semaphore(%dma_wait3A_758 : memref<!tpu.dma_semaphore, #tpu.memory_space<semaphore_mem>>) src(%dma_wait3A_765 : memref<80x16xf32, #tpu.memory_space<vmem>>) dst(%dma_wait3A_761 : memref<80x16xf32, #tpu.memory_space<hbm>>)
      %add3A_766 = arith.constant 0 : i32
      %add3A_767 = arith.addi %add3A_604, %add3A_766 : i32
      %add3A_768 = arith.constant 1 : i32
      %add3A_769 = arith.addi %add3A_767, %add3A_768 : i32
      %mul3A_770 = arith.constant 80 : i32
      %mul3A_771 = arith.muli %add3A_769, %mul3A_770 : i32
      %dma_start3A_772 = arith.constant 0 : i32
      %dma_start3A_773 = arith.constant 0 : i32
      %dma_start3A_774 = arith.constant 0 : i32
      %dma_start3A_775 = arith.constant 0 : i32
      %dma_start3A_776 = tpu.memref_slice %arg12[%dma_start3A_772, %dma_start3A_774, %dma_start3A_775] : memref<2x80x256xf32, #tpu.memory_space<vmem>> -> memref<1x80x256xf32, #tpu.memory_space<vmem>>
      %dma_start3A_777 = tpu.memref_squeeze %dma_start3A_776 : memref<1x80x256xf32, #tpu.memory_space<vmem>> -> memref<80x256xf32, #tpu.memory_space<vmem>>
      %dma_start3A_778 = tpu.memref_slice %arg10[%mul3A_771] : memref<10000xi32, #tpu.memory_space<vmem>> -> memref<80xi32, #tpu.memory_space<vmem>>
      %dma_start3A_779 = arith.constant 0 : i32
      %dma_start3A_780 = arith.constant 0 : i32
      %dma_start3A_781 = tpu.memref_slice %arg2[%dma_start3A_779, %dma_start3A_780] : memref<10000x256xf32, #tpu.memory_space<hbm>> -> memref<10000x256xf32, #tpu.memory_space<hbm>>
      %dma_start3A_782 = tpu.memref_slice %arg15[%dma_start3A_773] : memref<2x!tpu.dma_semaphore, #tpu.memory_space<semaphore_mem>> -> memref<1x!tpu.dma_semaphore, #tpu.memory_space<semaphore_mem>>
      %dma_start3A_783 = tpu.memref_squeeze %dma_start3A_782 : memref<1x!tpu.dma_semaphore, #tpu.memory_space<semaphore_mem>> -> memref<!tpu.dma_semaphore, #tpu.memory_space<semaphore_mem>>
      tpu.enqueue_indirect_dma source(%dma_start3A_781 : memref<10000x256xf32, #tpu.memory_space<hbm>>) target(%dma_start3A_777 : memref<80x256xf32, #tpu.memory_space<vmem>>) offsets(%dma_start3A_778 : memref<80xi32, #tpu.memory_space<vmem>>) semaphore(%dma_start3A_783 : memref<!tpu.dma_semaphore, #tpu.memory_space<semaphore_mem>>)
      %dma_start3A_784 = arith.constant 0 : i32
      %dma_start3A_785 = arith.constant 0 : i32
      %dma_start3A_786 = arith.constant 0 : i32
      %dma_start3A_787 = arith.constant 0 : i32
      %dma_start3A_788 = tpu.memref_slice %arg13[%dma_start3A_784, %dma_start3A_786, %dma_start3A_787] : memref<2x80x128xf32, #tpu.memory_space<vmem>> -> memref<1x80x128xf32, #tpu.memory_space<vmem>>
      %dma_start3A_789 = tpu.memref_squeeze %dma_start3A_788 : memref<1x80x128xf32, #tpu.memory_space<vmem>> -> memref<80x128xf32, #tpu.memory_space<vmem>>
      %dma_start3A_790 = tpu.memref_slice %arg11[%mul3A_771] : memref<10000xi32, #tpu.memory_space<vmem>> -> memref<80xi32, #tpu.memory_space<vmem>>
      %dma_start3A_791 = arith.constant 0 : i32
      %dma_start3A_792 = arith.constant 0 : i32
      %dma_start3A_793 = tpu.memref_slice %arg3[%dma_start3A_791, %dma_start3A_792] : memref<10000x128xf32, #tpu.memory_space<hbm>> -> memref<10000x128xf32, #tpu.memory_space<hbm>>
      %dma_start3A_794 = tpu.memref_slice %arg16[%dma_start3A_785] : memref<2x!tpu.dma_semaphore, #tpu.memory_space<semaphore_mem>> -> memref<1x!tpu.dma_semaphore, #tpu.memory_space<semaphore_mem>>
      %dma_start3A_795 = tpu.memref_squeeze %dma_start3A_794 : memref<1x!tpu.dma_semaphore, #tpu.memory_space<semaphore_mem>> -> memref<!tpu.dma_semaphore, #tpu.memory_space<semaphore_mem>>
      tpu.enqueue_indirect_dma source(%dma_start3A_793 : memref<10000x128xf32, #tpu.memory_space<hbm>>) target(%dma_start3A_789 : memref<80x128xf32, #tpu.memory_space<vmem>>) offsets(%dma_start3A_790 : memref<80xi32, #tpu.memory_space<vmem>>) semaphore(%dma_start3A_795 : memref<!tpu.dma_semaphore, #tpu.memory_space<semaphore_mem>>)
      %dma_start3A_796 = arith.constant 0 : i32
      %dma_start3A_797 = arith.constant 0 : i32
      %dma_start3A_798 = arith.constant 0 : i32
      %dma_start3A_799 = arith.constant 0 : i32
      %dma_start3A_800 = tpu.memref_slice %arg14[%dma_start3A_796, %dma_start3A_798, %dma_start3A_799] : memref<2x80x16xf32, #tpu.memory_space<vmem>> -> memref<1x80x16xf32, #tpu.memory_space<vmem>>
      %dma_start3A_801 = tpu.memref_squeeze %dma_start3A_800 : memref<1x80x16xf32, #tpu.memory_space<vmem>> -> memref<80x16xf32, #tpu.memory_space<vmem>>
      %dma_start3A_802 = tpu.memref_slice %arg10[%mul3A_771] : memref<10000xi32, #tpu.memory_space<vmem>> -> memref<80xi32, #tpu.memory_space<vmem>>
      %dma_start3A_803 = arith.constant 0 : i32
      %dma_start3A_804 = arith.constant 0 : i32
      %dma_start3A_805 = tpu.memref_slice %arg4[%dma_start3A_803, %dma_start3A_804] : memref<10000x16xf32, #tpu.memory_space<hbm>> -> memref<10000x16xf32, #tpu.memory_space<hbm>>
      %dma_start3A_806 = tpu.memref_slice %arg17[%dma_start3A_797] : memref<2x!tpu.dma_semaphore, #tpu.memory_space<semaphore_mem>> -> memref<1x!tpu.dma_semaphore, #tpu.memory_space<semaphore_mem>>
      %dma_start3A_807 = tpu.memref_squeeze %dma_start3A_806 : memref<1x!tpu.dma_semaphore, #tpu.memory_space<semaphore_mem>> -> memref<!tpu.dma_semaphore, #tpu.memory_space<semaphore_mem>>
      tpu.enqueue_indirect_dma source(%dma_start3A_805 : memref<10000x16xf32, #tpu.memory_space<hbm>>) target(%dma_start3A_801 : memref<80x16xf32, #tpu.memory_space<vmem>>) offsets(%dma_start3A_802 : memref<80xi32, #tpu.memory_space<vmem>>) semaphore(%dma_start3A_807 : memref<!tpu.dma_semaphore, #tpu.memory_space<semaphore_mem>>)
      %dma_wait3A_808 = arith.constant 0 : i32
      %dma_wait3A_809 = arith.constant 0 : i32
      %dma_wait3A_810 = arith.constant 0 : i32
      %dma_wait3A_811 = arith.constant 0 : i32
      %dma_wait3A_812 = tpu.memref_slice %arg12[%dma_wait3A_808, %dma_wait3A_810, %dma_wait3A_811] : memref<2x80x256xf32, #tpu.memory_space<vmem>> -> memref<1x80x256xf32, #tpu.memory_space<vmem>>
      %dma_wait3A_813 = tpu.memref_squeeze %dma_wait3A_812 : memref<1x80x256xf32, #tpu.memory_space<vmem>> -> memref<80x256xf32, #tpu.memory_space<vmem>>
      %dma_wait3A_814 = arith.constant 0 : i32
      %dma_wait3A_815 = arith.constant 0 : i32
      %dma_wait3A_816 = tpu.memref_slice %arg2[%dma_wait3A_814, %dma_wait3A_815] : memref<10000x256xf32, #tpu.memory_space<hbm>> -> memref<80x256xf32, #tpu.memory_space<hbm>>
      %dma_wait3A_817 = tpu.memref_slice %arg15[%dma_wait3A_809] : memref<2x!tpu.dma_semaphore, #tpu.memory_space<semaphore_mem>> -> memref<1x!tpu.dma_semaphore, #tpu.memory_space<semaphore_mem>>
      %dma_wait3A_818 = tpu.memref_squeeze %dma_wait3A_817 : memref<1x!tpu.dma_semaphore, #tpu.memory_space<semaphore_mem>> -> memref<!tpu.dma_semaphore, #tpu.memory_space<semaphore_mem>>
      %dma_wait3A_819 = arith.constant 0 : i32
      %dma_wait3A_820 = arith.constant 0 : i32
      %dma_wait3A_821 = tpu.memref_slice %arg12[%dma_wait3A_808, %dma_wait3A_819, %dma_wait3A_820] : memref<2x80x256xf32, #tpu.memory_space<vmem>> -> memref<1x80x256xf32, #tpu.memory_space<vmem>>
      %dma_wait3A_822 = tpu.memref_squeeze %dma_wait3A_821 : memref<1x80x256xf32, #tpu.memory_space<vmem>> -> memref<80x256xf32, #tpu.memory_space<vmem>>
      %dma_wait3A_823 = arith.constant 0 : i32
      %dma_wait3A_824 = arith.constant 0 : i32
      %dma_wait3A_825 = tpu.memref_slice %arg2[%dma_wait3A_823, %dma_wait3A_824] : memref<10000x256xf32, #tpu.memory_space<hbm>> -> memref<80x256xf32, #tpu.memory_space<hbm>>
      tpu.wait_dma2 semaphore(%dma_wait3A_818 : memref<!tpu.dma_semaphore, #tpu.memory_space<semaphore_mem>>) src(%dma_wait3A_825 : memref<80x256xf32, #tpu.memory_space<hbm>>) dst(%dma_wait3A_822 : memref<80x256xf32, #tpu.memory_space<vmem>>)
      %dma_wait3A_826 = arith.constant 0 : i32
      %dma_wait3A_827 = arith.constant 0 : i32
      %dma_wait3A_828 = arith.constant 0 : i32
      %dma_wait3A_829 = arith.constant 0 : i32
      %dma_wait3A_830 = tpu.memref_slice %arg13[%dma_wait3A_826, %dma_wait3A_828, %dma_wait3A_829] : memref<2x80x128xf32, #tpu.memory_space<vmem>> -> memref<1x80x128xf32, #tpu.memory_space<vmem>>
      %dma_wait3A_831 = tpu.memref_squeeze %dma_wait3A_830 : memref<1x80x128xf32, #tpu.memory_space<vmem>> -> memref<80x128xf32, #tpu.memory_space<vmem>>
      %dma_wait3A_832 = arith.constant 0 : i32
      %dma_wait3A_833 = arith.constant 0 : i32
      %dma_wait3A_834 = tpu.memref_slice %arg3[%dma_wait3A_832, %dma_wait3A_833] : memref<10000x128xf32, #tpu.memory_space<hbm>> -> memref<80x128xf32, #tpu.memory_space<hbm>>
      %dma_wait3A_835 = tpu.memref_slice %arg16[%dma_wait3A_827] : memref<2x!tpu.dma_semaphore, #tpu.memory_space<semaphore_mem>> -> memref<1x!tpu.dma_semaphore, #tpu.memory_space<semaphore_mem>>
      %dma_wait3A_836 = tpu.memref_squeeze %dma_wait3A_835 : memref<1x!tpu.dma_semaphore, #tpu.memory_space<semaphore_mem>> -> memref<!tpu.dma_semaphore, #tpu.memory_space<semaphore_mem>>
      %dma_wait3A_837 = arith.constant 0 : i32
      %dma_wait3A_838 = arith.constant 0 : i32
      %dma_wait3A_839 = tpu.memref_slice %arg13[%dma_wait3A_826, %dma_wait3A_837, %dma_wait3A_838] : memref<2x80x128xf32, #tpu.memory_space<vmem>> -> memref<1x80x128xf32, #tpu.memory_space<vmem>>
      %dma_wait3A_840 = tpu.memref_squeeze %dma_wait3A_839 : memref<1x80x128xf32, #tpu.memory_space<vmem>> -> memref<80x128xf32, #tpu.memory_space<vmem>>
      %dma_wait3A_841 = arith.constant 0 : i32
      %dma_wait3A_842 = arith.constant 0 : i32
      %dma_wait3A_843 = tpu.memref_slice %arg3[%dma_wait3A_841, %dma_wait3A_842] : memref<10000x128xf32, #tpu.memory_space<hbm>> -> memref<80x128xf32, #tpu.memory_space<hbm>>
      tpu.wait_dma2 semaphore(%dma_wait3A_836 : memref<!tpu.dma_semaphore, #tpu.memory_space<semaphore_mem>>) src(%dma_wait3A_843 : memref<80x128xf32, #tpu.memory_space<hbm>>) dst(%dma_wait3A_840 : memref<80x128xf32, #tpu.memory_space<vmem>>)
      %dma_wait3A_844 = arith.constant 0 : i32
      %dma_wait3A_845 = arith.constant 0 : i32
      %dma_wait3A_846 = arith.constant 0 : i32
      %dma_wait3A_847 = arith.constant 0 : i32
      %dma_wait3A_848 = tpu.memref_slice %arg14[%dma_wait3A_844, %dma_wait3A_846, %dma_wait3A_847] : memref<2x80x16xf32, #tpu.memory_space<vmem>> -> memref<1x80x16xf32, #tpu.memory_space<vmem>>
      %dma_wait3A_849 = tpu.memref_squeeze %dma_wait3A_848 : memref<1x80x16xf32, #tpu.memory_space<vmem>> -> memref<80x16xf32, #tpu.memory_space<vmem>>
      %dma_wait3A_850 = arith.constant 0 : i32
      %dma_wait3A_851 = arith.constant 0 : i32
      %dma_wait3A_852 = tpu.memref_slice %arg4[%dma_wait3A_850, %dma_wait3A_851] : memref<10000x16xf32, #tpu.memory_space<hbm>> -> memref<80x16xf32, #tpu.memory_space<hbm>>
      %dma_wait3A_853 = tpu.memref_slice %arg17[%dma_wait3A_845] : memref<2x!tpu.dma_semaphore, #tpu.memory_space<semaphore_mem>> -> memref<1x!tpu.dma_semaphore, #tpu.memory_space<semaphore_mem>>
      %dma_wait3A_854 = tpu.memref_squeeze %dma_wait3A_853 : memref<1x!tpu.dma_semaphore, #tpu.memory_space<semaphore_mem>> -> memref<!tpu.dma_semaphore, #tpu.memory_space<semaphore_mem>>
      %dma_wait3A_855 = arith.constant 0 : i32
      %dma_wait3A_856 = arith.constant 0 : i32
      %dma_wait3A_857 = tpu.memref_slice %arg14[%dma_wait3A_844, %dma_wait3A_855, %dma_wait3A_856] : memref<2x80x16xf32, #tpu.memory_space<vmem>> -> memref<1x80x16xf32, #tpu.memory_space<vmem>>
      %dma_wait3A_858 = tpu.memref_squeeze %dma_wait3A_857 : memref<1x80x16xf32, #tpu.memory_space<vmem>> -> memref<80x16xf32, #tpu.memory_space<vmem>>
      %dma_wait3A_859 = arith.constant 0 : i32
      %dma_wait3A_860 = arith.constant 0 : i32
      %dma_wait3A_861 = tpu.memref_slice %arg4[%dma_wait3A_859, %dma_wait3A_860] : memref<10000x16xf32, #tpu.memory_space<hbm>> -> memref<80x16xf32, #tpu.memory_space<hbm>>
      tpu.wait_dma2 semaphore(%dma_wait3A_854 : memref<!tpu.dma_semaphore, #tpu.memory_space<semaphore_mem>>) src(%dma_wait3A_861 : memref<80x16xf32, #tpu.memory_space<hbm>>) dst(%dma_wait3A_858 : memref<80x16xf32, #tpu.memory_space<vmem>>)
      %add3A_862 = arith.constant 1 : i32
      %add3A_863 = arith.addi %add3A_604, %add3A_862 : i32
      %mul3A_864 = arith.constant 80 : i32
      %mul3A_865 = arith.muli %add3A_863, %mul3A_864 : i32
      %add3A_866 = arith.addi %mul3A_2, %mul3A_865 : i32
      %dma_start3A_867 = arith.constant 0 : i32
      %dma_start3A_868 = arith.constant 0 : i32
      %dma_start3A_869 = arith.constant 0 : i32
      %dma_start3A_870 = arith.constant 0 : i32
      %dma_start3A_871 = tpu.memref_slice %arg12[%dma_start3A_867, %dma_start3A_869, %dma_start3A_870] : memref<2x80x256xf32, #tpu.memory_space<vmem>> -> memref<1x80x256xf32, #tpu.memory_space<vmem>>
      %dma_start3A_872 = tpu.memref_squeeze %dma_start3A_871 : memref<1x80x256xf32, #tpu.memory_space<vmem>> -> memref<80x256xf32, #tpu.memory_space<vmem>>
      %dma_start3A_873 = arith.constant 0 : i32
      %dma_start3A_874 = tpu.memref_slice %arg7[%add3A_866, %dma_start3A_873] : memref<320000x256xf32, #tpu.memory_space<hbm>> -> memref<80x256xf32, #tpu.memory_space<hbm>>
      %dma_start3A_875 = tpu.memref_slice %arg18[%dma_start3A_868] : memref<2x!tpu.dma_semaphore, #tpu.memory_space<semaphore_mem>> -> memref<1x!tpu.dma_semaphore, #tpu.memory_space<semaphore_mem>>
      %dma_start3A_876 = tpu.memref_squeeze %dma_start3A_875 : memref<1x!tpu.dma_semaphore, #tpu.memory_space<semaphore_mem>> -> memref<!tpu.dma_semaphore, #tpu.memory_space<semaphore_mem>>
      %dma_start3A_877 = arith.constant 0 : i32
      %dma_start3A_878 = tpu.memref_slice %arg7[%add3A_866, %dma_start3A_877] : memref<320000x256xf32, #tpu.memory_space<hbm>> -> memref<80x256xf32, #tpu.memory_space<hbm>>
      %dma_start3A_879 = arith.constant 0 : i32
      %dma_start3A_880 = arith.constant 0 : i32
      %dma_start3A_881 = tpu.memref_slice %arg12[%dma_start3A_867, %dma_start3A_879, %dma_start3A_880] : memref<2x80x256xf32, #tpu.memory_space<vmem>> -> memref<1x80x256xf32, #tpu.memory_space<vmem>>
      %dma_start3A_882 = tpu.memref_squeeze %dma_start3A_881 : memref<1x80x256xf32, #tpu.memory_space<vmem>> -> memref<80x256xf32, #tpu.memory_space<vmem>>
      tpu.enqueue_dma source(%dma_start3A_882 : memref<80x256xf32, #tpu.memory_space<vmem>>) target(%dma_start3A_878 : memref<80x256xf32, #tpu.memory_space<hbm>>) target_semaphore(%dma_start3A_876 : memref<!tpu.dma_semaphore, #tpu.memory_space<semaphore_mem>>)
      %dma_start3A_883 = arith.constant 0 : i32
      %dma_start3A_884 = arith.constant 0 : i32
      %dma_start3A_885 = arith.constant 0 : i32
      %dma_start3A_886 = arith.constant 0 : i32
      %dma_start3A_887 = tpu.memref_slice %arg13[%dma_start3A_883, %dma_start3A_885, %dma_start3A_886] : memref<2x80x128xf32, #tpu.memory_space<vmem>> -> memref<1x80x128xf32, #tpu.memory_space<vmem>>
      %dma_start3A_888 = tpu.memref_squeeze %dma_start3A_887 : memref<1x80x128xf32, #tpu.memory_space<vmem>> -> memref<80x128xf32, #tpu.memory_space<vmem>>
      %dma_start3A_889 = arith.constant 0 : i32
      %dma_start3A_890 = tpu.memref_slice %arg8[%add3A_866, %dma_start3A_889] : memref<320000x128xf32, #tpu.memory_space<hbm>> -> memref<80x128xf32, #tpu.memory_space<hbm>>
      %dma_start3A_891 = tpu.memref_slice %arg19[%dma_start3A_884] : memref<2x!tpu.dma_semaphore, #tpu.memory_space<semaphore_mem>> -> memref<1x!tpu.dma_semaphore, #tpu.memory_space<semaphore_mem>>
      %dma_start3A_892 = tpu.memref_squeeze %dma_start3A_891 : memref<1x!tpu.dma_semaphore, #tpu.memory_space<semaphore_mem>> -> memref<!tpu.dma_semaphore, #tpu.memory_space<semaphore_mem>>
      %dma_start3A_893 = arith.constant 0 : i32
      %dma_start3A_894 = tpu.memref_slice %arg8[%add3A_866, %dma_start3A_893] : memref<320000x128xf32, #tpu.memory_space<hbm>> -> memref<80x128xf32, #tpu.memory_space<hbm>>
      %dma_start3A_895 = arith.constant 0 : i32
      %dma_start3A_896 = arith.constant 0 : i32
      %dma_start3A_897 = tpu.memref_slice %arg13[%dma_start3A_883, %dma_start3A_895, %dma_start3A_896] : memref<2x80x128xf32, #tpu.memory_space<vmem>> -> memref<1x80x128xf32, #tpu.memory_space<vmem>>
      %dma_start3A_898 = tpu.memref_squeeze %dma_start3A_897 : memref<1x80x128xf32, #tpu.memory_space<vmem>> -> memref<80x128xf32, #tpu.memory_space<vmem>>
      tpu.enqueue_dma source(%dma_start3A_898 : memref<80x128xf32, #tpu.memory_space<vmem>>) target(%dma_start3A_894 : memref<80x128xf32, #tpu.memory_space<hbm>>) target_semaphore(%dma_start3A_892 : memref<!tpu.dma_semaphore, #tpu.memory_space<semaphore_mem>>)
      %dma_start3A_899 = arith.constant 0 : i32
      %dma_start3A_900 = arith.constant 0 : i32
      %dma_start3A_901 = arith.constant 0 : i32
      %dma_start3A_902 = arith.constant 0 : i32
      %dma_start3A_903 = tpu.memref_slice %arg14[%dma_start3A_899, %dma_start3A_901, %dma_start3A_902] : memref<2x80x16xf32, #tpu.memory_space<vmem>> -> memref<1x80x16xf32, #tpu.memory_space<vmem>>
      %dma_start3A_904 = tpu.memref_squeeze %dma_start3A_903 : memref<1x80x16xf32, #tpu.memory_space<vmem>> -> memref<80x16xf32, #tpu.memory_space<vmem>>
      %dma_start3A_905 = arith.constant 0 : i32
      %dma_start3A_906 = tpu.memref_slice %arg9[%add3A_866, %dma_start3A_905] : memref<320000x16xf32, #tpu.memory_space<hbm>> -> memref<80x16xf32, #tpu.memory_space<hbm>>
      %dma_start3A_907 = tpu.memref_slice %arg20[%dma_start3A_900] : memref<2x!tpu.dma_semaphore, #tpu.memory_space<semaphore_mem>> -> memref<1x!tpu.dma_semaphore, #tpu.memory_space<semaphore_mem>>
      %dma_start3A_908 = tpu.memref_squeeze %dma_start3A_907 : memref<1x!tpu.dma_semaphore, #tpu.memory_space<semaphore_mem>> -> memref<!tpu.dma_semaphore, #tpu.memory_space<semaphore_mem>>
      %dma_start3A_909 = arith.constant 0 : i32
      %dma_start3A_910 = tpu.memref_slice %arg9[%add3A_866, %dma_start3A_909] : memref<320000x16xf32, #tpu.memory_space<hbm>> -> memref<80x16xf32, #tpu.memory_space<hbm>>
      %dma_start3A_911 = arith.constant 0 : i32
      %dma_start3A_912 = arith.constant 0 : i32
      %dma_start3A_913 = tpu.memref_slice %arg14[%dma_start3A_899, %dma_start3A_911, %dma_start3A_912] : memref<2x80x16xf32, #tpu.memory_space<vmem>> -> memref<1x80x16xf32, #tpu.memory_space<vmem>>
      %dma_start3A_914 = tpu.memref_squeeze %dma_start3A_913 : memref<1x80x16xf32, #tpu.memory_space<vmem>> -> memref<80x16xf32, #tpu.memory_space<vmem>>
      tpu.enqueue_dma source(%dma_start3A_914 : memref<80x16xf32, #tpu.memory_space<vmem>>) target(%dma_start3A_910 : memref<80x16xf32, #tpu.memory_space<hbm>>) target_semaphore(%dma_start3A_908 : memref<!tpu.dma_semaphore, #tpu.memory_space<semaphore_mem>>)
      %dma_wait3A_915 = arith.constant 1 : i32
      %dma_wait3A_916 = arith.constant 1 : i32
      %dma_wait3A_917 = arith.constant 0 : i32
      %dma_wait3A_918 = arith.constant 0 : i32
      %dma_wait3A_919 = tpu.memref_slice %arg12[%dma_wait3A_915, %dma_wait3A_917, %dma_wait3A_918] : memref<2x80x256xf32, #tpu.memory_space<vmem>> -> memref<1x80x256xf32, #tpu.memory_space<vmem>>
      %dma_wait3A_920 = tpu.memref_squeeze %dma_wait3A_919 : memref<1x80x256xf32, #tpu.memory_space<vmem>> -> memref<80x256xf32, #tpu.memory_space<vmem>>
      %dma_wait3A_921 = arith.constant 0 : i32
      %dma_wait3A_922 = arith.constant 0 : i32
      %dma_wait3A_923 = tpu.memref_slice %arg7[%dma_wait3A_921, %dma_wait3A_922] : memref<320000x256xf32, #tpu.memory_space<hbm>> -> memref<80x256xf32, #tpu.memory_space<hbm>>
      %dma_wait3A_924 = tpu.memref_slice %arg18[%dma_wait3A_916] : memref<2x!tpu.dma_semaphore, #tpu.memory_space<semaphore_mem>> -> memref<1x!tpu.dma_semaphore, #tpu.memory_space<semaphore_mem>>
      %dma_wait3A_925 = tpu.memref_squeeze %dma_wait3A_924 : memref<1x!tpu.dma_semaphore, #tpu.memory_space<semaphore_mem>> -> memref<!tpu.dma_semaphore, #tpu.memory_space<semaphore_mem>>
      %dma_wait3A_926 = arith.constant 0 : i32
      %dma_wait3A_927 = arith.constant 0 : i32
      %dma_wait3A_928 = tpu.memref_slice %arg7[%dma_wait3A_926, %dma_wait3A_927] : memref<320000x256xf32, #tpu.memory_space<hbm>> -> memref<80x256xf32, #tpu.memory_space<hbm>>
      %dma_wait3A_929 = arith.constant 0 : i32
      %dma_wait3A_930 = arith.constant 0 : i32
      %dma_wait3A_931 = tpu.memref_slice %arg12[%dma_wait3A_915, %dma_wait3A_929, %dma_wait3A_930] : memref<2x80x256xf32, #tpu.memory_space<vmem>> -> memref<1x80x256xf32, #tpu.memory_space<vmem>>
      %dma_wait3A_932 = tpu.memref_squeeze %dma_wait3A_931 : memref<1x80x256xf32, #tpu.memory_space<vmem>> -> memref<80x256xf32, #tpu.memory_space<vmem>>
      tpu.wait_dma2 semaphore(%dma_wait3A_925 : memref<!tpu.dma_semaphore, #tpu.memory_space<semaphore_mem>>) src(%dma_wait3A_932 : memref<80x256xf32, #tpu.memory_space<vmem>>) dst(%dma_wait3A_928 : memref<80x256xf32, #tpu.memory_space<hbm>>)
      %dma_wait3A_933 = arith.constant 1 : i32
      %dma_wait3A_934 = arith.constant 1 : i32
      %dma_wait3A_935 = arith.constant 0 : i32
      %dma_wait3A_936 = arith.constant 0 : i32
      %dma_wait3A_937 = tpu.memref_slice %arg13[%dma_wait3A_933, %dma_wait3A_935, %dma_wait3A_936] : memref<2x80x128xf32, #tpu.memory_space<vmem>> -> memref<1x80x128xf32, #tpu.memory_space<vmem>>
      %dma_wait3A_938 = tpu.memref_squeeze %dma_wait3A_937 : memref<1x80x128xf32, #tpu.memory_space<vmem>> -> memref<80x128xf32, #tpu.memory_space<vmem>>
      %dma_wait3A_939 = arith.constant 0 : i32
      %dma_wait3A_940 = arith.constant 0 : i32
      %dma_wait3A_941 = tpu.memref_slice %arg8[%dma_wait3A_939, %dma_wait3A_940] : memref<320000x128xf32, #tpu.memory_space<hbm>> -> memref<80x128xf32, #tpu.memory_space<hbm>>
      %dma_wait3A_942 = tpu.memref_slice %arg19[%dma_wait3A_934] : memref<2x!tpu.dma_semaphore, #tpu.memory_space<semaphore_mem>> -> memref<1x!tpu.dma_semaphore, #tpu.memory_space<semaphore_mem>>
      %dma_wait3A_943 = tpu.memref_squeeze %dma_wait3A_942 : memref<1x!tpu.dma_semaphore, #tpu.memory_space<semaphore_mem>> -> memref<!tpu.dma_semaphore, #tpu.memory_space<semaphore_mem>>
      %dma_wait3A_944 = arith.constant 0 : i32
      %dma_wait3A_945 = arith.constant 0 : i32
      %dma_wait3A_946 = tpu.memref_slice %arg8[%dma_wait3A_944, %dma_wait3A_945] : memref<320000x128xf32, #tpu.memory_space<hbm>> -> memref<80x128xf32, #tpu.memory_space<hbm>>
      %dma_wait3A_947 = arith.constant 0 : i32
      %dma_wait3A_948 = arith.constant 0 : i32
      %dma_wait3A_949 = tpu.memref_slice %arg13[%dma_wait3A_933, %dma_wait3A_947, %dma_wait3A_948] : memref<2x80x128xf32, #tpu.memory_space<vmem>> -> memref<1x80x128xf32, #tpu.memory_space<vmem>>
      %dma_wait3A_950 = tpu.memref_squeeze %dma_wait3A_949 : memref<1x80x128xf32, #tpu.memory_space<vmem>> -> memref<80x128xf32, #tpu.memory_space<vmem>>
      tpu.wait_dma2 semaphore(%dma_wait3A_943 : memref<!tpu.dma_semaphore, #tpu.memory_space<semaphore_mem>>) src(%dma_wait3A_950 : memref<80x128xf32, #tpu.memory_space<vmem>>) dst(%dma_wait3A_946 : memref<80x128xf32, #tpu.memory_space<hbm>>)
      %dma_wait3A_951 = arith.constant 1 : i32
      %dma_wait3A_952 = arith.constant 1 : i32
      %dma_wait3A_953 = arith.constant 0 : i32
      %dma_wait3A_954 = arith.constant 0 : i32
      %dma_wait3A_955 = tpu.memref_slice %arg14[%dma_wait3A_951, %dma_wait3A_953, %dma_wait3A_954] : memref<2x80x16xf32, #tpu.memory_space<vmem>> -> memref<1x80x16xf32, #tpu.memory_space<vmem>>
      %dma_wait3A_956 = tpu.memref_squeeze %dma_wait3A_955 : memref<1x80x16xf32, #tpu.memory_space<vmem>> -> memref<80x16xf32, #tpu.memory_space<vmem>>
      %dma_wait3A_957 = arith.constant 0 : i32
      %dma_wait3A_958 = arith.constant 0 : i32
      %dma_wait3A_959 = tpu.memref_slice %arg9[%dma_wait3A_957, %dma_wait3A_958] : memref<320000x16xf32, #tpu.memory_space<hbm>> -> memref<80x16xf32, #tpu.memory_space<hbm>>
      %dma_wait3A_960 = tpu.memref_slice %arg20[%dma_wait3A_952] : memref<2x!tpu.dma_semaphore, #tpu.memory_space<semaphore_mem>> -> memref<1x!tpu.dma_semaphore, #tpu.memory_space<semaphore_mem>>
      %dma_wait3A_961 = tpu.memref_squeeze %dma_wait3A_960 : memref<1x!tpu.dma_semaphore, #tpu.memory_space<semaphore_mem>> -> memref<!tpu.dma_semaphore, #tpu.memory_space<semaphore_mem>>
      %dma_wait3A_962 = arith.constant 0 : i32
      %dma_wait3A_963 = arith.constant 0 : i32
      %dma_wait3A_964 = tpu.memref_slice %arg9[%dma_wait3A_962, %dma_wait3A_963] : memref<320000x16xf32, #tpu.memory_space<hbm>> -> memref<80x16xf32, #tpu.memory_space<hbm>>
      %dma_wait3A_965 = arith.constant 0 : i32
      %dma_wait3A_966 = arith.constant 0 : i32
      %dma_wait3A_967 = tpu.memref_slice %arg14[%dma_wait3A_951, %dma_wait3A_965, %dma_wait3A_966] : memref<2x80x16xf32, #tpu.memory_space<vmem>> -> memref<1x80x16xf32, #tpu.memory_space<vmem>>
      %dma_wait3A_968 = tpu.memref_squeeze %dma_wait3A_967 : memref<1x80x16xf32, #tpu.memory_space<vmem>> -> memref<80x16xf32, #tpu.memory_space<vmem>>
      tpu.wait_dma2 semaphore(%dma_wait3A_961 : memref<!tpu.dma_semaphore, #tpu.memory_space<semaphore_mem>>) src(%dma_wait3A_968 : memref<80x16xf32, #tpu.memory_space<vmem>>) dst(%dma_wait3A_964 : memref<80x16xf32, #tpu.memory_space<hbm>>)
      %add3A_969 = arith.constant 1 : i32
      %add3A_970 = arith.addi %add3A_604, %add3A_969 : i32
      %add3A_971 = arith.constant 1 : i32
      %add3A_972 = arith.addi %add3A_970, %add3A_971 : i32
      %mul3A_973 = arith.constant 80 : i32
      %mul3A_974 = arith.muli %add3A_972, %mul3A_973 : i32
      %dma_start3A_975 = arith.constant 1 : i32
      %dma_start3A_976 = arith.constant 1 : i32
      %dma_start3A_977 = arith.constant 0 : i32
      %dma_start3A_978 = arith.constant 0 : i32
      %dma_start3A_979 = tpu.memref_slice %arg12[%dma_start3A_975, %dma_start3A_977, %dma_start3A_978] : memref<2x80x256xf32, #tpu.memory_space<vmem>> -> memref<1x80x256xf32, #tpu.memory_space<vmem>>
      %dma_start3A_980 = tpu.memref_squeeze %dma_start3A_979 : memref<1x80x256xf32, #tpu.memory_space<vmem>> -> memref<80x256xf32, #tpu.memory_space<vmem>>
      %dma_start3A_981 = tpu.memref_slice %arg10[%mul3A_974] : memref<10000xi32, #tpu.memory_space<vmem>> -> memref<80xi32, #tpu.memory_space<vmem>>
      %dma_start3A_982 = arith.constant 0 : i32
      %dma_start3A_983 = arith.constant 0 : i32
      %dma_start3A_984 = tpu.memref_slice %arg2[%dma_start3A_982, %dma_start3A_983] : memref<10000x256xf32, #tpu.memory_space<hbm>> -> memref<10000x256xf32, #tpu.memory_space<hbm>>
      %dma_start3A_985 = tpu.memref_slice %arg15[%dma_start3A_976] : memref<2x!tpu.dma_semaphore, #tpu.memory_space<semaphore_mem>> -> memref<1x!tpu.dma_semaphore, #tpu.memory_space<semaphore_mem>>
      %dma_start3A_986 = tpu.memref_squeeze %dma_start3A_985 : memref<1x!tpu.dma_semaphore, #tpu.memory_space<semaphore_mem>> -> memref<!tpu.dma_semaphore, #tpu.memory_space<semaphore_mem>>
      tpu.enqueue_indirect_dma source(%dma_start3A_984 : memref<10000x256xf32, #tpu.memory_space<hbm>>) target(%dma_start3A_980 : memref<80x256xf32, #tpu.memory_space<vmem>>) offsets(%dma_start3A_981 : memref<80xi32, #tpu.memory_space<vmem>>) semaphore(%dma_start3A_986 : memref<!tpu.dma_semaphore, #tpu.memory_space<semaphore_mem>>)
      %dma_start3A_987 = arith.constant 1 : i32
      %dma_start3A_988 = arith.constant 1 : i32
      %dma_start3A_989 = arith.constant 0 : i32
      %dma_start3A_990 = arith.constant 0 : i32
      %dma_start3A_991 = tpu.memref_slice %arg13[%dma_start3A_987, %dma_start3A_989, %dma_start3A_990] : memref<2x80x128xf32, #tpu.memory_space<vmem>> -> memref<1x80x128xf32, #tpu.memory_space<vmem>>
      %dma_start3A_992 = tpu.memref_squeeze %dma_start3A_991 : memref<1x80x128xf32, #tpu.memory_space<vmem>> -> memref<80x128xf32, #tpu.memory_space<vmem>>
      %dma_start3A_993 = tpu.memref_slice %arg11[%mul3A_974] : memref<10000xi32, #tpu.memory_space<vmem>> -> memref<80xi32, #tpu.memory_space<vmem>>
      %dma_start3A_994 = arith.constant 0 : i32
      %dma_start3A_995 = arith.constant 0 : i32
      %dma_start3A_996 = tpu.memref_slice %arg3[%dma_start3A_994, %dma_start3A_995] : memref<10000x128xf32, #tpu.memory_space<hbm>> -> memref<10000x128xf32, #tpu.memory_space<hbm>>
      %dma_start3A_997 = tpu.memref_slice %arg16[%dma_start3A_988] : memref<2x!tpu.dma_semaphore, #tpu.memory_space<semaphore_mem>> -> memref<1x!tpu.dma_semaphore, #tpu.memory_space<semaphore_mem>>
      %dma_start3A_998 = tpu.memref_squeeze %dma_start3A_997 : memref<1x!tpu.dma_semaphore, #tpu.memory_space<semaphore_mem>> -> memref<!tpu.dma_semaphore, #tpu.memory_space<semaphore_mem>>
      tpu.enqueue_indirect_dma source(%dma_start3A_996 : memref<10000x128xf32, #tpu.memory_space<hbm>>) target(%dma_start3A_992 : memref<80x128xf32, #tpu.memory_space<vmem>>) offsets(%dma_start3A_993 : memref<80xi32, #tpu.memory_space<vmem>>) semaphore(%dma_start3A_998 : memref<!tpu.dma_semaphore, #tpu.memory_space<semaphore_mem>>)
      %dma_start3A_999 = arith.constant 1 : i32
      %dma_start3A_1000 = arith.constant 1 : i32
      %dma_start3A_1001 = arith.constant 0 : i32
      %dma_start3A_1002 = arith.constant 0 : i32
      %dma_start3A_1003 = tpu.memref_slice %arg14[%dma_start3A_999, %dma_start3A_1001, %dma_start3A_1002] : memref<2x80x16xf32, #tpu.memory_space<vmem>> -> memref<1x80x16xf32, #tpu.memory_space<vmem>>
      %dma_start3A_1004 = tpu.memref_squeeze %dma_start3A_1003 : memref<1x80x16xf32, #tpu.memory_space<vmem>> -> memref<80x16xf32, #tpu.memory_space<vmem>>
      %dma_start3A_1005 = tpu.memref_slice %arg10[%mul3A_974] : memref<10000xi32, #tpu.memory_space<vmem>> -> memref<80xi32, #tpu.memory_space<vmem>>
      %dma_start3A_1006 = arith.constant 0 : i32
      %dma_start3A_1007 = arith.constant 0 : i32
      %dma_start3A_1008 = tpu.memref_slice %arg4[%dma_start3A_1006, %dma_start3A_1007] : memref<10000x16xf32, #tpu.memory_space<hbm>> -> memref<10000x16xf32, #tpu.memory_space<hbm>>
      %dma_start3A_1009 = tpu.memref_slice %arg17[%dma_start3A_1000] : memref<2x!tpu.dma_semaphore, #tpu.memory_space<semaphore_mem>> -> memref<1x!tpu.dma_semaphore, #tpu.memory_space<semaphore_mem>>
      %dma_start3A_1010 = tpu.memref_squeeze %dma_start3A_1009 : memref<1x!tpu.dma_semaphore, #tpu.memory_space<semaphore_mem>> -> memref<!tpu.dma_semaphore, #tpu.memory_space<semaphore_mem>>
      tpu.enqueue_indirect_dma source(%dma_start3A_1008 : memref<10000x16xf32, #tpu.memory_space<hbm>>) target(%dma_start3A_1004 : memref<80x16xf32, #tpu.memory_space<vmem>>) offsets(%dma_start3A_1005 : memref<80xi32, #tpu.memory_space<vmem>>) semaphore(%dma_start3A_1010 : memref<!tpu.dma_semaphore, #tpu.memory_space<semaphore_mem>>)
    }
    %scan3A_186 = arith.constant 61 : i32
    %dma_wait3A_187 = arith.constant 1 : i32
    %dma_wait3A_188 = arith.constant 1 : i32
    %dma_wait3A_189 = arith.constant 0 : i32
    %dma_wait3A_190 = arith.constant 0 : i32
    %dma_wait3A_191 = tpu.memref_slice %arg12[%dma_wait3A_187, %dma_wait3A_189, %dma_wait3A_190] : memref<2x80x256xf32, #tpu.memory_space<vmem>> -> memref<1x80x256xf32, #tpu.memory_space<vmem>>
    %dma_wait3A_192 = tpu.memref_squeeze %dma_wait3A_191 : memref<1x80x256xf32, #tpu.memory_space<vmem>> -> memref<80x256xf32, #tpu.memory_space<vmem>>
    %dma_wait3A_193 = arith.constant 0 : i32
    %dma_wait3A_194 = arith.constant 0 : i32
    %dma_wait3A_195 = tpu.memref_slice %arg2[%dma_wait3A_193, %dma_wait3A_194] : memref<10000x256xf32, #tpu.memory_space<hbm>> -> memref<80x256xf32, #tpu.memory_space<hbm>>
    %dma_wait3A_196 = tpu.memref_slice %arg15[%dma_wait3A_188] : memref<2x!tpu.dma_semaphore, #tpu.memory_space<semaphore_mem>> -> memref<1x!tpu.dma_semaphore, #tpu.memory_space<semaphore_mem>>
    %dma_wait3A_197 = tpu.memref_squeeze %dma_wait3A_196 : memref<1x!tpu.dma_semaphore, #tpu.memory_space<semaphore_mem>> -> memref<!tpu.dma_semaphore, #tpu.memory_space<semaphore_mem>>
    %dma_wait3A_198 = arith.constant 0 : i32
    %dma_wait3A_199 = arith.constant 0 : i32
    %dma_wait3A_200 = tpu.memref_slice %arg12[%dma_wait3A_187, %dma_wait3A_198, %dma_wait3A_199] : memref<2x80x256xf32, #tpu.memory_space<vmem>> -> memref<1x80x256xf32, #tpu.memory_space<vmem>>
    %dma_wait3A_201 = tpu.memref_squeeze %dma_wait3A_200 : memref<1x80x256xf32, #tpu.memory_space<vmem>> -> memref<80x256xf32, #tpu.memory_space<vmem>>
    %dma_wait3A_202 = arith.constant 0 : i32
    %dma_wait3A_203 = arith.constant 0 : i32
    %dma_wait3A_204 = tpu.memref_slice %arg2[%dma_wait3A_202, %dma_wait3A_203] : memref<10000x256xf32, #tpu.memory_space<hbm>> -> memref<80x256xf32, #tpu.memory_space<hbm>>
    tpu.wait_dma2 semaphore(%dma_wait3A_197 : memref<!tpu.dma_semaphore, #tpu.memory_space<semaphore_mem>>) src(%dma_wait3A_204 : memref<80x256xf32, #tpu.memory_space<hbm>>) dst(%dma_wait3A_201 : memref<80x256xf32, #tpu.memory_space<vmem>>)
    %dma_wait3A_205 = arith.constant 1 : i32
    %dma_wait3A_206 = arith.constant 1 : i32
    %dma_wait3A_207 = arith.constant 0 : i32
    %dma_wait3A_208 = arith.constant 0 : i32
    %dma_wait3A_209 = tpu.memref_slice %arg13[%dma_wait3A_205, %dma_wait3A_207, %dma_wait3A_208] : memref<2x80x128xf32, #tpu.memory_space<vmem>> -> memref<1x80x128xf32, #tpu.memory_space<vmem>>
    %dma_wait3A_210 = tpu.memref_squeeze %dma_wait3A_209 : memref<1x80x128xf32, #tpu.memory_space<vmem>> -> memref<80x128xf32, #tpu.memory_space<vmem>>
    %dma_wait3A_211 = arith.constant 0 : i32
    %dma_wait3A_212 = arith.constant 0 : i32
    %dma_wait3A_213 = tpu.memref_slice %arg3[%dma_wait3A_211, %dma_wait3A_212] : memref<10000x128xf32, #tpu.memory_space<hbm>> -> memref<80x128xf32, #tpu.memory_space<hbm>>
    %dma_wait3A_214 = tpu.memref_slice %arg16[%dma_wait3A_206] : memref<2x!tpu.dma_semaphore, #tpu.memory_space<semaphore_mem>> -> memref<1x!tpu.dma_semaphore, #tpu.memory_space<semaphore_mem>>
    %dma_wait3A_215 = tpu.memref_squeeze %dma_wait3A_214 : memref<1x!tpu.dma_semaphore, #tpu.memory_space<semaphore_mem>> -> memref<!tpu.dma_semaphore, #tpu.memory_space<semaphore_mem>>
    %dma_wait3A_216 = arith.constant 0 : i32
    %dma_wait3A_217 = arith.constant 0 : i32
    %dma_wait3A_218 = tpu.memref_slice %arg13[%dma_wait3A_205, %dma_wait3A_216, %dma_wait3A_217] : memref<2x80x128xf32, #tpu.memory_space<vmem>> -> memref<1x80x128xf32, #tpu.memory_space<vmem>>
    %dma_wait3A_219 = tpu.memref_squeeze %dma_wait3A_218 : memref<1x80x128xf32, #tpu.memory_space<vmem>> -> memref<80x128xf32, #tpu.memory_space<vmem>>
    %dma_wait3A_220 = arith.constant 0 : i32
    %dma_wait3A_221 = arith.constant 0 : i32
    %dma_wait3A_222 = tpu.memref_slice %arg3[%dma_wait3A_220, %dma_wait3A_221] : memref<10000x128xf32, #tpu.memory_space<hbm>> -> memref<80x128xf32, #tpu.memory_space<hbm>>
    tpu.wait_dma2 semaphore(%dma_wait3A_215 : memref<!tpu.dma_semaphore, #tpu.memory_space<semaphore_mem>>) src(%dma_wait3A_222 : memref<80x128xf32, #tpu.memory_space<hbm>>) dst(%dma_wait3A_219 : memref<80x128xf32, #tpu.memory_space<vmem>>)
    %dma_wait3A_223 = arith.constant 1 : i32
    %dma_wait3A_224 = arith.constant 1 : i32
    %dma_wait3A_225 = arith.constant 0 : i32
    %dma_wait3A_226 = arith.constant 0 : i32
    %dma_wait3A_227 = tpu.memref_slice %arg14[%dma_wait3A_223, %dma_wait3A_225, %dma_wait3A_226] : memref<2x80x16xf32, #tpu.memory_space<vmem>> -> memref<1x80x16xf32, #tpu.memory_space<vmem>>
    %dma_wait3A_228 = tpu.memref_squeeze %dma_wait3A_227 : memref<1x80x16xf32, #tpu.memory_space<vmem>> -> memref<80x16xf32, #tpu.memory_space<vmem>>
    %dma_wait3A_229 = arith.constant 0 : i32
    %dma_wait3A_230 = arith.constant 0 : i32
    %dma_wait3A_231 = tpu.memref_slice %arg4[%dma_wait3A_229, %dma_wait3A_230] : memref<10000x16xf32, #tpu.memory_space<hbm>> -> memref<80x16xf32, #tpu.memory_space<hbm>>
    %dma_wait3A_232 = tpu.memref_slice %arg17[%dma_wait3A_224] : memref<2x!tpu.dma_semaphore, #tpu.memory_space<semaphore_mem>> -> memref<1x!tpu.dma_semaphore, #tpu.memory_space<semaphore_mem>>
    %dma_wait3A_233 = tpu.memref_squeeze %dma_wait3A_232 : memref<1x!tpu.dma_semaphore, #tpu.memory_space<semaphore_mem>> -> memref<!tpu.dma_semaphore, #tpu.memory_space<semaphore_mem>>
    %dma_wait3A_234 = arith.constant 0 : i32
    %dma_wait3A_235 = arith.constant 0 : i32
    %dma_wait3A_236 = tpu.memref_slice %arg14[%dma_wait3A_223, %dma_wait3A_234, %dma_wait3A_235] : memref<2x80x16xf32, #tpu.memory_space<vmem>> -> memref<1x80x16xf32, #tpu.memory_space<vmem>>
    %dma_wait3A_237 = tpu.memref_squeeze %dma_wait3A_236 : memref<1x80x16xf32, #tpu.memory_space<vmem>> -> memref<80x16xf32, #tpu.memory_space<vmem>>
    %dma_wait3A_238 = arith.constant 0 : i32
    %dma_wait3A_239 = arith.constant 0 : i32
    %dma_wait3A_240 = tpu.memref_slice %arg4[%dma_wait3A_238, %dma_wait3A_239] : memref<10000x16xf32, #tpu.memory_space<hbm>> -> memref<80x16xf32, #tpu.memory_space<hbm>>
    tpu.wait_dma2 semaphore(%dma_wait3A_233 : memref<!tpu.dma_semaphore, #tpu.memory_space<semaphore_mem>>) src(%dma_wait3A_240 : memref<80x16xf32, #tpu.memory_space<hbm>>) dst(%dma_wait3A_237 : memref<80x16xf32, #tpu.memory_space<vmem>>)
    %add3A_241 = arith.constant 9840 : i32
    %add3A_242 = arith.addi %mul3A_2, %add3A_241 : i32
    %dma_start3A_243 = arith.constant 1 : i32
    %dma_start3A_244 = arith.constant 1 : i32
    %dma_start3A_245 = arith.constant 0 : i32
    %dma_start3A_246 = arith.constant 0 : i32
    %dma_start3A_247 = tpu.memref_slice %arg12[%dma_start3A_243, %dma_start3A_245, %dma_start3A_246] : memref<2x80x256xf32, #tpu.memory_space<vmem>> -> memref<1x80x256xf32, #tpu.memory_space<vmem>>
    %dma_start3A_248 = tpu.memref_squeeze %dma_start3A_247 : memref<1x80x256xf32, #tpu.memory_space<vmem>> -> memref<80x256xf32, #tpu.memory_space<vmem>>
    %dma_start3A_249 = arith.constant 0 : i32
    %dma_start3A_250 = tpu.memref_slice %arg7[%add3A_242, %dma_start3A_249] : memref<320000x256xf32, #tpu.memory_space<hbm>> -> memref<80x256xf32, #tpu.memory_space<hbm>>
    %dma_start3A_251 = tpu.memref_slice %arg18[%dma_start3A_244] : memref<2x!tpu.dma_semaphore, #tpu.memory_space<semaphore_mem>> -> memref<1x!tpu.dma_semaphore, #tpu.memory_space<semaphore_mem>>
    %dma_start3A_252 = tpu.memref_squeeze %dma_start3A_251 : memref<1x!tpu.dma_semaphore, #tpu.memory_space<semaphore_mem>> -> memref<!tpu.dma_semaphore, #tpu.memory_space<semaphore_mem>>
    %dma_start3A_253 = arith.constant 0 : i32
    %dma_start3A_254 = tpu.memref_slice %arg7[%add3A_242, %dma_start3A_253] : memref<320000x256xf32, #tpu.memory_space<hbm>> -> memref<80x256xf32, #tpu.memory_space<hbm>>
    %dma_start3A_255 = arith.constant 0 : i32
    %dma_start3A_256 = arith.constant 0 : i32
    %dma_start3A_257 = tpu.memref_slice %arg12[%dma_start3A_243, %dma_start3A_255, %dma_start3A_256] : memref<2x80x256xf32, #tpu.memory_space<vmem>> -> memref<1x80x256xf32, #tpu.memory_space<vmem>>
    %dma_start3A_258 = tpu.memref_squeeze %dma_start3A_257 : memref<1x80x256xf32, #tpu.memory_space<vmem>> -> memref<80x256xf32, #tpu.memory_space<vmem>>
    tpu.enqueue_dma source(%dma_start3A_258 : memref<80x256xf32, #tpu.memory_space<vmem>>) target(%dma_start3A_254 : memref<80x256xf32, #tpu.memory_space<hbm>>) target_semaphore(%dma_start3A_252 : memref<!tpu.dma_semaphore, #tpu.memory_space<semaphore_mem>>)
    %dma_start3A_259 = arith.constant 1 : i32
    %dma_start3A_260 = arith.constant 1 : i32
    %dma_start3A_261 = arith.constant 0 : i32
    %dma_start3A_262 = arith.constant 0 : i32
    %dma_start3A_263 = tpu.memref_slice %arg13[%dma_start3A_259, %dma_start3A_261, %dma_start3A_262] : memref<2x80x128xf32, #tpu.memory_space<vmem>> -> memref<1x80x128xf32, #tpu.memory_space<vmem>>
    %dma_start3A_264 = tpu.memref_squeeze %dma_start3A_263 : memref<1x80x128xf32, #tpu.memory_space<vmem>> -> memref<80x128xf32, #tpu.memory_space<vmem>>
    %dma_start3A_265 = arith.constant 0 : i32
    %dma_start3A_266 = tpu.memref_slice %arg8[%add3A_242, %dma_start3A_265] : memref<320000x128xf32, #tpu.memory_space<hbm>> -> memref<80x128xf32, #tpu.memory_space<hbm>>
    %dma_start3A_267 = tpu.memref_slice %arg19[%dma_start3A_260] : memref<2x!tpu.dma_semaphore, #tpu.memory_space<semaphore_mem>> -> memref<1x!tpu.dma_semaphore, #tpu.memory_space<semaphore_mem>>
    %dma_start3A_268 = tpu.memref_squeeze %dma_start3A_267 : memref<1x!tpu.dma_semaphore, #tpu.memory_space<semaphore_mem>> -> memref<!tpu.dma_semaphore, #tpu.memory_space<semaphore_mem>>
    %dma_start3A_269 = arith.constant 0 : i32
    %dma_start3A_270 = tpu.memref_slice %arg8[%add3A_242, %dma_start3A_269] : memref<320000x128xf32, #tpu.memory_space<hbm>> -> memref<80x128xf32, #tpu.memory_space<hbm>>
    %dma_start3A_271 = arith.constant 0 : i32
    %dma_start3A_272 = arith.constant 0 : i32
    %dma_start3A_273 = tpu.memref_slice %arg13[%dma_start3A_259, %dma_start3A_271, %dma_start3A_272] : memref<2x80x128xf32, #tpu.memory_space<vmem>> -> memref<1x80x128xf32, #tpu.memory_space<vmem>>
    %dma_start3A_274 = tpu.memref_squeeze %dma_start3A_273 : memref<1x80x128xf32, #tpu.memory_space<vmem>> -> memref<80x128xf32, #tpu.memory_space<vmem>>
    tpu.enqueue_dma source(%dma_start3A_274 : memref<80x128xf32, #tpu.memory_space<vmem>>) target(%dma_start3A_270 : memref<80x128xf32, #tpu.memory_space<hbm>>) target_semaphore(%dma_start3A_268 : memref<!tpu.dma_semaphore, #tpu.memory_space<semaphore_mem>>)
    %dma_start3A_275 = arith.constant 1 : i32
    %dma_start3A_276 = arith.constant 1 : i32
    %dma_start3A_277 = arith.constant 0 : i32
    %dma_start3A_278 = arith.constant 0 : i32
    %dma_start3A_279 = tpu.memref_slice %arg14[%dma_start3A_275, %dma_start3A_277, %dma_start3A_278] : memref<2x80x16xf32, #tpu.memory_space<vmem>> -> memref<1x80x16xf32, #tpu.memory_space<vmem>>
    %dma_start3A_280 = tpu.memref_squeeze %dma_start3A_279 : memref<1x80x16xf32, #tpu.memory_space<vmem>> -> memref<80x16xf32, #tpu.memory_space<vmem>>
    %dma_start3A_281 = arith.constant 0 : i32
    %dma_start3A_282 = tpu.memref_slice %arg9[%add3A_242, %dma_start3A_281] : memref<320000x16xf32, #tpu.memory_space<hbm>> -> memref<80x16xf32, #tpu.memory_space<hbm>>
    %dma_start3A_283 = tpu.memref_slice %arg20[%dma_start3A_276] : memref<2x!tpu.dma_semaphore, #tpu.memory_space<semaphore_mem>> -> memref<1x!tpu.dma_semaphore, #tpu.memory_space<semaphore_mem>>
    %dma_start3A_284 = tpu.memref_squeeze %dma_start3A_283 : memref<1x!tpu.dma_semaphore, #tpu.memory_space<semaphore_mem>> -> memref<!tpu.dma_semaphore, #tpu.memory_space<semaphore_mem>>
    %dma_start3A_285 = arith.constant 0 : i32
    %dma_start3A_286 = tpu.memref_slice %arg9[%add3A_242, %dma_start3A_285] : memref<320000x16xf32, #tpu.memory_space<hbm>> -> memref<80x16xf32, #tpu.memory_space<hbm>>
    %dma_start3A_287 = arith.constant 0 : i32
    %dma_start3A_288 = arith.constant 0 : i32
    %dma_start3A_289 = tpu.memref_slice %arg14[%dma_start3A_275, %dma_start3A_287, %dma_start3A_288] : memref<2x80x16xf32, #tpu.memory_space<vmem>> -> memref<1x80x16xf32, #tpu.memory_space<vmem>>
    %dma_start3A_290 = tpu.memref_squeeze %dma_start3A_289 : memref<1x80x16xf32, #tpu.memory_space<vmem>> -> memref<80x16xf32, #tpu.memory_space<vmem>>
    tpu.enqueue_dma source(%dma_start3A_290 : memref<80x16xf32, #tpu.memory_space<vmem>>) target(%dma_start3A_286 : memref<80x16xf32, #tpu.memory_space<hbm>>) target_semaphore(%dma_start3A_284 : memref<!tpu.dma_semaphore, #tpu.memory_space<semaphore_mem>>)
    %dma_wait3A_291 = arith.constant 0 : i32
    %dma_wait3A_292 = arith.constant 0 : i32
    %dma_wait3A_293 = arith.constant 0 : i32
    %dma_wait3A_294 = arith.constant 0 : i32
    %dma_wait3A_295 = tpu.memref_slice %arg12[%dma_wait3A_291, %dma_wait3A_293, %dma_wait3A_294] : memref<2x80x256xf32, #tpu.memory_space<vmem>> -> memref<1x80x256xf32, #tpu.memory_space<vmem>>
    %dma_wait3A_296 = tpu.memref_squeeze %dma_wait3A_295 : memref<1x80x256xf32, #tpu.memory_space<vmem>> -> memref<80x256xf32, #tpu.memory_space<vmem>>
    %dma_wait3A_297 = arith.constant 0 : i32
    %dma_wait3A_298 = arith.constant 0 : i32
    %dma_wait3A_299 = tpu.memref_slice %arg7[%dma_wait3A_297, %dma_wait3A_298] : memref<320000x256xf32, #tpu.memory_space<hbm>> -> memref<80x256xf32, #tpu.memory_space<hbm>>
    %dma_wait3A_300 = tpu.memref_slice %arg18[%dma_wait3A_292] : memref<2x!tpu.dma_semaphore, #tpu.memory_space<semaphore_mem>> -> memref<1x!tpu.dma_semaphore, #tpu.memory_space<semaphore_mem>>
    %dma_wait3A_301 = tpu.memref_squeeze %dma_wait3A_300 : memref<1x!tpu.dma_semaphore, #tpu.memory_space<semaphore_mem>> -> memref<!tpu.dma_semaphore, #tpu.memory_space<semaphore_mem>>
    %dma_wait3A_302 = arith.constant 0 : i32
    %dma_wait3A_303 = arith.constant 0 : i32
    %dma_wait3A_304 = tpu.memref_slice %arg7[%dma_wait3A_302, %dma_wait3A_303] : memref<320000x256xf32, #tpu.memory_space<hbm>> -> memref<80x256xf32, #tpu.memory_space<hbm>>
    %dma_wait3A_305 = arith.constant 0 : i32
    %dma_wait3A_306 = arith.constant 0 : i32
    %dma_wait3A_307 = tpu.memref_slice %arg12[%dma_wait3A_291, %dma_wait3A_305, %dma_wait3A_306] : memref<2x80x256xf32, #tpu.memory_space<vmem>> -> memref<1x80x256xf32, #tpu.memory_space<vmem>>
    %dma_wait3A_308 = tpu.memref_squeeze %dma_wait3A_307 : memref<1x80x256xf32, #tpu.memory_space<vmem>> -> memref<80x256xf32, #tpu.memory_space<vmem>>
    tpu.wait_dma2 semaphore(%dma_wait3A_301 : memref<!tpu.dma_semaphore, #tpu.memory_space<semaphore_mem>>) src(%dma_wait3A_308 : memref<80x256xf32, #tpu.memory_space<vmem>>) dst(%dma_wait3A_304 : memref<80x256xf32, #tpu.memory_space<hbm>>)
    %dma_wait3A_309 = arith.constant 0 : i32
    %dma_wait3A_310 = arith.constant 0 : i32
    %dma_wait3A_311 = arith.constant 0 : i32
    %dma_wait3A_312 = arith.constant 0 : i32
    %dma_wait3A_313 = tpu.memref_slice %arg13[%dma_wait3A_309, %dma_wait3A_311, %dma_wait3A_312] : memref<2x80x128xf32, #tpu.memory_space<vmem>> -> memref<1x80x128xf32, #tpu.memory_space<vmem>>
    %dma_wait3A_314 = tpu.memref_squeeze %dma_wait3A_313 : memref<1x80x128xf32, #tpu.memory_space<vmem>> -> memref<80x128xf32, #tpu.memory_space<vmem>>
    %dma_wait3A_315 = arith.constant 0 : i32
    %dma_wait3A_316 = arith.constant 0 : i32
    %dma_wait3A_317 = tpu.memref_slice %arg8[%dma_wait3A_315, %dma_wait3A_316] : memref<320000x128xf32, #tpu.memory_space<hbm>> -> memref<80x128xf32, #tpu.memory_space<hbm>>
    %dma_wait3A_318 = tpu.memref_slice %arg19[%dma_wait3A_310] : memref<2x!tpu.dma_semaphore, #tpu.memory_space<semaphore_mem>> -> memref<1x!tpu.dma_semaphore, #tpu.memory_space<semaphore_mem>>
    %dma_wait3A_319 = tpu.memref_squeeze %dma_wait3A_318 : memref<1x!tpu.dma_semaphore, #tpu.memory_space<semaphore_mem>> -> memref<!tpu.dma_semaphore, #tpu.memory_space<semaphore_mem>>
    %dma_wait3A_320 = arith.constant 0 : i32
    %dma_wait3A_321 = arith.constant 0 : i32
    %dma_wait3A_322 = tpu.memref_slice %arg8[%dma_wait3A_320, %dma_wait3A_321] : memref<320000x128xf32, #tpu.memory_space<hbm>> -> memref<80x128xf32, #tpu.memory_space<hbm>>
    %dma_wait3A_323 = arith.constant 0 : i32
    %dma_wait3A_324 = arith.constant 0 : i32
    %dma_wait3A_325 = tpu.memref_slice %arg13[%dma_wait3A_309, %dma_wait3A_323, %dma_wait3A_324] : memref<2x80x128xf32, #tpu.memory_space<vmem>> -> memref<1x80x128xf32, #tpu.memory_space<vmem>>
    %dma_wait3A_326 = tpu.memref_squeeze %dma_wait3A_325 : memref<1x80x128xf32, #tpu.memory_space<vmem>> -> memref<80x128xf32, #tpu.memory_space<vmem>>
    tpu.wait_dma2 semaphore(%dma_wait3A_319 : memref<!tpu.dma_semaphore, #tpu.memory_space<semaphore_mem>>) src(%dma_wait3A_326 : memref<80x128xf32, #tpu.memory_space<vmem>>) dst(%dma_wait3A_322 : memref<80x128xf32, #tpu.memory_space<hbm>>)
    %dma_wait3A_327 = arith.constant 0 : i32
    %dma_wait3A_328 = arith.constant 0 : i32
    %dma_wait3A_329 = arith.constant 0 : i32
    %dma_wait3A_330 = arith.constant 0 : i32
    %dma_wait3A_331 = tpu.memref_slice %arg14[%dma_wait3A_327, %dma_wait3A_329, %dma_wait3A_330] : memref<2x80x16xf32, #tpu.memory_space<vmem>> -> memref<1x80x16xf32, #tpu.memory_space<vmem>>
    %dma_wait3A_332 = tpu.memref_squeeze %dma_wait3A_331 : memref<1x80x16xf32, #tpu.memory_space<vmem>> -> memref<80x16xf32, #tpu.memory_space<vmem>>
    %dma_wait3A_333 = arith.constant 0 : i32
    %dma_wait3A_334 = arith.constant 0 : i32
    %dma_wait3A_335 = tpu.memref_slice %arg9[%dma_wait3A_333, %dma_wait3A_334] : memref<320000x16xf32, #tpu.memory_space<hbm>> -> memref<80x16xf32, #tpu.memory_space<hbm>>
    %dma_wait3A_336 = tpu.memref_slice %arg20[%dma_wait3A_328] : memref<2x!tpu.dma_semaphore, #tpu.memory_space<semaphore_mem>> -> memref<1x!tpu.dma_semaphore, #tpu.memory_space<semaphore_mem>>
    %dma_wait3A_337 = tpu.memref_squeeze %dma_wait3A_336 : memref<1x!tpu.dma_semaphore, #tpu.memory_space<semaphore_mem>> -> memref<!tpu.dma_semaphore, #tpu.memory_space<semaphore_mem>>
    %dma_wait3A_338 = arith.constant 0 : i32
    %dma_wait3A_339 = arith.constant 0 : i32
    %dma_wait3A_340 = tpu.memref_slice %arg9[%dma_wait3A_338, %dma_wait3A_339] : memref<320000x16xf32, #tpu.memory_space<hbm>> -> memref<80x16xf32, #tpu.memory_space<hbm>>
    %dma_wait3A_341 = arith.constant 0 : i32
    %dma_wait3A_342 = arith.constant 0 : i32
    %dma_wait3A_343 = tpu.memref_slice %arg14[%dma_wait3A_327, %dma_wait3A_341, %dma_wait3A_342] : memref<2x80x16xf32, #tpu.memory_space<vmem>> -> memref<1x80x16xf32, #tpu.memory_space<vmem>>
    %dma_wait3A_344 = tpu.memref_squeeze %dma_wait3A_343 : memref<1x80x16xf32, #tpu.memory_space<vmem>> -> memref<80x16xf32, #tpu.memory_space<vmem>>
    tpu.wait_dma2 semaphore(%dma_wait3A_337 : memref<!tpu.dma_semaphore, #tpu.memory_space<semaphore_mem>>) src(%dma_wait3A_344 : memref<80x16xf32, #tpu.memory_space<vmem>>) dst(%dma_wait3A_340 : memref<80x16xf32, #tpu.memory_space<hbm>>)
    %dma_start3A_345 = arith.constant 0 : i32
    %dma_start3A_346 = arith.constant 0 : i32
    %dma_start3A_347 = arith.constant 0 : i32
    %dma_start3A_348 = arith.constant 0 : i32
    %dma_start3A_349 = tpu.memref_slice %arg12[%dma_start3A_345, %dma_start3A_347, %dma_start3A_348] : memref<2x80x256xf32, #tpu.memory_space<vmem>> -> memref<1x80x256xf32, #tpu.memory_space<vmem>>
    %dma_start3A_350 = tpu.memref_squeeze %dma_start3A_349 : memref<1x80x256xf32, #tpu.memory_space<vmem>> -> memref<80x256xf32, #tpu.memory_space<vmem>>
    %dma_start3A_351 = arith.constant 9920 : i32
    %dma_start3A_352 = tpu.memref_slice %arg10[%dma_start3A_351] : memref<10000xi32, #tpu.memory_space<vmem>> -> memref<80xi32, #tpu.memory_space<vmem>>
    %dma_start3A_353 = arith.constant 0 : i32
    %dma_start3A_354 = arith.constant 0 : i32
    %dma_start3A_355 = tpu.memref_slice %arg2[%dma_start3A_353, %dma_start3A_354] : memref<10000x256xf32, #tpu.memory_space<hbm>> -> memref<10000x256xf32, #tpu.memory_space<hbm>>
    %dma_start3A_356 = tpu.memref_slice %arg15[%dma_start3A_346] : memref<2x!tpu.dma_semaphore, #tpu.memory_space<semaphore_mem>> -> memref<1x!tpu.dma_semaphore, #tpu.memory_space<semaphore_mem>>
    %dma_start3A_357 = tpu.memref_squeeze %dma_start3A_356 : memref<1x!tpu.dma_semaphore, #tpu.memory_space<semaphore_mem>> -> memref<!tpu.dma_semaphore, #tpu.memory_space<semaphore_mem>>
    tpu.enqueue_indirect_dma source(%dma_start3A_355 : memref<10000x256xf32, #tpu.memory_space<hbm>>) target(%dma_start3A_350 : memref<80x256xf32, #tpu.memory_space<vmem>>) offsets(%dma_start3A_352 : memref<80xi32, #tpu.memory_space<vmem>>) semaphore(%dma_start3A_357 : memref<!tpu.dma_semaphore, #tpu.memory_space<semaphore_mem>>)
    %dma_start3A_358 = arith.constant 0 : i32
    %dma_start3A_359 = arith.constant 0 : i32
    %dma_start3A_360 = arith.constant 0 : i32
    %dma_start3A_361 = arith.constant 0 : i32
    %dma_start3A_362 = tpu.memref_slice %arg13[%dma_start3A_358, %dma_start3A_360, %dma_start3A_361] : memref<2x80x128xf32, #tpu.memory_space<vmem>> -> memref<1x80x128xf32, #tpu.memory_space<vmem>>
    %dma_start3A_363 = tpu.memref_squeeze %dma_start3A_362 : memref<1x80x128xf32, #tpu.memory_space<vmem>> -> memref<80x128xf32, #tpu.memory_space<vmem>>
    %dma_start3A_364 = arith.constant 9920 : i32
    %dma_start3A_365 = tpu.memref_slice %arg11[%dma_start3A_364] : memref<10000xi32, #tpu.memory_space<vmem>> -> memref<80xi32, #tpu.memory_space<vmem>>
    %dma_start3A_366 = arith.constant 0 : i32
    %dma_start3A_367 = arith.constant 0 : i32
    %dma_start3A_368 = tpu.memref_slice %arg3[%dma_start3A_366, %dma_start3A_367] : memref<10000x128xf32, #tpu.memory_space<hbm>> -> memref<10000x128xf32, #tpu.memory_space<hbm>>
    %dma_start3A_369 = tpu.memref_slice %arg16[%dma_start3A_359] : memref<2x!tpu.dma_semaphore, #tpu.memory_space<semaphore_mem>> -> memref<1x!tpu.dma_semaphore, #tpu.memory_space<semaphore_mem>>
    %dma_start3A_370 = tpu.memref_squeeze %dma_start3A_369 : memref<1x!tpu.dma_semaphore, #tpu.memory_space<semaphore_mem>> -> memref<!tpu.dma_semaphore, #tpu.memory_space<semaphore_mem>>
    tpu.enqueue_indirect_dma source(%dma_start3A_368 : memref<10000x128xf32, #tpu.memory_space<hbm>>) target(%dma_start3A_363 : memref<80x128xf32, #tpu.memory_space<vmem>>) offsets(%dma_start3A_365 : memref<80xi32, #tpu.memory_space<vmem>>) semaphore(%dma_start3A_370 : memref<!tpu.dma_semaphore, #tpu.memory_space<semaphore_mem>>)
    %dma_start3A_371 = arith.constant 0 : i32
    %dma_start3A_372 = arith.constant 0 : i32
    %dma_start3A_373 = arith.constant 0 : i32
    %dma_start3A_374 = arith.constant 0 : i32
    %dma_start3A_375 = tpu.memref_slice %arg14[%dma_start3A_371, %dma_start3A_373, %dma_start3A_374] : memref<2x80x16xf32, #tpu.memory_space<vmem>> -> memref<1x80x16xf32, #tpu.memory_space<vmem>>
    %dma_start3A_376 = tpu.memref_squeeze %dma_start3A_375 : memref<1x80x16xf32, #tpu.memory_space<vmem>> -> memref<80x16xf32, #tpu.memory_space<vmem>>
    %dma_start3A_377 = arith.constant 9920 : i32
    %dma_start3A_378 = tpu.memref_slice %arg10[%dma_start3A_377] : memref<10000xi32, #tpu.memory_space<vmem>> -> memref<80xi32, #tpu.memory_space<vmem>>
    %dma_start3A_379 = arith.constant 0 : i32
    %dma_start3A_380 = arith.constant 0 : i32
    %dma_start3A_381 = tpu.memref_slice %arg4[%dma_start3A_379, %dma_start3A_380] : memref<10000x16xf32, #tpu.memory_space<hbm>> -> memref<10000x16xf32, #tpu.memory_space<hbm>>
    %dma_start3A_382 = tpu.memref_slice %arg17[%dma_start3A_372] : memref<2x!tpu.dma_semaphore, #tpu.memory_space<semaphore_mem>> -> memref<1x!tpu.dma_semaphore, #tpu.memory_space<semaphore_mem>>
    %dma_start3A_383 = tpu.memref_squeeze %dma_start3A_382 : memref<1x!tpu.dma_semaphore, #tpu.memory_space<semaphore_mem>> -> memref<!tpu.dma_semaphore, #tpu.memory_space<semaphore_mem>>
    tpu.enqueue_indirect_dma source(%dma_start3A_381 : memref<10000x16xf32, #tpu.memory_space<hbm>>) target(%dma_start3A_376 : memref<80x16xf32, #tpu.memory_space<vmem>>) offsets(%dma_start3A_378 : memref<80xi32, #tpu.memory_space<vmem>>) semaphore(%dma_start3A_383 : memref<!tpu.dma_semaphore, #tpu.memory_space<semaphore_mem>>)
    %dma_wait3A_384 = arith.constant 0 : i32
    %dma_wait3A_385 = arith.constant 0 : i32
    %dma_wait3A_386 = arith.constant 0 : i32
    %dma_wait3A_387 = arith.constant 0 : i32
    %dma_wait3A_388 = tpu.memref_slice %arg12[%dma_wait3A_384, %dma_wait3A_386, %dma_wait3A_387] : memref<2x80x256xf32, #tpu.memory_space<vmem>> -> memref<1x80x256xf32, #tpu.memory_space<vmem>>
    %dma_wait3A_389 = tpu.memref_squeeze %dma_wait3A_388 : memref<1x80x256xf32, #tpu.memory_space<vmem>> -> memref<80x256xf32, #tpu.memory_space<vmem>>
    %dma_wait3A_390 = arith.constant 0 : i32
    %dma_wait3A_391 = arith.constant 0 : i32
    %dma_wait3A_392 = tpu.memref_slice %arg2[%dma_wait3A_390, %dma_wait3A_391] : memref<10000x256xf32, #tpu.memory_space<hbm>> -> memref<80x256xf32, #tpu.memory_space<hbm>>
    %dma_wait3A_393 = tpu.memref_slice %arg15[%dma_wait3A_385] : memref<2x!tpu.dma_semaphore, #tpu.memory_space<semaphore_mem>> -> memref<1x!tpu.dma_semaphore, #tpu.memory_space<semaphore_mem>>
    %dma_wait3A_394 = tpu.memref_squeeze %dma_wait3A_393 : memref<1x!tpu.dma_semaphore, #tpu.memory_space<semaphore_mem>> -> memref<!tpu.dma_semaphore, #tpu.memory_space<semaphore_mem>>
    %dma_wait3A_395 = arith.constant 0 : i32
    %dma_wait3A_396 = arith.constant 0 : i32
    %dma_wait3A_397 = tpu.memref_slice %arg12[%dma_wait3A_384, %dma_wait3A_395, %dma_wait3A_396] : memref<2x80x256xf32, #tpu.memory_space<vmem>> -> memref<1x80x256xf32, #tpu.memory_space<vmem>>
    %dma_wait3A_398 = tpu.memref_squeeze %dma_wait3A_397 : memref<1x80x256xf32, #tpu.memory_space<vmem>> -> memref<80x256xf32, #tpu.memory_space<vmem>>
    %dma_wait3A_399 = arith.constant 0 : i32
    %dma_wait3A_400 = arith.constant 0 : i32
    %dma_wait3A_401 = tpu.memref_slice %arg2[%dma_wait3A_399, %dma_wait3A_400] : memref<10000x256xf32, #tpu.memory_space<hbm>> -> memref<80x256xf32, #tpu.memory_space<hbm>>
    tpu.wait_dma2 semaphore(%dma_wait3A_394 : memref<!tpu.dma_semaphore, #tpu.memory_space<semaphore_mem>>) src(%dma_wait3A_401 : memref<80x256xf32, #tpu.memory_space<hbm>>) dst(%dma_wait3A_398 : memref<80x256xf32, #tpu.memory_space<vmem>>)
    %dma_wait3A_402 = arith.constant 0 : i32
    %dma_wait3A_403 = arith.constant 0 : i32
    %dma_wait3A_404 = arith.constant 0 : i32
    %dma_wait3A_405 = arith.constant 0 : i32
    %dma_wait3A_406 = tpu.memref_slice %arg13[%dma_wait3A_402, %dma_wait3A_404, %dma_wait3A_405] : memref<2x80x128xf32, #tpu.memory_space<vmem>> -> memref<1x80x128xf32, #tpu.memory_space<vmem>>
    %dma_wait3A_407 = tpu.memref_squeeze %dma_wait3A_406 : memref<1x80x128xf32, #tpu.memory_space<vmem>> -> memref<80x128xf32, #tpu.memory_space<vmem>>
    %dma_wait3A_408 = arith.constant 0 : i32
    %dma_wait3A_409 = arith.constant 0 : i32
    %dma_wait3A_410 = tpu.memref_slice %arg3[%dma_wait3A_408, %dma_wait3A_409] : memref<10000x128xf32, #tpu.memory_space<hbm>> -> memref<80x128xf32, #tpu.memory_space<hbm>>
    %dma_wait3A_411 = tpu.memref_slice %arg16[%dma_wait3A_403] : memref<2x!tpu.dma_semaphore, #tpu.memory_space<semaphore_mem>> -> memref<1x!tpu.dma_semaphore, #tpu.memory_space<semaphore_mem>>
    %dma_wait3A_412 = tpu.memref_squeeze %dma_wait3A_411 : memref<1x!tpu.dma_semaphore, #tpu.memory_space<semaphore_mem>> -> memref<!tpu.dma_semaphore, #tpu.memory_space<semaphore_mem>>
    %dma_wait3A_413 = arith.constant 0 : i32
    %dma_wait3A_414 = arith.constant 0 : i32
    %dma_wait3A_415 = tpu.memref_slice %arg13[%dma_wait3A_402, %dma_wait3A_413, %dma_wait3A_414] : memref<2x80x128xf32, #tpu.memory_space<vmem>> -> memref<1x80x128xf32, #tpu.memory_space<vmem>>
    %dma_wait3A_416 = tpu.memref_squeeze %dma_wait3A_415 : memref<1x80x128xf32, #tpu.memory_space<vmem>> -> memref<80x128xf32, #tpu.memory_space<vmem>>
    %dma_wait3A_417 = arith.constant 0 : i32
    %dma_wait3A_418 = arith.constant 0 : i32
    %dma_wait3A_419 = tpu.memref_slice %arg3[%dma_wait3A_417, %dma_wait3A_418] : memref<10000x128xf32, #tpu.memory_space<hbm>> -> memref<80x128xf32, #tpu.memory_space<hbm>>
    tpu.wait_dma2 semaphore(%dma_wait3A_412 : memref<!tpu.dma_semaphore, #tpu.memory_space<semaphore_mem>>) src(%dma_wait3A_419 : memref<80x128xf32, #tpu.memory_space<hbm>>) dst(%dma_wait3A_416 : memref<80x128xf32, #tpu.memory_space<vmem>>)
    %dma_wait3A_420 = arith.constant 0 : i32
    %dma_wait3A_421 = arith.constant 0 : i32
    %dma_wait3A_422 = arith.constant 0 : i32
    %dma_wait3A_423 = arith.constant 0 : i32
    %dma_wait3A_424 = tpu.memref_slice %arg14[%dma_wait3A_420, %dma_wait3A_422, %dma_wait3A_423] : memref<2x80x16xf32, #tpu.memory_space<vmem>> -> memref<1x80x16xf32, #tpu.memory_space<vmem>>
    %dma_wait3A_425 = tpu.memref_squeeze %dma_wait3A_424 : memref<1x80x16xf32, #tpu.memory_space<vmem>> -> memref<80x16xf32, #tpu.memory_space<vmem>>
    %dma_wait3A_426 = arith.constant 0 : i32
    %dma_wait3A_427 = arith.constant 0 : i32
    %dma_wait3A_428 = tpu.memref_slice %arg4[%dma_wait3A_426, %dma_wait3A_427] : memref<10000x16xf32, #tpu.memory_space<hbm>> -> memref<80x16xf32, #tpu.memory_space<hbm>>
    %dma_wait3A_429 = tpu.memref_slice %arg17[%dma_wait3A_421] : memref<2x!tpu.dma_semaphore, #tpu.memory_space<semaphore_mem>> -> memref<1x!tpu.dma_semaphore, #tpu.memory_space<semaphore_mem>>
    %dma_wait3A_430 = tpu.memref_squeeze %dma_wait3A_429 : memref<1x!tpu.dma_semaphore, #tpu.memory_space<semaphore_mem>> -> memref<!tpu.dma_semaphore, #tpu.memory_space<semaphore_mem>>
    %dma_wait3A_431 = arith.constant 0 : i32
    %dma_wait3A_432 = arith.constant 0 : i32
    %dma_wait3A_433 = tpu.memref_slice %arg14[%dma_wait3A_420, %dma_wait3A_431, %dma_wait3A_432] : memref<2x80x16xf32, #tpu.memory_space<vmem>> -> memref<1x80x16xf32, #tpu.memory_space<vmem>>
    %dma_wait3A_434 = tpu.memref_squeeze %dma_wait3A_433 : memref<1x80x16xf32, #tpu.memory_space<vmem>> -> memref<80x16xf32, #tpu.memory_space<vmem>>
    %dma_wait3A_435 = arith.constant 0 : i32
    %dma_wait3A_436 = arith.constant 0 : i32
    %dma_wait3A_437 = tpu.memref_slice %arg4[%dma_wait3A_435, %dma_wait3A_436] : memref<10000x16xf32, #tpu.memory_space<hbm>> -> memref<80x16xf32, #tpu.memory_space<hbm>>
    tpu.wait_dma2 semaphore(%dma_wait3A_430 : memref<!tpu.dma_semaphore, #tpu.memory_space<semaphore_mem>>) src(%dma_wait3A_437 : memref<80x16xf32, #tpu.memory_space<hbm>>) dst(%dma_wait3A_434 : memref<80x16xf32, #tpu.memory_space<vmem>>)
    %add3A_438 = arith.constant 9920 : i32
    %add3A_439 = arith.addi %mul3A_2, %add3A_438 : i32
    %dma_start3A_440 = arith.constant 0 : i32
    %dma_start3A_441 = arith.constant 0 : i32
    %dma_start3A_442 = arith.constant 0 : i32
    %dma_start3A_443 = arith.constant 0 : i32
    %dma_start3A_444 = tpu.memref_slice %arg12[%dma_start3A_440, %dma_start3A_442, %dma_start3A_443] : memref<2x80x256xf32, #tpu.memory_space<vmem>> -> memref<1x80x256xf32, #tpu.memory_space<vmem>>
    %dma_start3A_445 = tpu.memref_squeeze %dma_start3A_444 : memref<1x80x256xf32, #tpu.memory_space<vmem>> -> memref<80x256xf32, #tpu.memory_space<vmem>>
    %dma_start3A_446 = arith.constant 0 : i32
    %dma_start3A_447 = tpu.memref_slice %arg7[%add3A_439, %dma_start3A_446] : memref<320000x256xf32, #tpu.memory_space<hbm>> -> memref<80x256xf32, #tpu.memory_space<hbm>>
    %dma_start3A_448 = tpu.memref_slice %arg18[%dma_start3A_441] : memref<2x!tpu.dma_semaphore, #tpu.memory_space<semaphore_mem>> -> memref<1x!tpu.dma_semaphore, #tpu.memory_space<semaphore_mem>>
    %dma_start3A_449 = tpu.memref_squeeze %dma_start3A_448 : memref<1x!tpu.dma_semaphore, #tpu.memory_space<semaphore_mem>> -> memref<!tpu.dma_semaphore, #tpu.memory_space<semaphore_mem>>
    %dma_start3A_450 = arith.constant 0 : i32
    %dma_start3A_451 = tpu.memref_slice %arg7[%add3A_439, %dma_start3A_450] : memref<320000x256xf32, #tpu.memory_space<hbm>> -> memref<80x256xf32, #tpu.memory_space<hbm>>
    %dma_start3A_452 = arith.constant 0 : i32
    %dma_start3A_453 = arith.constant 0 : i32
    %dma_start3A_454 = tpu.memref_slice %arg12[%dma_start3A_440, %dma_start3A_452, %dma_start3A_453] : memref<2x80x256xf32, #tpu.memory_space<vmem>> -> memref<1x80x256xf32, #tpu.memory_space<vmem>>
    %dma_start3A_455 = tpu.memref_squeeze %dma_start3A_454 : memref<1x80x256xf32, #tpu.memory_space<vmem>> -> memref<80x256xf32, #tpu.memory_space<vmem>>
    tpu.enqueue_dma source(%dma_start3A_455 : memref<80x256xf32, #tpu.memory_space<vmem>>) target(%dma_start3A_451 : memref<80x256xf32, #tpu.memory_space<hbm>>) target_semaphore(%dma_start3A_449 : memref<!tpu.dma_semaphore, #tpu.memory_space<semaphore_mem>>)
    %dma_start3A_456 = arith.constant 0 : i32
    %dma_start3A_457 = arith.constant 0 : i32
    %dma_start3A_458 = arith.constant 0 : i32
    %dma_start3A_459 = arith.constant 0 : i32
    %dma_start3A_460 = tpu.memref_slice %arg13[%dma_start3A_456, %dma_start3A_458, %dma_start3A_459] : memref<2x80x128xf32, #tpu.memory_space<vmem>> -> memref<1x80x128xf32, #tpu.memory_space<vmem>>
    %dma_start3A_461 = tpu.memref_squeeze %dma_start3A_460 : memref<1x80x128xf32, #tpu.memory_space<vmem>> -> memref<80x128xf32, #tpu.memory_space<vmem>>
    %dma_start3A_462 = arith.constant 0 : i32
    %dma_start3A_463 = tpu.memref_slice %arg8[%add3A_439, %dma_start3A_462] : memref<320000x128xf32, #tpu.memory_space<hbm>> -> memref<80x128xf32, #tpu.memory_space<hbm>>
    %dma_start3A_464 = tpu.memref_slice %arg19[%dma_start3A_457] : memref<2x!tpu.dma_semaphore, #tpu.memory_space<semaphore_mem>> -> memref<1x!tpu.dma_semaphore, #tpu.memory_space<semaphore_mem>>
    %dma_start3A_465 = tpu.memref_squeeze %dma_start3A_464 : memref<1x!tpu.dma_semaphore, #tpu.memory_space<semaphore_mem>> -> memref<!tpu.dma_semaphore, #tpu.memory_space<semaphore_mem>>
    %dma_start3A_466 = arith.constant 0 : i32
    %dma_start3A_467 = tpu.memref_slice %arg8[%add3A_439, %dma_start3A_466] : memref<320000x128xf32, #tpu.memory_space<hbm>> -> memref<80x128xf32, #tpu.memory_space<hbm>>
    %dma_start3A_468 = arith.constant 0 : i32
    %dma_start3A_469 = arith.constant 0 : i32
    %dma_start3A_470 = tpu.memref_slice %arg13[%dma_start3A_456, %dma_start3A_468, %dma_start3A_469] : memref<2x80x128xf32, #tpu.memory_space<vmem>> -> memref<1x80x128xf32, #tpu.memory_space<vmem>>
    %dma_start3A_471 = tpu.memref_squeeze %dma_start3A_470 : memref<1x80x128xf32, #tpu.memory_space<vmem>> -> memref<80x128xf32, #tpu.memory_space<vmem>>
    tpu.enqueue_dma source(%dma_start3A_471 : memref<80x128xf32, #tpu.memory_space<vmem>>) target(%dma_start3A_467 : memref<80x128xf32, #tpu.memory_space<hbm>>) target_semaphore(%dma_start3A_465 : memref<!tpu.dma_semaphore, #tpu.memory_space<semaphore_mem>>)
    %dma_start3A_472 = arith.constant 0 : i32
    %dma_start3A_473 = arith.constant 0 : i32
    %dma_start3A_474 = arith.constant 0 : i32
    %dma_start3A_475 = arith.constant 0 : i32
    %dma_start3A_476 = tpu.memref_slice %arg14[%dma_start3A_472, %dma_start3A_474, %dma_start3A_475] : memref<2x80x16xf32, #tpu.memory_space<vmem>> -> memref<1x80x16xf32, #tpu.memory_space<vmem>>
    %dma_start3A_477 = tpu.memref_squeeze %dma_start3A_476 : memref<1x80x16xf32, #tpu.memory_space<vmem>> -> memref<80x16xf32, #tpu.memory_space<vmem>>
    %dma_start3A_478 = arith.constant 0 : i32
    %dma_start3A_479 = tpu.memref_slice %arg9[%add3A_439, %dma_start3A_478] : memref<320000x16xf32, #tpu.memory_space<hbm>> -> memref<80x16xf32, #tpu.memory_space<hbm>>
    %dma_start3A_480 = tpu.memref_slice %arg20[%dma_start3A_473] : memref<2x!tpu.dma_semaphore, #tpu.memory_space<semaphore_mem>> -> memref<1x!tpu.dma_semaphore, #tpu.memory_space<semaphore_mem>>
    %dma_start3A_481 = tpu.memref_squeeze %dma_start3A_480 : memref<1x!tpu.dma_semaphore, #tpu.memory_space<semaphore_mem>> -> memref<!tpu.dma_semaphore, #tpu.memory_space<semaphore_mem>>
    %dma_start3A_482 = arith.constant 0 : i32
    %dma_start3A_483 = tpu.memref_slice %arg9[%add3A_439, %dma_start3A_482] : memref<320000x16xf32, #tpu.memory_space<hbm>> -> memref<80x16xf32, #tpu.memory_space<hbm>>
    %dma_start3A_484 = arith.constant 0 : i32
    %dma_start3A_485 = arith.constant 0 : i32
    %dma_start3A_486 = tpu.memref_slice %arg14[%dma_start3A_472, %dma_start3A_484, %dma_start3A_485] : memref<2x80x16xf32, #tpu.memory_space<vmem>> -> memref<1x80x16xf32, #tpu.memory_space<vmem>>
    %dma_start3A_487 = tpu.memref_squeeze %dma_start3A_486 : memref<1x80x16xf32, #tpu.memory_space<vmem>> -> memref<80x16xf32, #tpu.memory_space<vmem>>
    tpu.enqueue_dma source(%dma_start3A_487 : memref<80x16xf32, #tpu.memory_space<vmem>>) target(%dma_start3A_483 : memref<80x16xf32, #tpu.memory_space<hbm>>) target_semaphore(%dma_start3A_481 : memref<!tpu.dma_semaphore, #tpu.memory_space<semaphore_mem>>)
    %dma_wait3A_488 = arith.constant 1 : i32
    %dma_wait3A_489 = arith.constant 1 : i32
    %dma_wait3A_490 = arith.constant 0 : i32
    %dma_wait3A_491 = arith.constant 0 : i32
    %dma_wait3A_492 = tpu.memref_slice %arg12[%dma_wait3A_488, %dma_wait3A_490, %dma_wait3A_491] : memref<2x80x256xf32, #tpu.memory_space<vmem>> -> memref<1x80x256xf32, #tpu.memory_space<vmem>>
    %dma_wait3A_493 = tpu.memref_squeeze %dma_wait3A_492 : memref<1x80x256xf32, #tpu.memory_space<vmem>> -> memref<80x256xf32, #tpu.memory_space<vmem>>
    %dma_wait3A_494 = arith.constant 0 : i32
    %dma_wait3A_495 = arith.constant 0 : i32
    %dma_wait3A_496 = tpu.memref_slice %arg7[%dma_wait3A_494, %dma_wait3A_495] : memref<320000x256xf32, #tpu.memory_space<hbm>> -> memref<80x256xf32, #tpu.memory_space<hbm>>
    %dma_wait3A_497 = tpu.memref_slice %arg18[%dma_wait3A_489] : memref<2x!tpu.dma_semaphore, #tpu.memory_space<semaphore_mem>> -> memref<1x!tpu.dma_semaphore, #tpu.memory_space<semaphore_mem>>
    %dma_wait3A_498 = tpu.memref_squeeze %dma_wait3A_497 : memref<1x!tpu.dma_semaphore, #tpu.memory_space<semaphore_mem>> -> memref<!tpu.dma_semaphore, #tpu.memory_space<semaphore_mem>>
    %dma_wait3A_499 = arith.constant 0 : i32
    %dma_wait3A_500 = arith.constant 0 : i32
    %dma_wait3A_501 = tpu.memref_slice %arg7[%dma_wait3A_499, %dma_wait3A_500] : memref<320000x256xf32, #tpu.memory_space<hbm>> -> memref<80x256xf32, #tpu.memory_space<hbm>>
    %dma_wait3A_502 = arith.constant 0 : i32
    %dma_wait3A_503 = arith.constant 0 : i32
    %dma_wait3A_504 = tpu.memref_slice %arg12[%dma_wait3A_488, %dma_wait3A_502, %dma_wait3A_503] : memref<2x80x256xf32, #tpu.memory_space<vmem>> -> memref<1x80x256xf32, #tpu.memory_space<vmem>>
    %dma_wait3A_505 = tpu.memref_squeeze %dma_wait3A_504 : memref<1x80x256xf32, #tpu.memory_space<vmem>> -> memref<80x256xf32, #tpu.memory_space<vmem>>
    tpu.wait_dma2 semaphore(%dma_wait3A_498 : memref<!tpu.dma_semaphore, #tpu.memory_space<semaphore_mem>>) src(%dma_wait3A_505 : memref<80x256xf32, #tpu.memory_space<vmem>>) dst(%dma_wait3A_501 : memref<80x256xf32, #tpu.memory_space<hbm>>)
    %dma_wait3A_506 = arith.constant 1 : i32
    %dma_wait3A_507 = arith.constant 1 : i32
    %dma_wait3A_508 = arith.constant 0 : i32
    %dma_wait3A_509 = arith.constant 0 : i32
    %dma_wait3A_510 = tpu.memref_slice %arg13[%dma_wait3A_506, %dma_wait3A_508, %dma_wait3A_509] : memref<2x80x128xf32, #tpu.memory_space<vmem>> -> memref<1x80x128xf32, #tpu.memory_space<vmem>>
    %dma_wait3A_511 = tpu.memref_squeeze %dma_wait3A_510 : memref<1x80x128xf32, #tpu.memory_space<vmem>> -> memref<80x128xf32, #tpu.memory_space<vmem>>
    %dma_wait3A_512 = arith.constant 0 : i32
    %dma_wait3A_513 = arith.constant 0 : i32
    %dma_wait3A_514 = tpu.memref_slice %arg8[%dma_wait3A_512, %dma_wait3A_513] : memref<320000x128xf32, #tpu.memory_space<hbm>> -> memref<80x128xf32, #tpu.memory_space<hbm>>
    %dma_wait3A_515 = tpu.memref_slice %arg19[%dma_wait3A_507] : memref<2x!tpu.dma_semaphore, #tpu.memory_space<semaphore_mem>> -> memref<1x!tpu.dma_semaphore, #tpu.memory_space<semaphore_mem>>
    %dma_wait3A_516 = tpu.memref_squeeze %dma_wait3A_515 : memref<1x!tpu.dma_semaphore, #tpu.memory_space<semaphore_mem>> -> memref<!tpu.dma_semaphore, #tpu.memory_space<semaphore_mem>>
    %dma_wait3A_517 = arith.constant 0 : i32
    %dma_wait3A_518 = arith.constant 0 : i32
    %dma_wait3A_519 = tpu.memref_slice %arg8[%dma_wait3A_517, %dma_wait3A_518] : memref<320000x128xf32, #tpu.memory_space<hbm>> -> memref<80x128xf32, #tpu.memory_space<hbm>>
    %dma_wait3A_520 = arith.constant 0 : i32
    %dma_wait3A_521 = arith.constant 0 : i32
    %dma_wait3A_522 = tpu.memref_slice %arg13[%dma_wait3A_506, %dma_wait3A_520, %dma_wait3A_521] : memref<2x80x128xf32, #tpu.memory_space<vmem>> -> memref<1x80x128xf32, #tpu.memory_space<vmem>>
    %dma_wait3A_523 = tpu.memref_squeeze %dma_wait3A_522 : memref<1x80x128xf32, #tpu.memory_space<vmem>> -> memref<80x128xf32, #tpu.memory_space<vmem>>
    tpu.wait_dma2 semaphore(%dma_wait3A_516 : memref<!tpu.dma_semaphore, #tpu.memory_space<semaphore_mem>>) src(%dma_wait3A_523 : memref<80x128xf32, #tpu.memory_space<vmem>>) dst(%dma_wait3A_519 : memref<80x128xf32, #tpu.memory_space<hbm>>)
    %dma_wait3A_524 = arith.constant 1 : i32
    %dma_wait3A_525 = arith.constant 1 : i32
    %dma_wait3A_526 = arith.constant 0 : i32
    %dma_wait3A_527 = arith.constant 0 : i32
    %dma_wait3A_528 = tpu.memref_slice %arg14[%dma_wait3A_524, %dma_wait3A_526, %dma_wait3A_527] : memref<2x80x16xf32, #tpu.memory_space<vmem>> -> memref<1x80x16xf32, #tpu.memory_space<vmem>>
    %dma_wait3A_529 = tpu.memref_squeeze %dma_wait3A_528 : memref<1x80x16xf32, #tpu.memory_space<vmem>> -> memref<80x16xf32, #tpu.memory_space<vmem>>
    %dma_wait3A_530 = arith.constant 0 : i32
    %dma_wait3A_531 = arith.constant 0 : i32
    %dma_wait3A_532 = tpu.memref_slice %arg9[%dma_wait3A_530, %dma_wait3A_531] : memref<320000x16xf32, #tpu.memory_space<hbm>> -> memref<80x16xf32, #tpu.memory_space<hbm>>
    %dma_wait3A_533 = tpu.memref_slice %arg20[%dma_wait3A_525] : memref<2x!tpu.dma_semaphore, #tpu.memory_space<semaphore_mem>> -> memref<1x!tpu.dma_semaphore, #tpu.memory_space<semaphore_mem>>
    %dma_wait3A_534 = tpu.memref_squeeze %dma_wait3A_533 : memref<1x!tpu.dma_semaphore, #tpu.memory_space<semaphore_mem>> -> memref<!tpu.dma_semaphore, #tpu.memory_space<semaphore_mem>>
    %dma_wait3A_535 = arith.constant 0 : i32
    %dma_wait3A_536 = arith.constant 0 : i32
    %dma_wait3A_537 = tpu.memref_slice %arg9[%dma_wait3A_535, %dma_wait3A_536] : memref<320000x16xf32, #tpu.memory_space<hbm>> -> memref<80x16xf32, #tpu.memory_space<hbm>>
    %dma_wait3A_538 = arith.constant 0 : i32
    %dma_wait3A_539 = arith.constant 0 : i32
    %dma_wait3A_540 = tpu.memref_slice %arg14[%dma_wait3A_524, %dma_wait3A_538, %dma_wait3A_539] : memref<2x80x16xf32, #tpu.memory_space<vmem>> -> memref<1x80x16xf32, #tpu.memory_space<vmem>>
    %dma_wait3A_541 = tpu.memref_squeeze %dma_wait3A_540 : memref<1x80x16xf32, #tpu.memory_space<vmem>> -> memref<80x16xf32, #tpu.memory_space<vmem>>
    tpu.wait_dma2 semaphore(%dma_wait3A_534 : memref<!tpu.dma_semaphore, #tpu.memory_space<semaphore_mem>>) src(%dma_wait3A_541 : memref<80x16xf32, #tpu.memory_space<vmem>>) dst(%dma_wait3A_537 : memref<80x16xf32, #tpu.memory_space<hbm>>)
    %dma_wait3A_542 = arith.constant 0 : i32
    %dma_wait3A_543 = arith.constant 0 : i32
    %dma_wait3A_544 = arith.constant 0 : i32
    %dma_wait3A_545 = arith.constant 0 : i32
    %dma_wait3A_546 = tpu.memref_slice %arg12[%dma_wait3A_542, %dma_wait3A_544, %dma_wait3A_545] : memref<2x80x256xf32, #tpu.memory_space<vmem>> -> memref<1x80x256xf32, #tpu.memory_space<vmem>>
    %dma_wait3A_547 = tpu.memref_squeeze %dma_wait3A_546 : memref<1x80x256xf32, #tpu.memory_space<vmem>> -> memref<80x256xf32, #tpu.memory_space<vmem>>
    %dma_wait3A_548 = arith.constant 0 : i32
    %dma_wait3A_549 = arith.constant 0 : i32
    %dma_wait3A_550 = tpu.memref_slice %arg7[%dma_wait3A_548, %dma_wait3A_549] : memref<320000x256xf32, #tpu.memory_space<hbm>> -> memref<80x256xf32, #tpu.memory_space<hbm>>
    %dma_wait3A_551 = tpu.memref_slice %arg18[%dma_wait3A_543] : memref<2x!tpu.dma_semaphore, #tpu.memory_space<semaphore_mem>> -> memref<1x!tpu.dma_semaphore, #tpu.memory_space<semaphore_mem>>
    %dma_wait3A_552 = tpu.memref_squeeze %dma_wait3A_551 : memref<1x!tpu.dma_semaphore, #tpu.memory_space<semaphore_mem>> -> memref<!tpu.dma_semaphore, #tpu.memory_space<semaphore_mem>>
    %dma_wait3A_553 = arith.constant 0 : i32
    %dma_wait3A_554 = arith.constant 0 : i32
    %dma_wait3A_555 = tpu.memref_slice %arg7[%dma_wait3A_553, %dma_wait3A_554] : memref<320000x256xf32, #tpu.memory_space<hbm>> -> memref<80x256xf32, #tpu.memory_space<hbm>>
    %dma_wait3A_556 = arith.constant 0 : i32
    %dma_wait3A_557 = arith.constant 0 : i32
    %dma_wait3A_558 = tpu.memref_slice %arg12[%dma_wait3A_542, %dma_wait3A_556, %dma_wait3A_557] : memref<2x80x256xf32, #tpu.memory_space<vmem>> -> memref<1x80x256xf32, #tpu.memory_space<vmem>>
    %dma_wait3A_559 = tpu.memref_squeeze %dma_wait3A_558 : memref<1x80x256xf32, #tpu.memory_space<vmem>> -> memref<80x256xf32, #tpu.memory_space<vmem>>
    tpu.wait_dma2 semaphore(%dma_wait3A_552 : memref<!tpu.dma_semaphore, #tpu.memory_space<semaphore_mem>>) src(%dma_wait3A_559 : memref<80x256xf32, #tpu.memory_space<vmem>>) dst(%dma_wait3A_555 : memref<80x256xf32, #tpu.memory_space<hbm>>)
    %dma_wait3A_560 = arith.constant 0 : i32
    %dma_wait3A_561 = arith.constant 0 : i32
    %dma_wait3A_562 = arith.constant 0 : i32
    %dma_wait3A_563 = arith.constant 0 : i32
    %dma_wait3A_564 = tpu.memref_slice %arg13[%dma_wait3A_560, %dma_wait3A_562, %dma_wait3A_563] : memref<2x80x128xf32, #tpu.memory_space<vmem>> -> memref<1x80x128xf32, #tpu.memory_space<vmem>>
    %dma_wait3A_565 = tpu.memref_squeeze %dma_wait3A_564 : memref<1x80x128xf32, #tpu.memory_space<vmem>> -> memref<80x128xf32, #tpu.memory_space<vmem>>
    %dma_wait3A_566 = arith.constant 0 : i32
    %dma_wait3A_567 = arith.constant 0 : i32
    %dma_wait3A_568 = tpu.memref_slice %arg8[%dma_wait3A_566, %dma_wait3A_567] : memref<320000x128xf32, #tpu.memory_space<hbm>> -> memref<80x128xf32, #tpu.memory_space<hbm>>
    %dma_wait3A_569 = tpu.memref_slice %arg19[%dma_wait3A_561] : memref<2x!tpu.dma_semaphore, #tpu.memory_space<semaphore_mem>> -> memref<1x!tpu.dma_semaphore, #tpu.memory_space<semaphore_mem>>
    %dma_wait3A_570 = tpu.memref_squeeze %dma_wait3A_569 : memref<1x!tpu.dma_semaphore, #tpu.memory_space<semaphore_mem>> -> memref<!tpu.dma_semaphore, #tpu.memory_space<semaphore_mem>>
    %dma_wait3A_571 = arith.constant 0 : i32
    %dma_wait3A_572 = arith.constant 0 : i32
    %dma_wait3A_573 = tpu.memref_slice %arg8[%dma_wait3A_571, %dma_wait3A_572] : memref<320000x128xf32, #tpu.memory_space<hbm>> -> memref<80x128xf32, #tpu.memory_space<hbm>>
    %dma_wait3A_574 = arith.constant 0 : i32
    %dma_wait3A_575 = arith.constant 0 : i32
    %dma_wait3A_576 = tpu.memref_slice %arg13[%dma_wait3A_560, %dma_wait3A_574, %dma_wait3A_575] : memref<2x80x128xf32, #tpu.memory_space<vmem>> -> memref<1x80x128xf32, #tpu.memory_space<vmem>>
    %dma_wait3A_577 = tpu.memref_squeeze %dma_wait3A_576 : memref<1x80x128xf32, #tpu.memory_space<vmem>> -> memref<80x128xf32, #tpu.memory_space<vmem>>
    tpu.wait_dma2 semaphore(%dma_wait3A_570 : memref<!tpu.dma_semaphore, #tpu.memory_space<semaphore_mem>>) src(%dma_wait3A_577 : memref<80x128xf32, #tpu.memory_space<vmem>>) dst(%dma_wait3A_573 : memref<80x128xf32, #tpu.memory_space<hbm>>)
    %dma_wait3A_578 = arith.constant 0 : i32
    %dma_wait3A_579 = arith.constant 0 : i32
    %dma_wait3A_580 = arith.constant 0 : i32
    %dma_wait3A_581 = arith.constant 0 : i32
    %dma_wait3A_582 = tpu.memref_slice %arg14[%dma_wait3A_578, %dma_wait3A_580, %dma_wait3A_581] : memref<2x80x16xf32, #tpu.memory_space<vmem>> -> memref<1x80x16xf32, #tpu.memory_space<vmem>>
    %dma_wait3A_583 = tpu.memref_squeeze %dma_wait3A_582 : memref<1x80x16xf32, #tpu.memory_space<vmem>> -> memref<80x16xf32, #tpu.memory_space<vmem>>
    %dma_wait3A_584 = arith.constant 0 : i32
    %dma_wait3A_585 = arith.constant 0 : i32
    %dma_wait3A_586 = tpu.memref_slice %arg9[%dma_wait3A_584, %dma_wait3A_585] : memref<320000x16xf32, #tpu.memory_space<hbm>> -> memref<80x16xf32, #tpu.memory_space<hbm>>
    %dma_wait3A_587 = tpu.memref_slice %arg20[%dma_wait3A_579] : memref<2x!tpu.dma_semaphore, #tpu.memory_space<semaphore_mem>> -> memref<1x!tpu.dma_semaphore, #tpu.memory_space<semaphore_mem>>
    %dma_wait3A_588 = tpu.memref_squeeze %dma_wait3A_587 : memref<1x!tpu.dma_semaphore, #tpu.memory_space<semaphore_mem>> -> memref<!tpu.dma_semaphore, #tpu.memory_space<semaphore_mem>>
    %dma_wait3A_589 = arith.constant 0 : i32
    %dma_wait3A_590 = arith.constant 0 : i32
    %dma_wait3A_591 = tpu.memref_slice %arg9[%dma_wait3A_589, %dma_wait3A_590] : memref<320000x16xf32, #tpu.memory_space<hbm>> -> memref<80x16xf32, #tpu.memory_space<hbm>>
    %dma_wait3A_592 = arith.constant 0 : i32
    %dma_wait3A_593 = arith.constant 0 : i32
    %dma_wait3A_594 = tpu.memref_slice %arg14[%dma_wait3A_578, %dma_wait3A_592, %dma_wait3A_593] : memref<2x80x16xf32, #tpu.memory_space<vmem>> -> memref<1x80x16xf32, #tpu.memory_space<vmem>>
    %dma_wait3A_595 = tpu.memref_squeeze %dma_wait3A_594 : memref<1x80x16xf32, #tpu.memory_space<vmem>> -> memref<80x16xf32, #tpu.memory_space<vmem>>
    tpu.wait_dma2 semaphore(%dma_wait3A_588 : memref<!tpu.dma_semaphore, #tpu.memory_space<semaphore_mem>>) src(%dma_wait3A_595 : memref<80x16xf32, #tpu.memory_space<vmem>>) dst(%dma_wait3A_591 : memref<80x16xf32, #tpu.memory_space<hbm>>)
    return
  }
}

module attributes {stable_mosaic.version = 14 : i64} {
  func.func @_node_proj_body(%arg0: i32, %arg1: memref<2000x128xf32, #tpu.memory_space<vmem>>, %arg2: memref<2000x1xf32, #tpu.memory_space<vmem>>, %arg3: memref<128x128xf32, #tpu.memory_space<vmem>>, %arg4: memref<1x128xf32, #tpu.memory_space<vmem>>, %arg5: memref<128x128xf32, #tpu.memory_space<vmem>>, %arg6: memref<1x128xf32, #tpu.memory_space<vmem>>, %arg7: memref<128x128xf32, #tpu.memory_space<vmem>>, %arg8: memref<1x128xf32, #tpu.memory_space<vmem>>, %arg9: memref<128x128xf32, #tpu.memory_space<vmem>>, %arg10: memref<1x128xf32, #tpu.memory_space<vmem>>, %arg11: memref<2000x256xf32, #tpu.memory_space<vmem>>, %arg12: memref<2000x128xf32, #tpu.memory_space<vmem>>, %arg13: memref<2000x128xf32, #tpu.memory_space<vmem>>, %arg14: memref<2000x16xf32, #tpu.memory_space<vmem>>) attributes {dimension_semantics = [#tpu.dimension_semantics<arbitrary>], iteration_bounds = array<i64: 5>, scalar_prefetch = 0 : i64, scratch_operands = 0 : i64, tpu.core_type = #tpu.core_type<tc>, window_params = [{transform_indices = @transform_0, window_bounds = array<i64: 2000, 128>}, {transform_indices = @transform_1, window_bounds = array<i64: 2000, 1>}, {pipeline_mode = #tpu.pipeline_mode<synchronous>, transform_indices = @transform_2, window_bounds = array<i64: 128, 128>}, {pipeline_mode = #tpu.pipeline_mode<synchronous>, transform_indices = @transform_3, window_bounds = array<i64: 1, 128>}, {pipeline_mode = #tpu.pipeline_mode<synchronous>, transform_indices = @transform_4, window_bounds = array<i64: 128, 128>}, {pipeline_mode = #tpu.pipeline_mode<synchronous>, transform_indices = @transform_5, window_bounds = array<i64: 1, 128>}, {pipeline_mode = #tpu.pipeline_mode<synchronous>, transform_indices = @transform_6, window_bounds = array<i64: 128, 128>}, {pipeline_mode = #tpu.pipeline_mode<synchronous>, transform_indices = @transform_7, window_bounds = array<i64: 1, 128>}, {pipeline_mode = #tpu.pipeline_mode<synchronous>, transform_indices = @transform_8, window_bounds = array<i64: 128, 128>}, {pipeline_mode = #tpu.pipeline_mode<synchronous>, transform_indices = @transform_9, window_bounds = array<i64: 1, 128>}, {transform_indices = @transform_10, window_bounds = array<i64: 2000, 256>}, {transform_indices = @transform_11, window_bounds = array<i64: 2000, 128>}, {transform_indices = @transform_12, window_bounds = array<i64: 2000, 128>}, {transform_indices = @transform_13, window_bounds = array<i64: 2000, 16>}]} {
    %get3A = arith.constant 0 : index
    %get3A_0 = arith.constant 0 : index
    %get3A_1 = vector.load %arg1[%get3A, %get3A_0] : memref<2000x128xf32, #tpu.memory_space<vmem>>, vector<2000x128xf32>
    %get3A_2 = arith.constant 0 : index
    %get3A_3 = arith.constant 0 : index
    %get3A_4 = vector.load %arg5[%get3A_2, %get3A_3] : memref<128x128xf32, #tpu.memory_space<vmem>>, vector<128x128xf32>
    %dot_general3A = arith.constant dense<0.000000e+00> : vector<2000x128xf32>
    %dot_general3A_5 = tpu.matmul %get3A_1, %get3A_4, %dot_general3A {dimension_numbers = #tpu.dot_dimension_numbers<[1], [0], [0], [1], [0, 0, 1, 1], [], []>, transpose_lhs_hint = false} : vector<2000x128xf32>, vector<128x128xf32>, vector<2000x128xf32> -> vector<2000x128xf32>
    %get3A_6 = arith.constant 0 : index
    %get3A_7 = arith.constant 0 : index
    %get3A_8 = vector.load %arg6[%get3A_6, %get3A_7] : memref<1x128xf32, #tpu.memory_space<vmem>>, vector<1x128xf32>
    %add3A = vector.broadcast %get3A_8 : vector<1x128xf32> to vector<2000x128xf32>
    %add3A_9 = arith.addf %dot_general3A_5, %add3A : vector<2000x128xf32>
    %swap3A = arith.constant 0 : index
    %swap3A_10 = arith.constant 0 : index
    %swap3A_11 = vector.load %arg11[%swap3A, %swap3A_10] : memref<2000x256xf32, #tpu.memory_space<vmem>>, vector<2000x128xf32>
    tpu.vector_store %arg11[%swap3A, %swap3A_10], %add3A_9 {strides = array<i32>} : memref<2000x256xf32, #tpu.memory_space<vmem>>, vector<2000x128xf32>,
    %get3A_12 = arith.constant 0 : index
    %get3A_13 = arith.constant 0 : index
    %get3A_14 = vector.load %arg7[%get3A_12, %get3A_13] : memref<128x128xf32, #tpu.memory_space<vmem>>, vector<128x128xf32>
    %dot_general3A_15 = arith.constant dense<0.000000e+00> : vector<2000x128xf32>
    %dot_general3A_16 = tpu.matmul %get3A_1, %get3A_14, %dot_general3A_15 {dimension_numbers = #tpu.dot_dimension_numbers<[1], [0], [0], [1], [0, 0, 1, 1], [], []>, transpose_lhs_hint = false} : vector<2000x128xf32>, vector<128x128xf32>, vector<2000x128xf32> -> vector<2000x128xf32>
    %get3A_17 = arith.constant 0 : index
    %get3A_18 = arith.constant 0 : index
    %get3A_19 = vector.load %arg8[%get3A_17, %get3A_18] : memref<1x128xf32, #tpu.memory_space<vmem>>, vector<1x128xf32>
    %add3A_20 = vector.broadcast %get3A_19 : vector<1x128xf32> to vector<2000x128xf32>
    %add3A_21 = arith.addf %dot_general3A_16, %add3A_20 : vector<2000x128xf32>
    %swap3A_22 = arith.constant 0 : index
    %swap3A_23 = arith.constant 128 : index
    %swap3A_24 = vector.load %arg11[%swap3A_22, %swap3A_23] : memref<2000x256xf32, #tpu.memory_space<vmem>>, vector<2000x128xf32>
    tpu.vector_store %arg11[%swap3A_22, %swap3A_23], %add3A_21 {strides = array<i32>} : memref<2000x256xf32, #tpu.memory_space<vmem>>, vector<2000x128xf32>,
    %get3A_25 = arith.constant 0 : index
    %get3A_26 = arith.constant 0 : index
    %get3A_27 = vector.load %arg3[%get3A_25, %get3A_26] : memref<128x128xf32, #tpu.memory_space<vmem>>, vector<128x128xf32>
    %dot_general3A_28 = arith.constant dense<0.000000e+00> : vector<2000x128xf32>
    %dot_general3A_29 = tpu.matmul %get3A_1, %get3A_27, %dot_general3A_28 {dimension_numbers = #tpu.dot_dimension_numbers<[1], [0], [0], [1], [0, 0, 1, 1], [], []>, transpose_lhs_hint = false} : vector<2000x128xf32>, vector<128x128xf32>, vector<2000x128xf32> -> vector<2000x128xf32>
    %get3A_30 = arith.constant 0 : index
    %get3A_31 = arith.constant 0 : index
    %get3A_32 = vector.load %arg4[%get3A_30, %get3A_31] : memref<1x128xf32, #tpu.memory_space<vmem>>, vector<1x128xf32>
    %add3A_33 = vector.broadcast %get3A_32 : vector<1x128xf32> to vector<2000x128xf32>
    %add3A_34 = arith.addf %dot_general3A_29, %add3A_33 : vector<2000x128xf32>
    %swap3A_35 = arith.constant 0 : index
    %swap3A_36 = arith.constant 0 : index
    %swap3A_37 = vector.load %arg12[%swap3A_35, %swap3A_36] : memref<2000x128xf32, #tpu.memory_space<vmem>>, vector<2000x128xf32>
    tpu.vector_store %arg12[%swap3A_35, %swap3A_36], %add3A_34 {strides = array<i32>} : memref<2000x128xf32, #tpu.memory_space<vmem>>, vector<2000x128xf32>,
    %get3A_38 = arith.constant 0 : index
    %get3A_39 = arith.constant 0 : index
    %get3A_40 = vector.load %arg9[%get3A_38, %get3A_39] : memref<128x128xf32, #tpu.memory_space<vmem>>, vector<128x128xf32>
    %dot_general3A_41 = arith.constant dense<0.000000e+00> : vector<2000x128xf32>
    %dot_general3A_42 = tpu.matmul %get3A_1, %get3A_40, %dot_general3A_41 {dimension_numbers = #tpu.dot_dimension_numbers<[1], [0], [0], [1], [0, 0, 1, 1], [], []>, transpose_lhs_hint = false} : vector<2000x128xf32>, vector<128x128xf32>, vector<2000x128xf32> -> vector<2000x128xf32>
    %get3A_43 = arith.constant 0 : index
    %get3A_44 = arith.constant 0 : index
    %get3A_45 = vector.load %arg10[%get3A_43, %get3A_44] : memref<1x128xf32, #tpu.memory_space<vmem>>, vector<1x128xf32>
    %add3A_46 = vector.broadcast %get3A_45 : vector<1x128xf32> to vector<2000x128xf32>
    %add3A_47 = arith.addf %dot_general3A_42, %add3A_46 : vector<2000x128xf32>
    %swap3A_48 = arith.constant 0 : index
    %swap3A_49 = arith.constant 0 : index
    %swap3A_50 = vector.load %arg13[%swap3A_48, %swap3A_49] : memref<2000x128xf32, #tpu.memory_space<vmem>>, vector<2000x128xf32>
    tpu.vector_store %arg13[%swap3A_48, %swap3A_49], %add3A_47 {strides = array<i32>} : memref<2000x128xf32, #tpu.memory_space<vmem>>, vector<2000x128xf32>,
    %get3A_51 = arith.constant 0 : index
    %get3A_52 = arith.constant 0 : index
    %get3A_53 = vector.load %arg2[%get3A_51, %get3A_52] : memref<2000x1xf32, #tpu.memory_space<vmem>>, vector<2000x1xf32>
    %broadcast_in_dim3A = arith.constant 0.000000e+00 : f32
    %broadcast_in_dim3A_54 = vector.broadcast %broadcast_in_dim3A : f32 to vector<2000x15xf32>
    %concatenate3A = tpu.concatenate %get3A_53, %broadcast_in_dim3A_54 in 1 : vector<2000x1xf32>, vector<2000x15xf32> -> vector<2000x16xf32>
    %swap3A_55 = arith.constant 0 : index
    %swap3A_56 = arith.constant 0 : index
    %swap3A_57 = vector.load %arg14[%swap3A_55, %swap3A_56] : memref<2000x16xf32, #tpu.memory_space<vmem>>, vector<2000x16xf32>
    tpu.vector_store %arg14[%swap3A_55, %swap3A_56], %concatenate3A {strides = array<i32>} : memref<2000x16xf32, #tpu.memory_space<vmem>>, vector<2000x16xf32>,
    return
  }
  func.func @transform_0(%arg0: i32) -> (i32, i32) {
    %c0_i32 = arith.constant 0 : i32
    %c0_i32_0 = arith.constant 0 : i32
    return %arg0, %c0_i32 : i32, i32
  }
  func.func @transform_1(%arg0: i32) -> (i32, i32) {
    %c0_i32 = arith.constant 0 : i32
    %c0_i32_0 = arith.constant 0 : i32
    return %arg0, %c0_i32 : i32, i32
  }
  func.func @transform_2(%arg0: i32) -> (i32, i32) {
    %c0_i32 = arith.constant 0 : i32
    %c0_i32_0 = arith.constant 0 : i32
    %c0_i32_1 = arith.constant 0 : i32
    return %c0_i32, %c0_i32_0 : i32, i32
  }
  func.func @transform_3(%arg0: i32) -> (i32, i32) {
    %c0_i32 = arith.constant 0 : i32
    %c0_i32_0 = arith.constant 0 : i32
    %c0_i32_1 = arith.constant 0 : i32
    return %c0_i32, %c0_i32_0 : i32, i32
  }
  func.func @transform_4(%arg0: i32) -> (i32, i32) {
    %c0_i32 = arith.constant 0 : i32
    %c0_i32_0 = arith.constant 0 : i32
    %c0_i32_1 = arith.constant 0 : i32
    return %c0_i32, %c0_i32_0 : i32, i32
  }
  func.func @transform_5(%arg0: i32) -> (i32, i32) {
    %c0_i32 = arith.constant 0 : i32
    %c0_i32_0 = arith.constant 0 : i32
    %c0_i32_1 = arith.constant 0 : i32
    return %c0_i32, %c0_i32_0 : i32, i32
  }
  func.func @transform_6(%arg0: i32) -> (i32, i32) {
    %c0_i32 = arith.constant 0 : i32
    %c0_i32_0 = arith.constant 0 : i32
    %c0_i32_1 = arith.constant 0 : i32
    return %c0_i32, %c0_i32_0 : i32, i32
  }
  func.func @transform_7(%arg0: i32) -> (i32, i32) {
    %c0_i32 = arith.constant 0 : i32
    %c0_i32_0 = arith.constant 0 : i32
    %c0_i32_1 = arith.constant 0 : i32
    return %c0_i32, %c0_i32_0 : i32, i32
  }
  func.func @transform_8(%arg0: i32) -> (i32, i32) {
    %c0_i32 = arith.constant 0 : i32
    %c0_i32_0 = arith.constant 0 : i32
    %c0_i32_1 = arith.constant 0 : i32
    return %c0_i32, %c0_i32_0 : i32, i32
  }
  func.func @transform_9(%arg0: i32) -> (i32, i32) {
    %c0_i32 = arith.constant 0 : i32
    %c0_i32_0 = arith.constant 0 : i32
    %c0_i32_1 = arith.constant 0 : i32
    return %c0_i32, %c0_i32_0 : i32, i32
  }
  func.func @transform_10(%arg0: i32) -> (i32, i32) {
    %c0_i32 = arith.constant 0 : i32
    %c0_i32_0 = arith.constant 0 : i32
    return %arg0, %c0_i32 : i32, i32
  }
  func.func @transform_11(%arg0: i32) -> (i32, i32) {
    %c0_i32 = arith.constant 0 : i32
    %c0_i32_0 = arith.constant 0 : i32
    return %arg0, %c0_i32 : i32, i32
  }
  func.func @transform_12(%arg0: i32) -> (i32, i32) {
    %c0_i32 = arith.constant 0 : i32
    %c0_i32_0 = arith.constant 0 : i32
    return %arg0, %c0_i32 : i32, i32
  }
  func.func @transform_13(%arg0: i32) -> (i32, i32) {
    %c0_i32 = arith.constant 0 : i32
    %c0_i32_0 = arith.constant 0 : i32
    return %arg0, %c0_i32 : i32, i32
  }
}

module attributes {stable_mosaic.version = 14 : i64} {
  func.func @_alpha_e_body(%arg0: i32, %arg1: memref<4000x16xf32, #tpu.memory_space<vmem>>, %arg2: memref<4000x1xf32, #tpu.memory_space<vmem>>, %arg3: memref<4000x16xf32, #tpu.memory_space<vmem>>, %arg4: memref<1x32xf32, #tpu.memory_space<vmem>>, %arg5: memref<1x32xf32, #tpu.memory_space<vmem>>, %arg6: memref<32x128xf32, #tpu.memory_space<vmem>>, %arg7: memref<16x128xf32, #tpu.memory_space<vmem>>, %arg8: memref<1x128xf32, #tpu.memory_space<vmem>>, %arg9: memref<4000x128xf32, #tpu.memory_space<vmem>>, %arg10: memref<4000x128xf32, #tpu.memory_space<vmem>>, %arg11: memref<4000x128xf32, #tpu.memory_space<vmem>>, %arg12: memref<4000x2xf32, #tpu.memory_space<vmem>>, %arg13: memref<1x2xf32, #tpu.memory_space<vmem>>) attributes {dimension_semantics = [#tpu.dimension_semantics<arbitrary>], iteration_bounds = array<i64: 80>, scalar_prefetch = 0 : i64, scratch_operands = 0 : i64, tpu.core_type = #tpu.core_type<tc>, window_params = [{transform_indices = @transform_0, window_bounds = array<i64: 4000, 16>}, {transform_indices = @transform_1, window_bounds = array<i64: 4000, 1>}, {transform_indices = @transform_2, window_bounds = array<i64: 4000, 16>}, {pipeline_mode = #tpu.pipeline_mode<synchronous>, transform_indices = @transform_3, window_bounds = array<i64: 1, 32>}, {pipeline_mode = #tpu.pipeline_mode<synchronous>, transform_indices = @transform_4, window_bounds = array<i64: 1, 32>}, {pipeline_mode = #tpu.pipeline_mode<synchronous>, transform_indices = @transform_5, window_bounds = array<i64: 32, 128>}, {pipeline_mode = #tpu.pipeline_mode<synchronous>, transform_indices = @transform_6, window_bounds = array<i64: 16, 128>}, {pipeline_mode = #tpu.pipeline_mode<synchronous>, transform_indices = @transform_7, window_bounds = array<i64: 1, 128>}, {transform_indices = @transform_8, window_bounds = array<i64: 4000, 128>}, {transform_indices = @transform_9, window_bounds = array<i64: 4000, 128>}, {transform_indices = @transform_10, window_bounds = array<i64: 4000, 128>}, {transform_indices = @transform_11, window_bounds = array<i64: 4000, 2>}, {pipeline_mode = #tpu.pipeline_mode<synchronous>, transform_indices = @transform_12, window_bounds = array<i64: 1, 2>}]} {
    %get3A = arith.constant 0 : index
    %get3A_0 = arith.constant 0 : index
    %get3A_1 = vector.load %arg2[%get3A, %get3A_0] : memref<4000x1xf32, #tpu.memory_space<vmem>>, vector<4000x1xf32>
    %get3A_2 = arith.constant 0 : index
    %get3A_3 = arith.constant 0 : index
    %get3A_4 = vector.load %arg1[%get3A_2, %get3A_3] : memref<4000x16xf32, #tpu.memory_space<vmem>>, vector<4000x1xf32>
    %sub3A = arith.subf %get3A_1, %get3A_4 : vector<4000x1xf32>
    %max3A = arith.constant 0.000000e+00 : f32
    %max3A_5 = vector.broadcast %max3A : f32 to vector<4000x1xf32>
    %max3A_6 = arith.maximumf %sub3A, %max3A_5 : vector<4000x1xf32>
    %get3A_7 = arith.constant 0 : index
    %get3A_8 = arith.constant 0 : index
    %get3A_9 = vector.load %arg4[%get3A_7, %get3A_8] : memref<1x32xf32, #tpu.memory_space<vmem>>, vector<1x32xf32>
    %mul3A = vector.broadcast %max3A_6 : vector<4000x1xf32> to vector<4000x32xf32>
    %mul3A_10 = vector.broadcast %get3A_9 : vector<1x32xf32> to vector<4000x32xf32>
    %mul3A_11 = arith.mulf %mul3A, %mul3A_10 : vector<4000x32xf32>
    %get3A_12 = arith.constant 0 : index
    %get3A_13 = arith.constant 0 : index
    %get3A_14 = vector.load %arg5[%get3A_12, %get3A_13] : memref<1x32xf32, #tpu.memory_space<vmem>>, vector<1x32xf32>
    %add3A = vector.broadcast %get3A_14 : vector<1x32xf32> to vector<4000x32xf32>
    %add3A_15 = arith.addf %mul3A_11, %add3A : vector<4000x32xf32>
    %cos3A = math.cos %add3A_15 : vector<4000x32xf32>
    %get3A_16 = arith.constant 0 : index
    %get3A_17 = arith.constant 0 : index
    %get3A_18 = vector.load %arg6[%get3A_16, %get3A_17] : memref<32x128xf32, #tpu.memory_space<vmem>>, vector<32x128xf32>
    %dot_general3A = arith.constant dense<0.000000e+00> : vector<4000x128xf32>
    %dot_general3A_19 = tpu.matmul %cos3A, %get3A_18, %dot_general3A {dimension_numbers = #tpu.dot_dimension_numbers<[1], [0], [0], [1], [0, 0, 1, 1], [], []>, transpose_lhs_hint = false} : vector<4000x32xf32>, vector<32x128xf32>, vector<4000x128xf32> -> vector<4000x128xf32>
    %get3A_20 = arith.constant 0 : index
    %get3A_21 = arith.constant 0 : index
    %get3A_22 = vector.load %arg3[%get3A_20, %get3A_21] : memref<4000x16xf32, #tpu.memory_space<vmem>>, vector<4000x16xf32>
    %get3A_23 = arith.constant 0 : index
    %get3A_24 = arith.constant 0 : index
    %get3A_25 = vector.load %arg7[%get3A_23, %get3A_24] : memref<16x128xf32, #tpu.memory_space<vmem>>, vector<16x128xf32>
    %dot_general3A_26 = arith.constant dense<0.000000e+00> : vector<4000x128xf32>
    %dot_general3A_27 = tpu.matmul %get3A_22, %get3A_25, %dot_general3A_26 {dimension_numbers = #tpu.dot_dimension_numbers<[1], [0], [0], [1], [0, 0, 1, 1], [], []>, transpose_lhs_hint = false} : vector<4000x16xf32>, vector<16x128xf32>, vector<4000x128xf32> -> vector<4000x128xf32>
    %add3A_28 = arith.addf %dot_general3A_19, %dot_general3A_27 : vector<4000x128xf32>
    %get3A_29 = arith.constant 0 : index
    %get3A_30 = arith.constant 0 : index
    %get3A_31 = vector.load %arg8[%get3A_29, %get3A_30] : memref<1x128xf32, #tpu.memory_space<vmem>>, vector<1x128xf32>
    %add3A_32 = vector.broadcast %get3A_31 : vector<1x128xf32> to vector<4000x128xf32>
    %add3A_33 = arith.addf %add3A_28, %add3A_32 : vector<4000x128xf32>
    %swap3A = arith.constant 0 : index
    %swap3A_34 = arith.constant 0 : index
    %swap3A_35 = vector.load %arg11[%swap3A, %swap3A_34] : memref<4000x128xf32, #tpu.memory_space<vmem>>, vector<4000x128xf32>
    tpu.vector_store %arg11[%swap3A, %swap3A_34], %add3A_33 {strides = array<i32>} : memref<4000x128xf32, #tpu.memory_space<vmem>>, vector<4000x128xf32>,
    %get3A_36 = arith.constant 0 : index
    %get3A_37 = arith.constant 0 : index
    %get3A_38 = vector.load %arg9[%get3A_36, %get3A_37] : memref<4000x128xf32, #tpu.memory_space<vmem>>, vector<4000x128xf32>
    %get3A_39 = arith.constant 0 : index
    %get3A_40 = arith.constant 0 : index
    %get3A_41 = vector.load %arg10[%get3A_39, %get3A_40] : memref<4000x128xf32, #tpu.memory_space<vmem>>, vector<4000x128xf32>
    %add3A_42 = arith.addf %get3A_41, %add3A_33 : vector<4000x128xf32>
    %mul3A_43 = arith.mulf %get3A_38, %add3A_42 : vector<4000x128xf32>
    %slice3A = vector.extract_strided_slice %mul3A_43 {offsets = [0, 0], sizes = [4000, 64], strides = [1, 1]} : vector<4000x128xf32> to vector<4000x64xf32>
    %reduce_sum3A = arith.constant dense<0.000000e+00> : vector<4000xf32>
    %reduce_sum3A_44 = vector.multi_reduction <add>, %slice3A, %reduce_sum3A [1] : vector<4000x64xf32> to vector<4000xf32>
    %broadcast_in_dim3A = vector.shape_cast %reduce_sum3A_44 : vector<4000xf32> to vector<4000x1xf32>
    %slice3A_45 = vector.extract_strided_slice %mul3A_43 {offsets = [0, 64], sizes = [4000, 64], strides = [1, 1]} : vector<4000x128xf32> to vector<4000x64xf32>
    %reduce_sum3A_46 = arith.constant dense<0.000000e+00> : vector<4000xf32>
    %reduce_sum3A_47 = vector.multi_reduction <add>, %slice3A_45, %reduce_sum3A_46 [1] : vector<4000x64xf32> to vector<4000xf32>
    %broadcast_in_dim3A_48 = vector.shape_cast %reduce_sum3A_47 : vector<4000xf32> to vector<4000x1xf32>
    %concatenate3A = tpu.concatenate %broadcast_in_dim3A, %broadcast_in_dim3A_48 in 1 : vector<4000x1xf32>, vector<4000x1xf32> -> vector<4000x2xf32>
    %mul3A_49 = arith.constant 1.250000e-01 : f32
    %mul3A_50 = vector.broadcast %mul3A_49 : f32 to vector<4000x2xf32>
    %mul3A_51 = arith.mulf %concatenate3A, %mul3A_50 : vector<4000x2xf32>
    %swap3A_52 = arith.constant 0 : index
    %swap3A_53 = arith.constant 0 : index
    %swap3A_54 = vector.load %arg12[%swap3A_52, %swap3A_53] : memref<4000x2xf32, #tpu.memory_space<vmem>>, vector<4000x2xf32>
    tpu.vector_store %arg12[%swap3A_52, %swap3A_53], %mul3A_51 {strides = array<i32>} : memref<4000x2xf32, #tpu.memory_space<vmem>>, vector<4000x2xf32>,
    %reduce_max3A = arith.constant dense<0xFF800000> : vector<2xf32>
    %reduce_max3A_55 = vector.multi_reduction <maximumf>, %mul3A_51, %reduce_max3A [0] : vector<4000x2xf32> to vector<2xf32>
    %broadcast_in_dim3A_56 = vector.shape_cast %reduce_max3A_55 : vector<2xf32> to vector<1x2xf32>
    %eq3A = arith.constant 0 : i32
    %eq3A_57 = arith.cmpi eq, %arg0, %eq3A : i32
    %convert_element_type3A = arith.extui %eq3A_57 : i1 to i32
    %cond3A = arith.constant 0 : i32
    %cond3A_58 = arith.cmpi ne, %convert_element_type3A, %cond3A : i32
    scf.if %cond3A_58 {
      %swap3A_63 = arith.constant 0 : index
      %swap3A_64 = arith.constant 0 : index
      %swap3A_65 = vector.load %arg13[%swap3A_63, %swap3A_64] : memref<1x2xf32, #tpu.memory_space<vmem>>, vector<1x2xf32>
      tpu.vector_store %arg13[%swap3A_63, %swap3A_64], %broadcast_in_dim3A_56 {strides = array<i32>} : memref<1x2xf32, #tpu.memory_space<vmem>>, vector<1x2xf32>,
    } else {
    }
    %gt3A = arith.constant 0 : i32
    %gt3A_59 = arith.cmpi sgt, %arg0, %gt3A : i32
    %convert_element_type3A_60 = arith.extui %gt3A_59 : i1 to i32
    %cond3A_61 = arith.constant 0 : i32
    %cond3A_62 = arith.cmpi ne, %convert_element_type3A_60, %cond3A_61 : i32
    scf.if %cond3A_62 {
      %get3A_63 = arith.constant 0 : index
      %get3A_64 = arith.constant 0 : index
      %get3A_65 = vector.load %arg13[%get3A_63, %get3A_64] : memref<1x2xf32, #tpu.memory_space<vmem>>, vector<1x2xf32>
      %max3A_66 = arith.maximumf %get3A_65, %broadcast_in_dim3A_56 : vector<1x2xf32>
      %swap3A_67 = arith.constant 0 : index
      %swap3A_68 = arith.constant 0 : index
      %swap3A_69 = vector.load %arg13[%swap3A_67, %swap3A_68] : memref<1x2xf32, #tpu.memory_space<vmem>>, vector<1x2xf32>
      tpu.vector_store %arg13[%swap3A_67, %swap3A_68], %max3A_66 {strides = array<i32>} : memref<1x2xf32, #tpu.memory_space<vmem>>, vector<1x2xf32>,
    } else {
    }
    return
  }
  func.func @transform_0(%arg0: i32) -> (i32, i32) {
    %c0_i32 = arith.constant 0 : i32
    %c0_i32_0 = arith.constant 0 : i32
    return %arg0, %c0_i32 : i32, i32
  }
  func.func @transform_1(%arg0: i32) -> (i32, i32) {
    %c0_i32 = arith.constant 0 : i32
    %c0_i32_0 = arith.constant 0 : i32
    return %arg0, %c0_i32 : i32, i32
  }
  func.func @transform_2(%arg0: i32) -> (i32, i32) {
    %c0_i32 = arith.constant 0 : i32
    %c0_i32_0 = arith.constant 0 : i32
    return %arg0, %c0_i32 : i32, i32
  }
  func.func @transform_3(%arg0: i32) -> (i32, i32) {
    %c0_i32 = arith.constant 0 : i32
    %c0_i32_0 = arith.constant 0 : i32
    %c0_i32_1 = arith.constant 0 : i32
    return %c0_i32, %c0_i32_0 : i32, i32
  }
  func.func @transform_4(%arg0: i32) -> (i32, i32) {
    %c0_i32 = arith.constant 0 : i32
    %c0_i32_0 = arith.constant 0 : i32
    %c0_i32_1 = arith.constant 0 : i32
    return %c0_i32, %c0_i32_0 : i32, i32
  }
  func.func @transform_5(%arg0: i32) -> (i32, i32) {
    %c0_i32 = arith.constant 0 : i32
    %c0_i32_0 = arith.constant 0 : i32
    %c0_i32_1 = arith.constant 0 : i32
    return %c0_i32, %c0_i32_0 : i32, i32
  }
  func.func @transform_6(%arg0: i32) -> (i32, i32) {
    %c0_i32 = arith.constant 0 : i32
    %c0_i32_0 = arith.constant 0 : i32
    %c0_i32_1 = arith.constant 0 : i32
    return %c0_i32, %c0_i32_0 : i32, i32
  }
  func.func @transform_7(%arg0: i32) -> (i32, i32) {
    %c0_i32 = arith.constant 0 : i32
    %c0_i32_0 = arith.constant 0 : i32
    %c0_i32_1 = arith.constant 0 : i32
    return %c0_i32, %c0_i32_0 : i32, i32
  }
  func.func @transform_8(%arg0: i32) -> (i32, i32) {
    %c0_i32 = arith.constant 0 : i32
    %c0_i32_0 = arith.constant 0 : i32
    return %arg0, %c0_i32 : i32, i32
  }
  func.func @transform_9(%arg0: i32) -> (i32, i32) {
    %c0_i32 = arith.constant 0 : i32
    %c0_i32_0 = arith.constant 0 : i32
    return %arg0, %c0_i32 : i32, i32
  }
  func.func @transform_10(%arg0: i32) -> (i32, i32) {
    %c0_i32 = arith.constant 0 : i32
    %c0_i32_0 = arith.constant 0 : i32
    return %arg0, %c0_i32 : i32, i32
  }
  func.func @transform_11(%arg0: i32) -> (i32, i32) {
    %c0_i32 = arith.constant 0 : i32
    %c0_i32_0 = arith.constant 0 : i32
    return %arg0, %c0_i32 : i32, i32
  }
  func.func @transform_12(%arg0: i32) -> (i32, i32) {
    %c0_i32 = arith.constant 0 : i32
    %c0_i32_0 = arith.constant 0 : i32
    %c0_i32_1 = arith.constant 0 : i32
    return %c0_i32, %c0_i32_0 : i32, i32
  }
}

module attributes {stable_mosaic.version = 14 : i64} {
  func.func @_wv_body(%arg0: i32, %arg1: memref<4000x2xf32, #tpu.memory_space<vmem>>, %arg2: memref<1x2xf32, #tpu.memory_space<vmem>>, %arg3: memref<4000x128xf32, #tpu.memory_space<vmem>>, %arg4: memref<4000x128xf32, #tpu.memory_space<vmem>>, %arg5: memref<4000x128xf32, #tpu.memory_space<vmem>>, %arg6: memref<4000x8xf32, #tpu.memory_space<vmem>>) attributes {dimension_semantics = [#tpu.dimension_semantics<arbitrary>], iteration_bounds = array<i64: 80>, scalar_prefetch = 0 : i64, scratch_operands = 0 : i64, tpu.core_type = #tpu.core_type<tc>, window_params = [{transform_indices = @transform_0, window_bounds = array<i64: 4000, 2>}, {pipeline_mode = #tpu.pipeline_mode<synchronous>, transform_indices = @transform_1, window_bounds = array<i64: 1, 2>}, {transform_indices = @transform_2, window_bounds = array<i64: 4000, 128>}, {transform_indices = @transform_3, window_bounds = array<i64: 4000, 128>}, {transform_indices = @transform_4, window_bounds = array<i64: 4000, 128>}, {transform_indices = @transform_5, window_bounds = array<i64: 4000, 8>}]} {
    %get3A = arith.constant 0 : index
    %get3A_0 = arith.constant 0 : index
    %get3A_1 = vector.load %arg1[%get3A, %get3A_0] : memref<4000x2xf32, #tpu.memory_space<vmem>>, vector<4000x2xf32>
    %get3A_2 = arith.constant 0 : index
    %get3A_3 = arith.constant 0 : index
    %get3A_4 = vector.load %arg2[%get3A_2, %get3A_3] : memref<1x2xf32, #tpu.memory_space<vmem>>, vector<1x2xf32>
    %sub3A = vector.broadcast %get3A_4 : vector<1x2xf32> to vector<4000x2xf32>
    %sub3A_5 = arith.subf %get3A_1, %sub3A : vector<4000x2xf32>
    %exp3A = math.exp %sub3A_5 : vector<4000x2xf32>
    %get3A_6 = arith.constant 0 : index
    %get3A_7 = arith.constant 0 : index
    %get3A_8 = vector.load %arg3[%get3A_6, %get3A_7] : memref<4000x128xf32, #tpu.memory_space<vmem>>, vector<4000x128xf32>
    %get3A_9 = arith.constant 0 : index
    %get3A_10 = arith.constant 0 : index
    %get3A_11 = vector.load %arg4[%get3A_9, %get3A_10] : memref<4000x128xf32, #tpu.memory_space<vmem>>, vector<4000x128xf32>
    %add3A = arith.addf %get3A_8, %get3A_11 : vector<4000x128xf32>
    %slice3A = vector.extract_strided_slice %add3A {offsets = [0, 0], sizes = [4000, 64], strides = [1, 1]} : vector<4000x128xf32> to vector<4000x64xf32>
    %slice3A_12 = vector.extract_strided_slice %exp3A {offsets = [0, 0], sizes = [4000, 1], strides = [1, 1]} : vector<4000x2xf32> to vector<4000x1xf32>
    %mul3A = vector.broadcast %slice3A_12 : vector<4000x1xf32> to vector<4000x64xf32>
    %mul3A_13 = arith.mulf %slice3A, %mul3A : vector<4000x64xf32>
    %slice3A_14 = vector.extract_strided_slice %add3A {offsets = [0, 64], sizes = [4000, 64], strides = [1, 1]} : vector<4000x128xf32> to vector<4000x64xf32>
    %slice3A_15 = vector.extract_strided_slice %exp3A {offsets = [0, 1], sizes = [4000, 1], strides = [1, 1]} : vector<4000x2xf32> to vector<4000x1xf32>
    %mul3A_16 = vector.broadcast %slice3A_15 : vector<4000x1xf32> to vector<4000x64xf32>
    %mul3A_17 = arith.mulf %slice3A_14, %mul3A_16 : vector<4000x64xf32>
    %concatenate3A = tpu.concatenate %mul3A_13, %mul3A_17 in 1 : vector<4000x64xf32>, vector<4000x64xf32> -> vector<4000x128xf32>
    %swap3A = arith.constant 0 : index
    %swap3A_18 = arith.constant 0 : index
    %swap3A_19 = vector.load %arg5[%swap3A, %swap3A_18] : memref<4000x128xf32, #tpu.memory_space<vmem>>, vector<4000x128xf32>
    tpu.vector_store %arg5[%swap3A, %swap3A_18], %concatenate3A {strides = array<i32>} : memref<4000x128xf32, #tpu.memory_space<vmem>>, vector<4000x128xf32>,
    %broadcast_in_dim3A = arith.constant 0.000000e+00 : f32
    %broadcast_in_dim3A_20 = vector.broadcast %broadcast_in_dim3A : f32 to vector<4000x6xf32>
    %concatenate3A_21 = tpu.concatenate %exp3A, %broadcast_in_dim3A_20 in 1 : vector<4000x2xf32>, vector<4000x6xf32> -> vector<4000x8xf32>
    %swap3A_22 = arith.constant 0 : index
    %swap3A_23 = arith.constant 0 : index
    %swap3A_24 = vector.load %arg6[%swap3A_22, %swap3A_23] : memref<4000x8xf32, #tpu.memory_space<vmem>>, vector<4000x8xf32>
    tpu.vector_store %arg6[%swap3A_22, %swap3A_23], %concatenate3A_21 {strides = array<i32>} : memref<4000x8xf32, #tpu.memory_space<vmem>>, vector<4000x8xf32>,
    return
  }
  func.func @transform_0(%arg0: i32) -> (i32, i32) {
    %c0_i32 = arith.constant 0 : i32
    %c0_i32_0 = arith.constant 0 : i32
    return %arg0, %c0_i32 : i32, i32
  }
  func.func @transform_1(%arg0: i32) -> (i32, i32) {
    %c0_i32 = arith.constant 0 : i32
    %c0_i32_0 = arith.constant 0 : i32
    %c0_i32_1 = arith.constant 0 : i32
    return %c0_i32, %c0_i32_0 : i32, i32
  }
  func.func @transform_2(%arg0: i32) -> (i32, i32) {
    %c1_i32 = arith.constant 1 : i32
    %c0_i32 = arith.constant 0 : i32
    return %arg0, %c1_i32 : i32, i32
  }
  func.func @transform_3(%arg0: i32) -> (i32, i32) {
    %c0_i32 = arith.constant 0 : i32
    %c0_i32_0 = arith.constant 0 : i32
    return %arg0, %c0_i32 : i32, i32
  }
  func.func @transform_4(%arg0: i32) -> (i32, i32) {
    %c0_i32 = arith.constant 0 : i32
    %c0_i32_0 = arith.constant 0 : i32
    return %arg0, %c0_i32 : i32, i32
  }
  func.func @transform_5(%arg0: i32) -> (i32, i32) {
    %c0_i32 = arith.constant 0 : i32
    %c0_i32_0 = arith.constant 0 : i32
    return %arg0, %c0_i32 : i32, i32
  }
}

module attributes {stable_mosaic.version = 14 : i64} {
  func.func @_final_body(%arg0: i32, %arg1: memref<2x2000x128xf32, #tpu.memory_space<vmem>>, %arg2: memref<2x2000x8xf32, #tpu.memory_space<vmem>>, %arg3: memref<2000x128xf32, #tpu.memory_space<vmem>>, %arg4: memref<2000x128xf32, #tpu.memory_space<vmem>>) attributes {dimension_semantics = [#tpu.dimension_semantics<arbitrary>], iteration_bounds = array<i64: 5>, scalar_prefetch = 0 : i64, scratch_operands = 0 : i64, tpu.core_type = #tpu.core_type<tc>, window_params = [{transform_indices = @transform_0, window_bounds = array<i64: 2, 2000, 128>}, {transform_indices = @transform_1, window_bounds = array<i64: 2, 2000, 8>}, {transform_indices = @transform_2, window_bounds = array<i64: 2000, 128>}, {transform_indices = @transform_3, window_bounds = array<i64: 2000, 128>}]} {
    %get3A = arith.constant 0 : index
    %get3A_0 = arith.constant 0 : index
    %get3A_1 = arith.constant 0 : index
    %get3A_2 = vector.load %arg1[%get3A, %get3A_0, %get3A_1] : memref<2x2000x128xf32, #tpu.memory_space<vmem>>, vector<1x2000x128xf32>
    %get3A_3 = vector.shape_cast %get3A_2 : vector<1x2000x128xf32> to vector<2000x128xf32>
    %get3A_4 = arith.constant 1 : index
    %get3A_5 = arith.constant 0 : index
    %get3A_6 = arith.constant 0 : index
    %get3A_7 = vector.load %arg1[%get3A_4, %get3A_5, %get3A_6] : memref<2x2000x128xf32, #tpu.memory_space<vmem>>, vector<1x2000x128xf32>
    %get3A_8 = vector.shape_cast %get3A_7 : vector<1x2000x128xf32> to vector<2000x128xf32>
    %add3A = arith.addf %get3A_3, %get3A_8 : vector<2000x128xf32>
    %get3A_9 = arith.constant 0 : index
    %get3A_10 = arith.constant 0 : index
    %get3A_11 = arith.constant 0 : index
    %get3A_12 = vector.load %arg2[%get3A_9, %get3A_10, %get3A_11] : memref<2x2000x8xf32, #tpu.memory_space<vmem>>, vector<1x2000x2xf32>
    %get3A_13 = vector.shape_cast %get3A_12 : vector<1x2000x2xf32> to vector<2000x2xf32>
    %get3A_14 = arith.constant 1 : index
    %get3A_15 = arith.constant 0 : index
    %get3A_16 = arith.constant 0 : index
    %get3A_17 = vector.load %arg2[%get3A_14, %get3A_15, %get3A_16] : memref<2x2000x8xf32, #tpu.memory_space<vmem>>, vector<1x2000x2xf32>
    %get3A_18 = vector.shape_cast %get3A_17 : vector<1x2000x2xf32> to vector<2000x2xf32>
    %add3A_19 = arith.addf %get3A_13, %get3A_18 : vector<2000x2xf32>
    %slice3A = vector.extract_strided_slice %add3A_19 {offsets = [0, 0], sizes = [2000, 1], strides = [1, 1]} : vector<2000x2xf32> to vector<2000x1xf32>
    %broadcast_in_dim3A = vector.shape_cast %slice3A : vector<2000x1xf32> to vector<2000x1xf32>
    %broadcast_in_dim3A_20 = vector.broadcast %broadcast_in_dim3A : vector<2000x1xf32> to vector<2000x64xf32>
    %slice3A_21 = vector.extract_strided_slice %add3A_19 {offsets = [0, 1], sizes = [2000, 1], strides = [1, 1]} : vector<2000x2xf32> to vector<2000x1xf32>
    %broadcast_in_dim3A_22 = vector.shape_cast %slice3A_21 : vector<2000x1xf32> to vector<2000x1xf32>
    %broadcast_in_dim3A_23 = vector.broadcast %broadcast_in_dim3A_22 : vector<2000x1xf32> to vector<2000x64xf32>
    %concatenate3A = tpu.concatenate %broadcast_in_dim3A_20, %broadcast_in_dim3A_23 in 1 : vector<2000x64xf32>, vector<2000x64xf32> -> vector<2000x128xf32>
    %add3A_24 = arith.constant 1.000000e-30 : f32
    %add3A_25 = vector.broadcast %add3A_24 : f32 to vector<2000x128xf32>
    %add3A_26 = arith.addf %concatenate3A, %add3A_25 : vector<2000x128xf32>
    %div3A = arith.divf %add3A, %add3A_26 : vector<2000x128xf32>
    %get3A_27 = arith.constant 0 : index
    %get3A_28 = arith.constant 0 : index
    %get3A_29 = vector.load %arg3[%get3A_27, %get3A_28] : memref<2000x128xf32, #tpu.memory_space<vmem>>, vector<2000x128xf32>
    %add3A_30 = arith.addf %div3A, %get3A_29 : vector<2000x128xf32>
    %swap3A = arith.constant 0 : index
    %swap3A_31 = arith.constant 0 : index
    %swap3A_32 = vector.load %arg4[%swap3A, %swap3A_31] : memref<2000x128xf32, #tpu.memory_space<vmem>>, vector<2000x128xf32>
    tpu.vector_store %arg4[%swap3A, %swap3A_31], %add3A_30 {strides = array<i32>} : memref<2000x128xf32, #tpu.memory_space<vmem>>, vector<2000x128xf32>,
    return
  }
  func.func @transform_0(%arg0: i32) -> (i32, i32, i32) {
    %c0_i32 = arith.constant 0 : i32
    %c0_i32_0 = arith.constant 0 : i32
    %c0_i32_1 = arith.constant 0 : i32
    return %c0_i32, %arg0, %c0_i32_0 : i32, i32, i32
  }
  func.func @transform_1(%arg0: i32) -> (i32, i32, i32) {
    %c0_i32 = arith.constant 0 : i32
    %c0_i32_0 = arith.constant 0 : i32
    %c0_i32_1 = arith.constant 0 : i32
    return %c0_i32, %arg0, %c0_i32_0 : i32, i32, i32
  }
  func.func @transform_2(%arg0: i32) -> (i32, i32) {
    %c0_i32 = arith.constant 0 : i32
    %c0_i32_0 = arith.constant 0 : i32
    return %arg0, %c0_i32 : i32, i32
  }
  func.func @transform_3(%arg0: i32) -> (i32, i32) {
    %c0_i32 = arith.constant 0 : i32
    %c0_i32_0 = arith.constant 0 : i32
    return %arg0, %c0_i32 : i32, i32
  }
}

</mosaic_0001>

<sc_bundles>
// kernel: kernel.11.cloned.1.call-start
scs
__scs_entry_jumppad:
0x0: {  	(pc) =	sbr.rel $0x88, $3  }
0x1: {  	(tag) =	ssettag $0x0;
	lr =	simm.s32 $0x1  }
0x2: {  	[smem:$0x3F90] =	sst lr;
	_ =	strace $0xD0000000  }
0x3: {  	_ = 	snop  }
0x4: {  	_ = 	snop  }
0x5: {  	_ = 	snop  }
0x6: {  	_ = 	snop  }
0x7: {  	_ = 	snop  }
__scs_overlays_trampoline_lowered:
0x8: {  	[smem:$0x3F9F] =	sst s0  }
0x9: {  	[smem:$0x3FA0] =	sst s1  }
0xa: {  	[smem:$0x3FA1] =	sst s2  }
0xb: {  	[smem:$0x3FA2] =	sst s3  }
0xc: {  	[smem:$0x3FA3] =	sst s4  }
0xd: {  	[smem:$0x3FA4] =	sst s5  }
0xe: {  	[smem:$0x3FA5] =	sst s6  }
0xf: {  	[smem:$0x3FA6] =	sst s7  }
0x10: {  	[smem:$0x3FA7] =	sst s8  }
0x11: {  	[smem:$0x3FA8] =	sst s9;
	s0 =	simm.s32 @!p0 $0x0  }
0x12: {  	s1 =	sld [smem:$0x3F8E];
	s0 =	simm.s32 @p0 $0x1  }
0x13: {  	[smem:$0x3FA9] =	sst s0;
	s0 =	simm.s32 @!p1 $0x0  }
0x14: {  	s2 =	sld [smem:$0x3F8D];
	s0 =	simm.s32 @p1 $0x1  }
0x15: {  	[smem:$0x3FAA] =	sst s0;
	s0 =	simm.s32 @!p2 $0x0  }
0x16: {  	s3 =	sld [smem:$0x3FDB];
	s0 =	simm.s32 @p2 $0x1  }
0x17: {  	s4 =	simm.s32 $0x1BF5;
	[smem:$0x3FAC] =	sst s0  }
0x18: {  	s0 =	sld [smem:$0x3F8F];
	_ =	swait.ge [sflag:s4], $0x0  }
0x19: {  	s7 =	sld [smem:$0x3F90]  }
0x1a: {  	s8 =	sadd.s32 $0xFFFFE003, lr  }
0x1b: {  	s9 =	sadd.s32 $0xFFFFFEF7, lr;
	s5 =	simm.s32 $0xFFFFFFFF;
	p2 =	slt.u32 s8, $0xFFFFF086  }
0x1c: {  	p1 =	slt.u32 s9, $0xF7A;
	s5 =	simm.s32 @!p2 $0x0  }
0x1d: {  	s5 =	simm.s32 @p1 $0x1;
	p0 =	seq.s32 s7, s2  }
0x1e: {  	s7 =	smul.u32 @!p0 $0xF7A, s2;
	p2 =	seq.s32 @!p0 s5, $0x0  }
0x1f: {  	s9 =	smul.u32 $0xF7A, s1;
	s8 =	simm.s32 @!p0 $0x1BF5;
	p2 =	por !p2, p0  }
0x20: {  	[sflag:s8] =	ssyncset.s32 @!p0 $0xFFFFF086;
	s6 =	sadd.s32 @!p0 s3, s7;
	s7 =	simm.s32 @!p0 $0x108  }
0x21: {  	s3 =	sadd.s32 s3, s9;
	s6 =	sadd.s32 @!p0 $0x88, s6;
	s7 =	simm.s32 @p2 $0x1082  }
0x22: {  	[simem:s7], [sflag:s8] =	dma.local @!p0 [hbm:s6], $0xF7A  }
0x23: {  	s9 =	sor.u32 $0xD0000000, s2;
	s6 =	simm.s32 $0x108;
	_ =	swait.ge @!p0 [sflag:s8], $0x0  }
0x24: {  	s3 =	sadd.s32 $0x88, s3;
	s6 =	simm.s32 @!p1 $0x1082;
	[sflag:s4] =	ssyncset.s32 $0xFFFFF086  }
0x25: {  	[simem:s6], [sflag:s4] =	dma.local [hbm:s3], $0xF7A  }
0x26: {  	[smem:$0x3F90] =	sst s1;
	(tag) =	ssettag s2;
	_ =	strace s9  }
0x27: {  	s1 =	sld [smem:$0x3FA0]  }
0x28: {  	s2 =	sld [smem:$0x3FA1]  }
0x29: {  	s4 =	sld [smem:$0x3FA3]  }
0x2a: {  	p0 =	seq.s32 s5, $0x0;
	s5 =	sld [smem:$0x3FA4]  }
0x2b: {  	s6 =	sld [smem:$0x3FA5]  }
0x2c: {  	s7 =	sld [smem:$0x3FA6]  }
0x2d: {  	s3 =	simm.s32 $0x108;
	s8 =	sld [smem:$0x3FA7]  }
0x2e: {  	s3 =	simm.s32 @!p0 $0x1082;
	s9 =	sld [smem:$0x3FA8]  }
0x2f: {  	lr =	sadd.s32 s0, s3;
	s0 =	sld [smem:$0x3F9F]  }
0x30: {  	s3 =	sld [smem:$0x3FA2]  }
0x31: {  	[smem:$0x3FAB] =	sst s10  }
0x32: {  	s10 =	sld [smem:$0x3FA9];
	_ =	sdelay $0x3  }
0x33: {  	p0 =	seq.s32 s10, $0x1;
	s10 =	sld [smem:$0x3FAB];
	_ =	sdelay $0x3  }
0x34: {  	[smem:$0x3FAB] =	sst s10  }
0x35: {  	s10 =	sld [smem:$0x3FAA];
	_ =	sdelay $0x3  }
0x36: {  	p1 =	seq.s32 s10, $0x1;
	s10 =	sld [smem:$0x3FAB];
	_ =	sdelay $0x3  }
0x37: {  	[smem:$0x3FAB] =	sst s10  }
0x38: {  	s10 =	sld [smem:$0x3FAC]  }
0x39: {  	_ = 	snop;
	(pc) =	sbr.ind lr, $3  }
0x3a: {  	_ = 	snop  }
0x3b: {  	_ = 	snop  }
0x3c: {  	p2 =	seq.s32 s10, $0x1;
	s10 =	sld [smem:$0x3FAB]  }
0x3d: {  	_ =	shalt  }
0x3e: {  	_ =	shalt  }
0x3f: {  	_ =	shalt  }
0x40: {  	_ =	shalt  }
0x41: {  	_ =	shalt  }
0x42: {  	_ =	shalt  }
0x43: {  	_ =	shalt  }
0x44: {  	_ =	shalt  }
0x45: {  	_ =	shalt  }
0x46: {  	_ =	shalt  }
0x47: {  	_ =	shalt  }
0x48: {  	_ =	shalt  }
0x49: {  	_ =	shalt  }
0x4a: {  	_ =	shalt  }
0x4b: {  	_ =	shalt  }
0x4c: {  	_ =	shalt  }
0x4d: {  	_ =	shalt  }
0x4e: {  	_ =	shalt  }
0x4f: {  	_ =	shalt  }
0x50: {  	_ =	shalt  }
0x51: {  	_ =	shalt  }
0x52: {  	_ =	shalt  }
0x53: {  	_ =	shalt  }
0x54: {  	_ =	shalt  }
0x55: {  	_ =	shalt  }
0x56: {  	_ =	shalt  }
0x57: {  	_ =	shalt  }
0x58: {  	_ =	shalt  }
0x59: {  	_ =	shalt  }
0x5a: {  	_ =	shalt  }
0x5b: {  	_ =	shalt  }
0x5c: {  	_ =	shalt  }
0x5d: {  	_ =	shalt  }
0x5e: {  	_ =	shalt  }
0x5f: {  	_ =	shalt  }
0x60: {  	_ =	shalt  }
0x61: {  	_ =	shalt  }
0x62: {  	_ =	shalt  }
0x63: {  	_ =	shalt  }
0x64: {  	_ =	shalt  }
0x65: {  	_ =	shalt  }
0x66: {  	_ =	shalt  }
0x67: {  	_ =	shalt  }
0x68: {  	_ =	shalt  }
0x69: {  	_ =	shalt  }
0x6a: {  	_ =	shalt  }
0x6b: {  	_ =	shalt  }
0x6c: {  	_ =	shalt  }
0x6d: {  	_ =	shalt  }
0x6e: {  	_ =	shalt  }
0x6f: {  	_ =	shalt  }
0x70: {  	_ =	shalt  }
0x71: {  	_ =	shalt  }
0x72: {  	_ =	shalt  }
0x73: {  	_ =	shalt  }
0x74: {  	_ =	shalt  }
0x75: {  	_ =	shalt  }
0x76: {  	_ =	shalt  }
0x77: {  	_ =	shalt  }
0x78: {  	_ =	shalt  }
0x79: {  	_ =	shalt  }
0x7a: {  	_ =	shalt  }
0x7b: {  	_ =	shalt  }
0x7c: {  	_ =	shalt  }
0x7d: {  	_ =	shalt  }
0x7e: {  	_ =	shalt  }
0x7f: {  	_ =	shalt  }
0x80: {  	_ =	shalt  }
0x81: {  	_ =	shalt  }
0x82: {  	_ =	shalt  }
0x83: {  	_ =	shalt  }
0x84: {  	_ =	shalt  }
0x85: {  	_ =	shalt  }
0x86: {  	_ =	shalt  }
0x87: {  	_ =	shalt  }
.Lfunc_end0:
.L_simem_size_0:
called_computation.1_lowered:
.L_overlay_start_0:
0x88: {  	s2 =	sld [smem:$0x3FD9]  }
0x89: {  	s3 =	sld [smem:$0x3FFE];
	_ =	sdelay $0x1  }
0x8a: {  	s1 =	srdreg.scid  }
0x8b: {  	s0 =	sand.u32 $0x1, s1  }
0x8c: {  	s17 =	sshll.u32 s0, $0xA;
	s2 =	sadd.s32 s3, s2  }
0x8d: {  	s2 =	sadd.s32 s2, s17  }
0x8e: {  	[smem:$0x3FB7] =	sst s2  }
0x8f: {  	_ = 	snop  }
0x90: {  	s2 =	sld [smem:$0x3FD0];
	(tm) =	ssettm $0x1  }
0x91: {  	s18 =	sld [smem:$0x3FFB];
	_ =	sdelay $0x3  }
0x92: {  	_ =	strace s18  }
0x93: {  	s3 =	sld [smem:$0x3FFC];
	_ =	sdelay $0x3  }
0x94: {  	_ =	strace s3  }
0x95: {  	s3 =	sld [smem:$0x3FFD];
	_ =	sdelay $0x3  }
0x96: {  	_ =	strace s3  }
0x97: {  	_ =	strace $0x8FFFFFFF  }
0x98: {  	s19 =	sld [smem:$0x3FDB];
	_ =	sdelay $0x1  }
0x99: {  	s4 =	simm.s32 $_scs_section_size  }
0x9a: {  	s5 =	simm.s32 $_size__tile_overlayer_lowered;
	s6 =	simm.s32 $_tile_overlayer_lowered  }
0x9b: {  	s22 =	simm.s32 $0x1BFF;
	s21 =	sshll.u32 s6, $0x1;
	s3 =	sadd.s32 s4, s19  }
0x9c: {  	s7 =	simm.s32 $0x0;
	s20 =	sshll.u32 s5, $0x1;
	s5 =	sadd.s32 s21, s3  }
0x9d: {  	[timem:s7], [sflag:s22] =	dma.local [hbm:s5], s20  }
0x9e: {  	_ =	swait.ge [sflag:s22], s20  }
0x9f: {  	s4 =	ssub.s32 $0x0, s20;
	[sflag:s22] =	ssyncset.done $0x0  }
0xa0: {  	[sflag:s22] =	ssyncadd.s32 s4;
	_ =	sdelay $0x1  }
0xa1: {  	s23 =	simm.s32 $0x1B8B  }
0xa2: {  	_ =	swait.ge [sflag:s23], $0x1  }
0xa3: {  	[sflag:s23] =	ssyncset.done $0x0  }
0xa4: {  	s25 =	simm.s32 $0x1B8E;
	s24 =	sld [smem:$0x3FFE];
	[sflag:s23] =	ssyncadd.s32 $0xFFFFFFFF  }
0xa5: {  	s26 =	simm.s32 $execute0_lowered;
	[smem:$0x3FD2] =	sst s25  }
0xa6: {  	s5 =	sshll.u32 s26, $0x1;
	_ =	strace $0x80000049;
	[dreg:$0x1] =	wrdreg $0xFFFFFFFF  }
0xa7: {  	s28 =	simm.s32 $_size_execute0_lowered;
	s3 =	sadd.s32 s3, s5;
	[dreg:$0x0] =	wrdreg $0x0  }
0xa8: {  	s5 =	sshll.u32 s28, $0x1;
	[dreg:$0x2] =	wrdreg s3  }
0xa9: {  	[dreg:$0x3] =	wrdreg s5  }
0xaa: {  	[dreg:$0x4] =	wrdreg $0xC0  }
0xab: {  	_ =	task [dreg:s7], $0x5FFFF  }
0xac: {  	[dreg:$0x1] =	wrdreg $0xFFFFFFFF  }
0xad: {  	[dreg:$0x0] =	wrdreg $0x60  }
0xae: {  	[dreg:$0x2] =	wrdreg s24  }
0xaf: {  	[dreg:$0x3] =	wrdreg s2  }
0xb0: {  	[dreg:$0x4] =	wrdreg $0x51900  }
0xb1: {  	[dreg:$0x5] =	wrdreg $0x191900  }
0xb2: {  	[dreg:$0x6] =	wrdreg $0x9  }
0xb3: {  	_ =	task.clear_ibuf [dreg:s7], $0x7FFFF;
	_ =	strace $0x90000049  }
0xb4: {  	s29 =	simm.s32 $0x9;
	_ =	strace $0x8000004B  }
0xb5: {  	_ =	swait.ge [sflag:s29], $0x1  }
0xb6: {  	[sflag:s29] =	ssyncadd.s32 $0xFFFFFFFF  }
0xb7: {  	_ =	strace $0x9000004B  }
0xb8: {  	_ =	sfence  }
0xb9: {  	s30 =	sld [smem:$0x0];
	_ =	sdelay $0x2  }
0xba: {  	s31 =	sshll.u32 s1, $0xD;
	s1 =	sshrl.u32 s1, $0x2  }
0xbb: {  	s3 =	sand.u32 $0x4000, s31;
	s1 =	sadd.s32 s1, s30  }
0xbc: {  	s0 =	sor.u32 s3, s0;
	s1 =	sshll.u32 s1, $0x11  }
0xbd: {  	s0 =	sor.u32 s1, s0  }
0xbe: {  	s0 =	sadd.s32 $0x8F2B, s0  }
0xbf: {  	[sflag:s0] =	ssyncadd.remote.s32 $0x1  }
0xc0: {  	_ =	sfence.sel $0xFFFF  }
0xc1: {  	[dreg:$0x0] =	wrdreg $0xFFFFFFFF;
	(pc) =	sbr.abs _section_cstart, $3  }
0xc2: {  	[dreg:$0x1] =	wrdreg $0xFFFFFFFF  }
0xc3: {  	_ =	task.clear_ibuf [dreg:s7], $0x2FFFF;
	_ =	strace $0x9FFFFFFF  }
0xc4: {  	(tm) =	ssettm $0x7FFFFFFF  }
0xc5: {  	_ =	shalt  }
tec
execute0_lowered:
.L_overlay_start_1:
0x0: {  	(tag) =	ssettag $0x1  }
0x1: {  	s0 =	stileid.u32  }
0x2: {  	s5 =	rddreg [dreg:$0x0];
	s6 =	smul.u32 $0x4E200, s0  }
0x3: {  	s9 =	rddreg [dreg:$0x1];
	s7 =	smul.u32 $0x4E20, s0  }
0x4: {  	s1 =	rddreg [dreg:$0x2];
	s11 =	smul.u32 $0x14000, s0  }
0x5: {  	s2 =	srdreg.scid;
	s12 =	smul.u32 $0x280, s0  }
0x6: {  	s3 =	rddreg [dreg:$0x3];
	s10 =	sand.u32 $0x1, s2;
	s15 =	smul.u32 $0x1400, s0  }
0x7: {  	s4 =	simm.s32 $0x0;
	s2 =	rddreg [dreg:$0x4];
	s22 =	smul.u32 $0x2800, s10  }
0x8: {  	s21 =	sshll.u32 s0, $0x1;
	[smem:$0x7FF] =	sst s4;
	s28 =	smul.u32 $0x2710, s10  }
0x9: {  	s31 =	sshll.u32 s0, $0x6;
	s8 =	sor.u32 s10, s21;
	s29 =	smul.u32 $0x27100, s10  }
0xa: {  	_ =	strace $0x8000004A;
	s17 =	ssub.s32 $0x2, s10;
	s8 =	smul.u32 $0x2710, s8  }
0xb: {  	s13 =	sadd.s32 s6, s5;
	s14 =	sadd.s32 s7, s5;
	s24 =	sshrl.u32 s11, $0x3  }
0xc: {  	s25 =	sshrl.u32 s15, $0x3;
	s26 =	sshrl.u32 s17, $0x1;
	s19 =	sadd.s32 s11, s1  }
0xd: {  	s20 =	sadd.s32 s15, s3;
	s12 =	sadd.s32 s12, s22;
	s18 =	sadd.s32 s25, s5  }
0xe: {  	s17 =	ssub.s32 s17, s26;
	s11 =	sadd.s32 s28, s14;
	s30 =	sadd.s32 s29, s13  }
0xf: {  	s13 =	simm.s32 $0x1;
	s14 =	sor.u32 $0x1C01, s31;
	s15 =	sshrl.u32 s19, $0x3  }
0x10: {  	s19 =	simm.s32 $0x50;
	s23 =	sshrl.u32 s8, $0x3;
	s8 =	sadd.s32 s24, s5  }
0x11: {  	s16 =	sshll.u32 s12, $0x4;
	s9 =	sadd.s32 s9, s12;
	s10 =	smax.u32 s17, $0x1  }
0x12: {  	s11 =	sadd.s32 $0x55C000, s11;
	s12 =	sadd.s32 $0xA3E000, s30;
	s17 =	simm.s32 $0x2710  }
0x13: {  	s7 =	sadd.s32 s23, s5;
	s16 =	sadd.s32 s16, s5;
	s6 =	sadd.s32 $0x1D800, s8  }
0x14: {  	s5 =	sadd.s32 $0x13A00, s7;
	s7 =	sadd.s32 $0x45800, s18;
	s8 =	sadd.s32 $0x5AA200, s16  }
0x15: {  	s16 =	sshrl.u32 s20, $0x3;
	s18 =	simm.s32 $0x4F10;
	s20 =	simm.s32 $0x0  }
.LBB2_1:
0x16: {  	[tilespmem:s4], [sflag:$0x1] =	stream.linear.gather [hbm4b:s5+s4], $0x2710, $0x38;
	[tilespmem:$0x1A590] =	vst v63  }
0x17: {  	_ =	swait.ge [sflag:s13], $0x2710  }
0x18: {  	[sflag:s13] =	ssyncset.done $0x0  }
0x19: {  	[sflag:s13] =	ssyncadd.s32 $0xFFFFD8F0  }
0x1a: {  	[spmem:s15], [sflag:s14] =	dma.local [hbm:s6], $0x2800  }
0x1b: {  	_ =	swait.ge [sflag:s13], $0x2800  }
0x1c: {  	[sflag:s13] =	ssyncset.done $0x0  }
0x1d: {  	[sflag:s13] =	ssyncadd.s32 $0xFFFFD800  }
0x1e: {  	[spmem:s16], [sflag:s14] =	dma.local [hbm:s7], $0x280  }
0x1f: {  	_ =	swait.ge [sflag:s13], $0x280  }
0x20: {  	[sflag:s13] =	ssyncset.done $0x0  }
0x21: {  	[sflag:s13] =	ssyncadd.s32 $0xFFFFFD80  }
0x22: {  	[bflag:$0x0] =	sbarrier.arrive $0xFFFF  }
0x23: {  	[tilespmem:s17], [sflag:$0x1] =	stream.linear.gather [hbm4b:s12+s4], $0x2800, $0x38;
	[tilespmem:$0x1A590] =	vst v63  }
0x24: {  	_ =	swait.ge [sflag:s13], $0x2800  }
0x25: {  	[sflag:s13] =	ssyncset.done $0x0  }
0x26: {  	s21 =	sadd.s32 $0x0, s11;
	[sflag:s13] =	ssyncadd.s32 $0xFFFFD800  }
0x27: {  	[tilespmem:s18], [sflag:$0x1] =	stream.linear.gather [hbm4b:s21+s4], $0x280, $0x38;
	[tilespmem:$0x1A590] =	vst v63  }
0x28: {  	_ =	swait.ge [sflag:s13], $0x280  }
0x29: {  	[sflag:s13] =	ssyncset.done $0x0  }
0x2a: {  	[sflag:s13] =	ssyncadd.s32 $0xFFFFFD80  }
0x2b: {  	[spmem:s1] =	stream.indirect.scatter.add.f32 [tilespmem:s17], [sflag:$0x1], $0x80, s4, s19, $0xb8;
	[tilespmem:$0x1A590] =	vst v63  }
0x2c: {  	_ =	swait.ge [sflag:s13], $0x2800  }
0x2d: {  	[sflag:s13] =	ssyncset.done $0x0  }
0x2e: {  	[sflag:s13] =	ssyncadd.s32 $0xFFFFD800  }
0x2f: {  	[spmem:s3] =	stream.indirect.scatter.add.f32 [tilespmem:s18], [sflag:$0x1], $0x8, s4, s19, $0xb8;
	[tilespmem:$0x1A590] =	vst v63  }
0x30: {  	s22 =	simm.s32 $0x0;
	_ =	swait.ge [sflag:s13], $0x280  }
0x31: {  	s23 =	smov.u32 s12;
	s21 =	simm.s32 $0x50;
	[sflag:s13] =	ssyncset.done $0x0  }
.LBB2_2:
0x32: {  	[sflag:s13] =	ssyncadd.s32 $0xFFFFFD80  }
0x33: {  	s22 =	sadd.s32 $0x50, s22;
	s23 =	sadd.s32 $0x500, s23;
	s24 =	smov.u32 s21  }
0x34: {  	[tilespmem:s17], [sflag:$0x1] =	stream.linear.gather [hbm4b:s23+s4], $0x2800, $0x38;
	[tilespmem:$0x1A590] =	vst v63  }
0x35: {  	p0 =	sne.s32 s21, $0x26C0;
	s21 =	sadd.s32 $0x50, s21;
	_ =	swait.ge [sflag:s13], $0x2800  }
0x36: {  	[sflag:s13] =	ssyncset.done $0x0  }
0x37: {  	s24 =	sadd.s32 s24, s11;
	[sflag:s13] =	ssyncadd.s32 $0xFFFFD800  }
0x38: {  	[tilespmem:s18], [sflag:$0x1] =	stream.linear.gather [hbm4b:s24+s4], $0x280, $0x38;
	[tilespmem:$0x1A590] =	vst v63  }
0x39: {  	_ =	swait.ge [sflag:s13], $0x280  }
0x3a: {  	[sflag:s13] =	ssyncset.done $0x0  }
0x3b: {  	[sflag:s13] =	ssyncadd.s32 $0xFFFFFD80  }
0x3c: {  	[spmem:s1] =	stream.indirect.scatter.add.f32 [tilespmem:s17], [sflag:$0x1], $0x80, s22, s19, $0xb8;
	[tilespmem:$0x1A590] =	vst v63  }
0x3d: {  	_ =	swait.ge [sflag:s13], $0x2800  }
.Ltmp0:
0x3e: {  	[sflag:s13] =	ssyncset.done $0x0;
	(pc) =	sbr.rel @p0 .LBB2_2-.Ltmp0, $4  }
0x3f: {  	[sflag:s13] =	ssyncadd.s32 $0xFFFFD800  }
0x40: {  	[spmem:s3] =	stream.indirect.scatter.add.f32 [tilespmem:s18], [sflag:$0x1], $0x8, s22, s19, $0xb8;
	[tilespmem:$0x1A590] =	vst v63  }
0x41: {  	_ =	swait.ge [sflag:s13], $0x280  }
0x42: {  	[sflag:s13] =	ssyncset.done $0x0  }
0x43: {  	[sflag:s13] =	ssyncadd.s32 $0xFFFFFD80  }
0x44: {  	[bflag:$0x0] =	sbarrier.arrive $0xFFFF  }
0x45: {  	[hbm:s8], [sflag:s14] =	dma.local [spmem:s15], $0x2800  }
0x46: {  	s20 =	sadd.s32 $0x1, s20;
	_ =	swait.ge [sflag:s13], $0x2800  }
0x47: {  	p0 =	sne.s32 s20, s10;
	[sflag:s13] =	ssyncset.done $0x0  }
.Ltmp1:
0x48: {  	[sflag:s13] =	ssyncadd.s32 $0xFFFFD800;
	(pc) =	sbr.rel @p0 .LBB2_1-.Ltmp1, $4  }
0x49: {  	[hbm:s9], [sflag:s14] =	dma.local [spmem:s16], $0x280  }
0x4a: {  	_ =	swait.ge [sflag:s13], $0x280  }
0x4b: {  	[sflag:s13] =	ssyncset.done $0x0  }
0x4c: {  	[sflag:s13] =	ssyncadd.s32 $0xFFFFFD80  }
0x4d: {  	_ =	sfence.sel $0x180000  }
0x4e: {  	[bflag:$0x0] =	sbarrier.arrive $0xFFFF  }
0x4f: {  	p0 =	sne.s32 s0, $0x0;
	_ =	strace $0x9000004A  }
0x50: {  	s0 =	sadd.s32 @!p0 $0x100000, s2;
	[bflag:$0x2] =	sbarrier.arrive $0xFFFF  }
0x51: {  	[sflag:s0] =	ssyncadd.tile.s32 @!p0 $0x1;
	_ =	shalt  }
.Lfunc_end2:
_tile_overlayer_lowered:
.L_overlay_start_2:
0x52: {  	(tag) =	ssettag $0x2  }
0x53: {  	s0 =	rddreg [dreg:$0x0];
	s2 =	stileid.u32  }
0x54: {  	s1 =	rddreg [dreg:$0x1];
	p0 =	sne.s32 s2, $0x0  }
0x55: {  	s3 =	rddreg [dreg:$0x2];
	[bflag:$0x3] =	sbarrier.arrive $0xFFFF;
	s2 =	simm.s32 @!p0 $0x1C01  }
0x56: {  	[timem:s3], [sflag:s2] =	dma.local @!p0 [hbm:s0], s1  }
0x57: {  	s0 =	simm.s32 @!p0 $0x1  }
0x58: {  	_ =	swait.ge @!p0 [sflag:s0], s1  }
0x59: {  	s1 =	ssub.s32 @!p0 $0x0, s1;
	[sflag:s0] =	ssyncset.done @!p0 $0x0  }
0x5a: {  	[sflag:s0] =	ssyncadd.s32 @!p0 s1  }
0x5b: {  	[bflag:$0x3] =	sbarrier.arrive $0xFFFF  }
0x5c: {  	_ =	shalt  }

// kernel: kernel.8.cloned.1.call-start
scs
__scs_entry_jumppad:
0x0: {  	(pc) =	sbr.rel $0x88, $3  }
0x1: {  	(tag) =	ssettag $0x0;
	lr =	simm.s32 $0x1  }
0x2: {  	[smem:$0x3F90] =	sst lr;
	_ =	strace $0xD0000000  }
0x3: {  	_ = 	snop  }
0x4: {  	_ = 	snop  }
0x5: {  	_ = 	snop  }
0x6: {  	_ = 	snop  }
0x7: {  	_ = 	snop  }
__scs_overlays_trampoline_lowered:
0x8: {  	[smem:$0x3F9F] =	sst s0  }
0x9: {  	[smem:$0x3FA0] =	sst s1  }
0xa: {  	[smem:$0x3FA1] =	sst s2  }
0xb: {  	[smem:$0x3FA2] =	sst s3  }
0xc: {  	[smem:$0x3FA3] =	sst s4  }
0xd: {  	[smem:$0x3FA4] =	sst s5  }
0xe: {  	[smem:$0x3FA5] =	sst s6  }
0xf: {  	[smem:$0x3FA6] =	sst s7  }
0x10: {  	[smem:$0x3FA7] =	sst s8  }
0x11: {  	[smem:$0x3FA8] =	sst s9;
	s0 =	simm.s32 @!p0 $0x0  }
0x12: {  	s1 =	sld [smem:$0x3F8E];
	s0 =	simm.s32 @p0 $0x1  }
0x13: {  	[smem:$0x3FA9] =	sst s0;
	s0 =	simm.s32 @!p1 $0x0  }
0x14: {  	s2 =	sld [smem:$0x3F8D];
	s0 =	simm.s32 @p1 $0x1  }
0x15: {  	[smem:$0x3FAA] =	sst s0;
	s0 =	simm.s32 @!p2 $0x0  }
0x16: {  	s3 =	sld [smem:$0x3FDB];
	s0 =	simm.s32 @p2 $0x1  }
0x17: {  	s4 =	simm.s32 $0x1BF5;
	[smem:$0x3FAC] =	sst s0  }
0x18: {  	s0 =	sld [smem:$0x3F8F];
	_ =	swait.ge [sflag:s4], $0x0  }
0x19: {  	s7 =	sld [smem:$0x3F90]  }
0x1a: {  	s8 =	sadd.s32 $0xFFFFE003, lr  }
0x1b: {  	s9 =	sadd.s32 $0xFFFFFEF7, lr;
	s5 =	simm.s32 $0xFFFFFFFF;
	p2 =	slt.u32 s8, $0xFFFFF086  }
0x1c: {  	p1 =	slt.u32 s9, $0xF7A;
	s5 =	simm.s32 @!p2 $0x0  }
0x1d: {  	s5 =	simm.s32 @p1 $0x1;
	p0 =	seq.s32 s7, s2  }
0x1e: {  	s7 =	smul.u32 @!p0 $0xF7A, s2;
	p2 =	seq.s32 @!p0 s5, $0x0  }
0x1f: {  	s9 =	smul.u32 $0xF7A, s1;
	s8 =	simm.s32 @!p0 $0x1BF5;
	p2 =	por !p2, p0  }
0x20: {  	[sflag:s8] =	ssyncset.s32 @!p0 $0xFFFFF086;
	s6 =	sadd.s32 @!p0 s3, s7;
	s7 =	simm.s32 @!p0 $0x108  }
0x21: {  	s3 =	sadd.s32 s3, s9;
	s6 =	sadd.s32 @!p0 $0x88, s6;
	s7 =	simm.s32 @p2 $0x1082  }
0x22: {  	[simem:s7], [sflag:s8] =	dma.local @!p0 [hbm:s6], $0xF7A  }
0x23: {  	s9 =	sor.u32 $0xD0000000, s2;
	s6 =	simm.s32 $0x108;
	_ =	swait.ge @!p0 [sflag:s8], $0x0  }
0x24: {  	s3 =	sadd.s32 $0x88, s3;
	s6 =	simm.s32 @!p1 $0x1082;
	[sflag:s4] =	ssyncset.s32 $0xFFFFF086  }
0x25: {  	[simem:s6], [sflag:s4] =	dma.local [hbm:s3], $0xF7A  }
0x26: {  	[smem:$0x3F90] =	sst s1;
	(tag) =	ssettag s2;
	_ =	strace s9  }
0x27: {  	s1 =	sld [smem:$0x3FA0]  }
0x28: {  	s2 =	sld [smem:$0x3FA1]  }
0x29: {  	s4 =	sld [smem:$0x3FA3]  }
0x2a: {  	p0 =	seq.s32 s5, $0x0;
	s5 =	sld [smem:$0x3FA4]  }
0x2b: {  	s6 =	sld [smem:$0x3FA5]  }
0x2c: {  	s7 =	sld [smem:$0x3FA6]  }
0x2d: {  	s3 =	simm.s32 $0x108;
	s8 =	sld [smem:$0x3FA7]  }
0x2e: {  	s3 =	simm.s32 @!p0 $0x1082;
	s9 =	sld [smem:$0x3FA8]  }
0x2f: {  	lr =	sadd.s32 s0, s3;
	s0 =	sld [smem:$0x3F9F]  }
0x30: {  	s3 =	sld [smem:$0x3FA2]  }
0x31: {  	[smem:$0x3FAB] =	sst s10  }
0x32: {  	s10 =	sld [smem:$0x3FA9];
	_ =	sdelay $0x3  }
0x33: {  	p0 =	seq.s32 s10, $0x1;
	s10 =	sld [smem:$0x3FAB];
	_ =	sdelay $0x3  }
0x34: {  	[smem:$0x3FAB] =	sst s10  }
0x35: {  	s10 =	sld [smem:$0x3FAA];
	_ =	sdelay $0x3  }
0x36: {  	p1 =	seq.s32 s10, $0x1;
	s10 =	sld [smem:$0x3FAB];
	_ =	sdelay $0x3  }
0x37: {  	[smem:$0x3FAB] =	sst s10  }
0x38: {  	s10 =	sld [smem:$0x3FAC]  }
0x39: {  	_ = 	snop;
	(pc) =	sbr.ind lr, $3  }
0x3a: {  	_ = 	snop  }
0x3b: {  	_ = 	snop  }
0x3c: {  	p2 =	seq.s32 s10, $0x1;
	s10 =	sld [smem:$0x3FAB]  }
0x3d: {  	_ =	shalt  }
0x3e: {  	_ =	shalt  }
0x3f: {  	_ =	shalt  }
0x40: {  	_ =	shalt  }
0x41: {  	_ =	shalt  }
0x42: {  	_ =	shalt  }
0x43: {  	_ =	shalt  }
0x44: {  	_ =	shalt  }
0x45: {  	_ =	shalt  }
0x46: {  	_ =	shalt  }
0x47: {  	_ =	shalt  }
0x48: {  	_ =	shalt  }
0x49: {  	_ =	shalt  }
0x4a: {  	_ =	shalt  }
0x4b: {  	_ =	shalt  }
0x4c: {  	_ =	shalt  }
0x4d: {  	_ =	shalt  }
0x4e: {  	_ =	shalt  }
0x4f: {  	_ =	shalt  }
0x50: {  	_ =	shalt  }
0x51: {  	_ =	shalt  }
0x52: {  	_ =	shalt  }
0x53: {  	_ =	shalt  }
0x54: {  	_ =	shalt  }
0x55: {  	_ =	shalt  }
0x56: {  	_ =	shalt  }
0x57: {  	_ =	shalt  }
0x58: {  	_ =	shalt  }
0x59: {  	_ =	shalt  }
0x5a: {  	_ =	shalt  }
0x5b: {  	_ =	shalt  }
0x5c: {  	_ =	shalt  }
0x5d: {  	_ =	shalt  }
0x5e: {  	_ =	shalt  }
0x5f: {  	_ =	shalt  }
0x60: {  	_ =	shalt  }
0x61: {  	_ =	shalt  }
0x62: {  	_ =	shalt  }
0x63: {  	_ =	shalt  }
0x64: {  	_ =	shalt  }
0x65: {  	_ =	shalt  }
0x66: {  	_ =	shalt  }
0x67: {  	_ =	shalt  }
0x68: {  	_ =	shalt  }
0x69: {  	_ =	shalt  }
0x6a: {  	_ =	shalt  }
0x6b: {  	_ =	shalt  }
0x6c: {  	_ =	shalt  }
0x6d: {  	_ =	shalt  }
0x6e: {  	_ =	shalt  }
0x6f: {  	_ =	shalt  }
0x70: {  	_ =	shalt  }
0x71: {  	_ =	shalt  }
0x72: {  	_ =	shalt  }
0x73: {  	_ =	shalt  }
0x74: {  	_ =	shalt  }
0x75: {  	_ =	shalt  }
0x76: {  	_ =	shalt  }
0x77: {  	_ =	shalt  }
0x78: {  	_ =	shalt  }
0x79: {  	_ =	shalt  }
0x7a: {  	_ =	shalt  }
0x7b: {  	_ =	shalt  }
0x7c: {  	_ =	shalt  }
0x7d: {  	_ =	shalt  }
0x7e: {  	_ =	shalt  }
0x7f: {  	_ =	shalt  }
0x80: {  	_ =	shalt  }
0x81: {  	_ =	shalt  }
0x82: {  	_ =	shalt  }
0x83: {  	_ =	shalt  }
0x84: {  	_ =	shalt  }
0x85: {  	_ =	shalt  }
0x86: {  	_ =	shalt  }
0x87: {  	_ =	shalt  }
.Lfunc_end0:
.L_simem_size_0:
called_computation_lowered:
.L_overlay_start_0:
0x88: {  	s2 =	sld [smem:$0x3FD9]  }
0x89: {  	s3 =	sld [smem:$0x3FFE];
	_ =	sdelay $0x1  }
0x8a: {  	s1 =	srdreg.scid  }
0x8b: {  	s0 =	sand.u32 $0x1, s1  }
0x8c: {  	s17 =	sshll.u32 s0, $0xA;
	s2 =	sadd.s32 s3, s2  }
0x8d: {  	s2 =	sadd.s32 s2, s17  }
0x8e: {  	[smem:$0x3FB7] =	sst s2  }
0x8f: {  	_ = 	snop  }
0x90: {  	s2 =	sld [smem:$0x3FD0];
	(tm) =	ssettm $0x1  }
0x91: {  	s18 =	sld [smem:$0x3FFB];
	_ =	sdelay $0x3  }
0x92: {  	_ =	strace s18  }
0x93: {  	s3 =	sld [smem:$0x3FFC];
	_ =	sdelay $0x3  }
0x94: {  	_ =	strace s3  }
0x95: {  	s3 =	sld [smem:$0x3FFD];
	_ =	sdelay $0x3  }
0x96: {  	_ =	strace s3  }
0x97: {  	_ =	strace $0x8FFFFFFF  }
0x98: {  	s19 =	sld [smem:$0x3FDB];
	_ =	sdelay $0x1  }
0x99: {  	s4 =	simm.s32 $_scs_section_size  }
0x9a: {  	s5 =	simm.s32 $_size__tile_overlayer_lowered;
	s6 =	simm.s32 $_tile_overlayer_lowered  }
0x9b: {  	s22 =	simm.s32 $0x1BFF;
	s21 =	sshll.u32 s6, $0x1;
	s3 =	sadd.s32 s4, s19  }
0x9c: {  	s7 =	simm.s32 $0x0;
	s20 =	sshll.u32 s5, $0x1;
	s5 =	sadd.s32 s21, s3  }
0x9d: {  	[timem:s7], [sflag:s22] =	dma.local [hbm:s5], s20  }
0x9e: {  	_ =	swait.ge [sflag:s22], s20  }
0x9f: {  	s4 =	ssub.s32 $0x0, s20;
	[sflag:s22] =	ssyncset.done $0x0  }
0xa0: {  	[sflag:s22] =	ssyncadd.s32 s4;
	_ =	sdelay $0x1  }
0xa1: {  	s23 =	simm.s32 $0x1B8B  }
0xa2: {  	_ =	swait.ge [sflag:s23], $0x1  }
0xa3: {  	[sflag:s23] =	ssyncset.done $0x0  }
0xa4: {  	s25 =	simm.s32 $0x1B8E;
	s24 =	sld [smem:$0x3FFE];
	[sflag:s23] =	ssyncadd.s32 $0xFFFFFFFF  }
0xa5: {  	s26 =	simm.s32 $execute0_lowered;
	[smem:$0x3FD2] =	sst s25  }
0xa6: {  	s5 =	sshll.u32 s26, $0x1;
	_ =	strace $0x80000046;
	[dreg:$0x1] =	wrdreg $0xFFFFFFFF  }
0xa7: {  	s28 =	simm.s32 $_size_execute0_lowered;
	s3 =	sadd.s32 s3, s5;
	[dreg:$0x0] =	wrdreg $0x0  }
0xa8: {  	s5 =	sshll.u32 s28, $0x1;
	[dreg:$0x2] =	wrdreg s3  }
0xa9: {  	[dreg:$0x3] =	wrdreg s5  }
0xaa: {  	[dreg:$0x4] =	wrdreg $0xC0  }
0xab: {  	_ =	task [dreg:s7], $0x5FFFF  }
0xac: {  	[dreg:$0x1] =	wrdreg $0xFFFFFFFF  }
0xad: {  	[dreg:$0x0] =	wrdreg $0x60  }
0xae: {  	[dreg:$0x2] =	wrdreg s24  }
0xaf: {  	[dreg:$0x3] =	wrdreg s2  }
0xb0: {  	[dreg:$0x4] =	wrdreg $0x9  }
0xb1: {  	_ =	task.clear_ibuf [dreg:s7], $0x5FFFF;
	_ =	strace $0x90000046  }
0xb2: {  	s29 =	simm.s32 $0x9;
	_ =	strace $0x80000048  }
0xb3: {  	_ =	swait.ge [sflag:s29], $0x1  }
0xb4: {  	[sflag:s29] =	ssyncadd.s32 $0xFFFFFFFF  }
0xb5: {  	_ =	strace $0x90000048  }
0xb6: {  	_ =	sfence  }
0xb7: {  	s30 =	sld [smem:$0x0];
	_ =	sdelay $0x2  }
0xb8: {  	s31 =	sshll.u32 s1, $0xD;
	s1 =	sshrl.u32 s1, $0x2  }
0xb9: {  	s3 =	sand.u32 $0x4000, s31;
	s1 =	sadd.s32 s1, s30  }
0xba: {  	s0 =	sor.u32 s3, s0;
	s1 =	sshll.u32 s1, $0x11  }
0xbb: {  	s0 =	sor.u32 s1, s0  }
0xbc: {  	s0 =	sadd.s32 $0x8F2B, s0  }
0xbd: {  	[sflag:s0] =	ssyncadd.remote.s32 $0x1  }
0xbe: {  	_ =	sfence.sel $0xFFFF  }
0xbf: {  	[dreg:$0x0] =	wrdreg $0xFFFFFFFF;
	(pc) =	sbr.abs _section_cstart, $3  }
0xc0: {  	[dreg:$0x1] =	wrdreg $0xFFFFFFFF  }
0xc1: {  	_ =	task.clear_ibuf [dreg:s7], $0x2FFFF;
	_ =	strace $0x9FFFFFFF  }
0xc2: {  	(tm) =	ssettm $0x7FFFFFFF  }
0xc3: {  	_ =	shalt  }
tec
execute0_lowered:
.L_overlay_start_1:
0x0: {  	(tag) =	ssettag $0x1  }
0x1: {  	s0 =	srdreg.scid;
	s2 =	stileid.u32  }
0x2: {  	s1 =	rddreg [dreg:$0x0];
	s31 =	simm.s32 $0x1;
	s30 =	simm.s32 $0x4E20  }
0x3: {  	s0 =	sand.u32 $0x1, s0;
	s3 =	sshll.u32 s2, $0x1;
	s26 =	smul.u32 $0x4E20, s2  }
0x4: {  	s6 =	sor.u32 s0, s3;
	s11 =	ssub.s32 $0x2, s0;
	s0 =	smul.u32 $0x2710, s0  }
0x5: {  	s4 =	sadd.s32 $0x7A000, s1;
	s5 =	sadd.s32 $0x4C00, s1;
	s7 =	smul.u32 $0x2710, s6  }
0x6: {  	s9 =	sadd.s32 $0xC8200, s1;
	s3 =	simm.s32 $0x0;
	s12 =	smul.u32 $0x4E200, s6  }
0x7: {  	s10 =	sadd.s32 $0xB28600, s1;
	[smem:$0x7FF] =	sst s3;
	s14 =	smul.u32 $0x27100, s6  }
0x8: {  	s13 =	sshrl.u32 s11, $0x1;
	s6 =	smul.u32 $0x4E20, s6;
	_ =	strace $0x80000047  }
0x9: {  	s11 =	ssub.s32 s11, s13;
	s0 =	sadd.s32 s0, s26;
	s8 =	sshrl.u32 s7, $0x3  }
0xa: {  	s23 =	sadd.s32 s9, s12;
	s24 =	sadd.s32 s10, s14;
	s25 =	sadd.s32 $0x2670, s7  }
0xb: {  	s7 =	sadd.s32 $0x26C0, s7;
	s17 =	sadd.s32 $0x50, s0;
	s0 =	sadd.s32 $0xA0, s0  }
0xc: {  	s8 =	sadd.s32 s8, s1;
	s1 =	sadd.s32 $0xA8C200, s1;
	[dreg:$0x5] =	wrdreg s23  }
0xd: {  	[dreg:$0x6] =	wrdreg s24;
	s28 =	sshll.u32 s25, $0x5;
	s29 =	sshll.u32 s25, $0x4  }
0xe: {  	s14 =	sshll.u32 s7, $0x5;
	s18 =	sshll.u32 s7, $0x4;
	s22 =	sadd.s32 $0x9C00, s8  }
0xf: {  	s7 =	sshll.u32 s7, $0x1;
	s8 =	sadd.s32 $0x13A00, s8;
	[dreg:$0x3] =	wrdreg s22  }
0x10: {  	s0 =	sshrl.u32 s0, $0x4;
	s6 =	sadd.s32 s1, s6;
	[dreg:$0x4] =	wrdreg s8  }
0x11: {  	s12 =	sadd.s32 s9, s28;
	s13 =	sadd.s32 s10, s29;
	[dreg:$0x7] =	wrdreg s6  }
0x12: {  	s16 =	sadd.s32 s9, s14;
	s19 =	sadd.s32 s10, s18;
	[dreg:$0x8] =	wrdreg s12  }
0x13: {  	s20 =	sadd.s32 s1, s7;
	s28 =	sshll.u32 s0, $0x5;
	[dreg:$0x9] =	wrdreg s13  }
0x14: {  	s29 =	sshll.u32 s0, $0x8;
	s0 =	sshll.u32 s0, $0x9;
	[dreg:$0xb] =	wrdreg s16  }
0x15: {  	s14 =	simm.s32 $0xB;
	s6 =	sshll.u32 s25, $0x1;
	[dreg:$0xc] =	wrdreg s19  }
0x16: {  	[dreg:$0xd] =	wrdreg s20;
	s22 =	smax.u32 s11, $0x1;
	s0 =	sadd.s32 s0, s9  }
0x17: {  	s11 =	simm.s32 $0x6;
	s12 =	simm.s32 $0x7;
	s13 =	simm.s32 $0x9  }
0x18: {  	s16 =	simm.s32 $0xA;
	s15 =	sadd.s32 s1, s6;
	[dreg:$0xe] =	wrdreg s22  }
0x19: {  	s6 =	sshrl.u32 s17, $0x4;
	[dreg:$0x14] =	wrdreg s0;
	s0 =	simm.s32 $0x5  }
0x1a: {  	s17 =	simm.s32 $0xC;
	[dreg:$0xa] =	wrdreg s15;
	s21 =	sshll.u32 s6, $0x5  }
0x1b: {  	s24 =	sshll.u32 s6, $0x8;
	s6 =	sshll.u32 s6, $0x9;
	s23 =	sadd.s32 s21, s1  }
0x1c: {  	s15 =	simm.s32 $0x8;
	s25 =	sadd.s32 s24, s10;
	[dreg:$0xf] =	wrdreg s23  }
0x1d: {  	s26 =	sadd.s32 s6, s9;
	s1 =	sadd.s32 s28, s1;
	[dreg:$0x10] =	wrdreg s25  }
0x1e: {  	s9 =	simm.s32 $0x2;
	s6 =	simm.s32 $0x0;
	[dreg:$0x11] =	wrdreg s26  }
0x1f: {  	[dreg:$0x12] =	wrdreg s1;
	s1 =	sadd.s32 s29, s10;
	s26 =	simm.s32 $0x50  }
0x20: {  	s10 =	simm.s32 $0x4;
	[dreg:$0x13] =	wrdreg s1;
	s1 =	simm.s32 $0x3  }
.LBB2_1:
0x21: {  	[dreg:$0x15] =	wrdreg s6  }
0x22: {  	s2 =	rddreg [dreg:$0x3];
	s18 =	simm.s32 $0xD  }
0x23: {  	[tilespmem:s3], [sflag:$0xD] =	stream.linear.gather [hbm4b:s2+s3], $0x2710, $0x38;
	[tilespmem:$0x14820] =	vst v63  }
0x24: {  	_ =	swait.ge [sflag:s18], $0x2710  }
0x25: {  	[sflag:s18] =	ssyncset.done $0x0  }
0x26: {  	s19 =	simm.s32 $0x2710;
	s22 =	rddreg [dreg:$0x4];
	[sflag:s18] =	ssyncadd.s32 $0xFFFFD8F0  }
0x27: {  	[tilespmem:s19], [sflag:$0xD] =	stream.linear.gather [hbm4b:s22+s3], $0x2710, $0x38;
	[tilespmem:$0x14820] =	vst v63  }
0x28: {  	_ =	swait.ge [sflag:s18], $0x2710  }
0x29: {  	[sflag:s18] =	ssyncset.done $0x0  }
0x2a: {  	s20 =	simm.s32 $0x4E20;
	[sflag:s18] =	ssyncadd.s32 $0xFFFFD8F0  }
0x2b: {  	[tilespmem:s20], [sflag:$0x1] =	stream.indirect.gather [hbm4b:s4+s26], $0x100, s3, s26, $0xb8;
	[tilespmem:$0x14820] =	vst v63  }
0x2c: {  	s25 =	simm.s32 $0xEE20;
	s2 =	rddreg [dreg:$0x1]  }
0x2d: {  	[tilespmem:s25], [sflag:$0x3] =	stream.indirect.gather [hbm4b:s2+s26], $0x80, s19, s26, $0xb8;
	[tilespmem:$0x14820] =	vst v63  }
0x2e: {  	s6 =	simm.s32 $0x13E20  }
0x2f: {  	[tilespmem:s6], [sflag:$0x5] =	stream.indirect.gather [hbm4b:s5+s26], $0x10, s3, s26, $0xb8;
	[tilespmem:$0x14820] =	vst v63  }
0x30: {  	_ =	swait.ge [sflag:s31], $0x5000  }
0x31: {  	[sflag:s31] =	ssyncset.done $0x0  }
0x32: {  	[sflag:s31] =	ssyncadd.s32 $0xFFFFB000  }
0x33: {  	_ =	swait.ge [sflag:s1], $0x2800  }
0x34: {  	[sflag:s1] =	ssyncset.done $0x0  }
0x35: {  	[sflag:s1] =	ssyncadd.s32 $0xFFFFD800  }
0x36: {  	_ =	swait.ge [sflag:s0], $0x500  }
0x37: {  	[sflag:s0] =	ssyncset.done $0x0  }
0x38: {  	s23 =	rddreg [dreg:$0x5];
	[sflag:s0] =	ssyncadd.s32 $0xFFFFFB00  }
0x39: {  	[hbm4b:s23+s3] =	stream.linear.scatter [tilespmem:s20], [sflag:$0x7], $0x5000, $0x38;
	[tilespmem:$0x14820] =	vst v63  }
0x3a: {  	s24 =	rddreg [dreg:$0x6]  }
0x3b: {  	[hbm4b:s24+s3] =	stream.linear.scatter [tilespmem:s25], [sflag:$0x9], $0x2800, $0x38;
	[tilespmem:$0x14820] =	vst v63  }
0x3c: {  	s28 =	rddreg [dreg:$0x7]  }
0x3d: {  	[hbm4b:s28+s3] =	stream.linear.scatter [tilespmem:s6], [sflag:$0xB], $0x500, $0x38;
	[tilespmem:$0x14820] =	vst v63  }
0x3e: {  	s7 =	simm.s32 $0x9E20  }
0x3f: {  	[tilespmem:s7], [sflag:$0x2] =	stream.indirect.gather [hbm4b:s4+s26], $0x100, s26, s26, $0xb8;
	[tilespmem:$0x14820] =	vst v63  }
0x40: {  	s29 =	simm.s32 $0x2760;
	s8 =	simm.s32 $0x11620  }
0x41: {  	[tilespmem:s8], [sflag:$0x4] =	stream.indirect.gather [hbm4b:s2+s26], $0x80, s29, s26, $0xb8;
	[tilespmem:$0x14820] =	vst v63  }
0x42: {  	s19 =	simm.s32 $0x14320  }
0x43: {  	[tilespmem:s19], [sflag:$0x6] =	stream.indirect.gather [hbm4b:s5+s26], $0x10, s26, s26, $0xb8;
	[tilespmem:$0x14820] =	vst v63  }
0x44: {  	_ =	swait.ge [sflag:s9], $0x5000  }
0x45: {  	[sflag:s9] =	ssyncset.done $0x0  }
0x46: {  	[sflag:s9] =	ssyncadd.s32 $0xFFFFB000  }
0x47: {  	_ =	swait.ge [sflag:s10], $0x2800  }
0x48: {  	[sflag:s10] =	ssyncset.done $0x0  }
0x49: {  	[sflag:s10] =	ssyncadd.s32 $0xFFFFD800  }
0x4a: {  	_ =	swait.ge [sflag:s11], $0x500  }
0x4b: {  	[sflag:s11] =	ssyncset.done $0x0  }
0x4c: {  	s24 =	rddreg [dreg:$0x11];
	[sflag:s11] =	ssyncadd.s32 $0xFFFFFB00  }
0x4d: {  	[hbm4b:s24+s3] =	stream.linear.scatter [tilespmem:s7], [sflag:$0x8], $0x5000, $0x38;
	[tilespmem:$0x14820] =	vst v63  }
0x4e: {  	s23 =	rddreg [dreg:$0x10]  }
0x4f: {  	[hbm4b:s23+s3] =	stream.linear.scatter [tilespmem:s8], [sflag:$0xA], $0x2800, $0x38;
	[tilespmem:$0x14820] =	vst v63  }
0x50: {  	s22 =	rddreg [dreg:$0xf]  }
0x51: {  	[hbm4b:s22+s3] =	stream.linear.scatter [tilespmem:s19], [sflag:$0xC], $0x500, $0x38;
	[tilespmem:$0x14820] =	vst v63  }
0x52: {  	_ =	swait.ge [sflag:s12], $0x5000  }
0x53: {  	[sflag:s12] =	ssyncset.done $0x0  }
0x54: {  	[sflag:s12] =	ssyncadd.s32 $0xFFFFB000  }
0x55: {  	_ =	swait.ge [sflag:s13], $0x2800  }
0x56: {  	[sflag:s13] =	ssyncset.done $0x0  }
0x57: {  	[sflag:s13] =	ssyncadd.s32 $0xFFFFD800  }
0x58: {  	_ =	swait.ge [sflag:s14], $0x500  }
0x59: {  	[sflag:s14] =	ssyncset.done $0x0  }
0x5a: {  	s21 =	simm.s32 $0xA0;
	[sflag:s14] =	ssyncadd.s32 $0xFFFFFB00  }
0x5b: {  	[tilespmem:s20], [sflag:$0x1] =	stream.indirect.gather [hbm4b:s4+s26], $0x100, s21, s26, $0xb8;
	[tilespmem:$0x14820] =	vst v63  }
0x5c: {  	s28 =	simm.s32 $0x27B0  }
0x5d: {  	[tilespmem:s25], [sflag:$0x3] =	stream.indirect.gather [hbm4b:s2+s26], $0x80, s28, s26, $0xb8;
	[tilespmem:$0x14820] =	vst v63  }
0x5e: {  	_ = 	snop  }
0x5f: {  	[tilespmem:s6], [sflag:$0x5] =	stream.indirect.gather [hbm4b:s5+s26], $0x10, s21, s26, $0xb8;
	[tilespmem:$0x14820] =	vst v63  }
0x60: {  	_ =	swait.ge [sflag:s31], $0x5000  }
0x61: {  	[sflag:s31] =	ssyncset.done $0x0  }
0x62: {  	[sflag:s31] =	ssyncadd.s32 $0xFFFFB000  }
0x63: {  	_ =	swait.ge [sflag:s1], $0x2800  }
0x64: {  	[sflag:s1] =	ssyncset.done $0x0  }
0x65: {  	[sflag:s1] =	ssyncadd.s32 $0xFFFFD800  }
0x66: {  	_ =	swait.ge [sflag:s0], $0x500  }
0x67: {  	[sflag:s0] =	ssyncset.done $0x0  }
0x68: {  	s28 =	rddreg [dreg:$0x14];
	[sflag:s0] =	ssyncadd.s32 $0xFFFFFB00  }
0x69: {  	[hbm4b:s28+s3] =	stream.linear.scatter [tilespmem:s20], [sflag:$0x7], $0x5000, $0x38;
	[tilespmem:$0x14820] =	vst v63  }
0x6a: {  	s21 =	rddreg [dreg:$0x13]  }
0x6b: {  	[hbm4b:s21+s3] =	stream.linear.scatter [tilespmem:s25], [sflag:$0x9], $0x2800, $0x38;
	[tilespmem:$0x14820] =	vst v63  }
0x6c: {  	s20 =	rddreg [dreg:$0x12]  }
0x6d: {  	[hbm4b:s20+s3] =	stream.linear.scatter [tilespmem:s6], [sflag:$0xB], $0x500, $0x38;
	[tilespmem:$0x14820] =	vst v63  }
0x6e: {  	_ =	swait.ge [sflag:s15], $0x5000  }
0x6f: {  	[sflag:s15] =	ssyncset.done $0x0  }
0x70: {  	[sflag:s15] =	ssyncadd.s32 $0xFFFFB000  }
0x71: {  	_ =	swait.ge [sflag:s16], $0x2800  }
0x72: {  	[sflag:s16] =	ssyncset.done $0x0  }
0x73: {  	[sflag:s16] =	ssyncadd.s32 $0xFFFFD800  }
0x74: {  	s18 =	simm.s32 $0x280;
	s29 =	simm.s32 $0x2800;
	_ =	swait.ge [sflag:s17], $0x500  }
0x75: {  	s24 =	sadd.s32 $0x1400, s24;
	s23 =	sadd.s32 $0xA00, s23;
	[sflag:s17] =	ssyncset.done $0x0  }
0x76: {  	s22 =	sadd.s32 $0x140, s22;
	s25 =	simm.s32 $0xF0;
	[sflag:s17] =	ssyncadd.s32 $0xFFFFFB00  }
0x77: {  	[tilespmem:s7], [sflag:$0x2] =	stream.indirect.gather [hbm4b:s4+s26], $0x100, s25, s26, $0xb8;
	[tilespmem:$0x14820] =	vst v63  }
0x78: {  	s19 =	sadd.s32 $0x1400, s28;
	s21 =	sadd.s32 $0xA00, s21;
	s20 =	sadd.s32 $0x140, s20  }
0x79: {  	[tilespmem:s8], [sflag:$0x4] =	stream.indirect.gather [hbm4b:s2+s26], $0x80, s29, s26, $0xb8;
	[tilespmem:$0x14820] =	vst v63  }
.LBB2_2:
0x7a: {  	s2 =	simm.s32 $0x14320  }
0x7b: {  	[tilespmem:s2], [sflag:$0x6] =	stream.indirect.gather [hbm4b:s5+s26], $0x10, s25, s26, $0xb8;
	[tilespmem:$0x14820] =	vst v63  }
0x7c: {  	_ =	swait.ge [sflag:s9], $0x5000  }
0x7d: {  	[sflag:s9] =	ssyncset.done $0x0  }
0x7e: {  	[sflag:s9] =	ssyncadd.s32 $0xFFFFB000  }
0x7f: {  	_ =	swait.ge [sflag:s10], $0x2800  }
0x80: {  	[sflag:s10] =	ssyncset.done $0x0  }
0x81: {  	[sflag:s10] =	ssyncadd.s32 $0xFFFFD800  }
0x82: {  	_ =	swait.ge [sflag:s11], $0x500  }
0x83: {  	[sflag:s11] =	ssyncset.done $0x0  }
0x84: {  	s7 =	simm.s32 $0x9E20;
	[sflag:s11] =	ssyncadd.s32 $0xFFFFFB00  }
0x85: {  	[hbm4b:s24+s3] =	stream.linear.scatter [tilespmem:s7], [sflag:$0x8], $0x5000, $0x38;
	[tilespmem:$0x14820] =	vst v63  }
0x86: {  	s8 =	simm.s32 $0x11620  }
0x87: {  	[hbm4b:s23+s3] =	stream.linear.scatter [tilespmem:s8], [sflag:$0xA], $0x2800, $0x38;
	[tilespmem:$0x14820] =	vst v63  }
0x88: {  	_ = 	snop  }
0x89: {  	[hbm4b:s22+s3] =	stream.linear.scatter [tilespmem:s2], [sflag:$0xC], $0x500, $0x38;
	[tilespmem:$0x14820] =	vst v63  }
0x8a: {  	_ =	swait.ge [sflag:s12], $0x5000  }
0x8b: {  	[sflag:s12] =	ssyncset.done $0x0  }
0x8c: {  	[sflag:s12] =	ssyncadd.s32 $0xFFFFB000  }
0x8d: {  	_ =	swait.ge [sflag:s13], $0x2800  }
0x8e: {  	[sflag:s13] =	ssyncset.done $0x0  }
0x8f: {  	[sflag:s13] =	ssyncadd.s32 $0xFFFFD800  }
0x90: {  	s29 =	smov.u32 s18;
	_ =	swait.ge [sflag:s14], $0x500  }
0x91: {  	s2 =	sshra.s32 s29, $0x2;
	[sflag:s14] =	ssyncset.done $0x0  }
0x92: {  	s25 =	sadd.s32 $0xA0, s2;
	[sflag:s14] =	ssyncadd.s32 $0xFFFFFB00  }
0x93: {  	[tilespmem:s30], [sflag:$0x1] =	stream.indirect.gather [hbm4b:s4+s26], $0x100, s25, s26, $0xb8;
	[tilespmem:$0x14820] =	vst v63  }
0x94: {  	s6 =	simm.s32 $0xEE20;
	s28 =	sadd.s32 $0x27B0, s2;
	s29 =	rddreg [dreg:$0x1]  }
0x95: {  	[tilespmem:s6], [sflag:$0x3] =	stream.indirect.gather [hbm4b:s29+s26], $0x80, s28, s26, $0xb8;
	[tilespmem:$0x14820] =	vst v63  }
0x96: {  	s28 =	simm.s32 $0x13E20  }
0x97: {  	[tilespmem:s28], [sflag:$0x5] =	stream.indirect.gather [hbm4b:s5+s26], $0x10, s25, s26, $0xb8;
	[tilespmem:$0x14820] =	vst v63  }
0x98: {  	_ =	swait.ge [sflag:s31], $0x5000  }
0x99: {  	[sflag:s31] =	ssyncset.done $0x0  }
0x9a: {  	[sflag:s31] =	ssyncadd.s32 $0xFFFFB000  }
0x9b: {  	_ =	swait.ge [sflag:s1], $0x2800  }
0x9c: {  	[sflag:s1] =	ssyncset.done $0x0  }
0x9d: {  	[sflag:s1] =	ssyncadd.s32 $0xFFFFD800  }
0x9e: {  	_ =	swait.ge [sflag:s0], $0x500  }
0x9f: {  	[sflag:s0] =	ssyncset.done $0x0  }
0xa0: {  	[sflag:s0] =	ssyncadd.s32 $0xFFFFFB00  }
0xa1: {  	[hbm4b:s19+s3] =	stream.linear.scatter [tilespmem:s30], [sflag:$0x7], $0x5000, $0x38;
	[tilespmem:$0x14820] =	vst v63  }
0xa2: {  	_ = 	snop  }
0xa3: {  	[hbm4b:s21+s3] =	stream.linear.scatter [tilespmem:s6], [sflag:$0x9], $0x2800, $0x38;
	[tilespmem:$0x14820] =	vst v63  }
0xa4: {  	_ = 	snop  }
0xa5: {  	[hbm4b:s20+s3] =	stream.linear.scatter [tilespmem:s28], [sflag:$0xB], $0x500, $0x38;
	[tilespmem:$0x14820] =	vst v63  }
0xa6: {  	_ =	swait.ge [sflag:s15], $0x5000  }
0xa7: {  	[sflag:s15] =	ssyncset.done $0x0  }
0xa8: {  	[sflag:s15] =	ssyncadd.s32 $0xFFFFB000  }
0xa9: {  	_ =	swait.ge [sflag:s16], $0x2800  }
0xaa: {  	p0 =	sne.s32 s18, $0x9600;
	s18 =	sadd.s32 $0x280, s18;
	[sflag:s16] =	ssyncset.done $0x0  }
0xab: {  	s24 =	sadd.s32 $0x1400, s24;
	s23 =	sadd.s32 $0xA00, s23;
	[sflag:s16] =	ssyncadd.s32 $0xFFFFD800  }
0xac: {  	s22 =	sadd.s32 $0x140, s22;
	s25 =	sadd.s32 $0xF0, s2;
	_ =	swait.ge [sflag:s17], $0x500  }
.Ltmp0:
0xad: {  	s2 =	sadd.s32 $0x2800, s2;
	[sflag:s17] =	ssyncset.done $0x0;
	(pc) =	sbr.rel @p0 .LBB2_2-.Ltmp0, $4  }
0xae: {  	s19 =	sadd.s32 $0x1400, s19;
	s6 =	simm.s32 $0x9E20;
	[sflag:s17] =	ssyncadd.s32 $0xFFFFFB00  }
0xaf: {  	[tilespmem:s7], [sflag:$0x2] =	stream.indirect.gather [hbm4b:s4+s26], $0x100, s25, s26, $0xb8;
	[tilespmem:$0x14820] =	vst v63  }
0xb0: {  	s21 =	sadd.s32 $0xA00, s21;
	s20 =	sadd.s32 $0x140, s20;
	s7 =	simm.s32 $0x11620  }
0xb1: {  	[tilespmem:s8], [sflag:$0x4] =	stream.indirect.gather [hbm4b:s29+s26], $0x80, s2, s26, $0xb8;
	[tilespmem:$0x14820] =	vst v63  }
0xb2: {  	s8 =	simm.s32 $0x14320  }
0xb3: {  	[tilespmem:s8], [sflag:$0x6] =	stream.indirect.gather [hbm4b:s5+s26], $0x10, s25, s26, $0xb8;
	[tilespmem:$0x14820] =	vst v63  }
0xb4: {  	_ =	swait.ge [sflag:s9], $0x5000  }
0xb5: {  	[sflag:s9] =	ssyncset.done $0x0  }
0xb6: {  	[sflag:s9] =	ssyncadd.s32 $0xFFFFB000  }
0xb7: {  	_ =	swait.ge [sflag:s10], $0x2800  }
0xb8: {  	[sflag:s10] =	ssyncset.done $0x0  }
0xb9: {  	[sflag:s10] =	ssyncadd.s32 $0xFFFFD800  }
0xba: {  	_ =	swait.ge [sflag:s11], $0x500  }
0xbb: {  	[sflag:s11] =	ssyncset.done $0x0  }
0xbc: {  	s2 =	rddreg [dreg:$0x8];
	[sflag:s11] =	ssyncadd.s32 $0xFFFFFB00  }
0xbd: {  	[hbm4b:s2+s3] =	stream.linear.scatter [tilespmem:s6], [sflag:$0x8], $0x5000, $0x38;
	[tilespmem:$0x14820] =	vst v63  }
0xbe: {  	s28 =	rddreg [dreg:$0x9]  }
0xbf: {  	[hbm4b:s28+s3] =	stream.linear.scatter [tilespmem:s7], [sflag:$0xA], $0x2800, $0x38;
	[tilespmem:$0x14820] =	vst v63  }
0xc0: {  	s29 =	rddreg [dreg:$0xa]  }
0xc1: {  	[hbm4b:s29+s3] =	stream.linear.scatter [tilespmem:s8], [sflag:$0xC], $0x500, $0x38;
	[tilespmem:$0x14820] =	vst v63  }
0xc2: {  	_ =	swait.ge [sflag:s12], $0x5000  }
0xc3: {  	[sflag:s12] =	ssyncset.done $0x0  }
0xc4: {  	[sflag:s12] =	ssyncadd.s32 $0xFFFFB000  }
0xc5: {  	_ =	swait.ge [sflag:s13], $0x2800  }
0xc6: {  	[sflag:s13] =	ssyncset.done $0x0  }
0xc7: {  	[sflag:s13] =	ssyncadd.s32 $0xFFFFD800  }
0xc8: {  	_ =	swait.ge [sflag:s14], $0x500  }
0xc9: {  	[sflag:s14] =	ssyncset.done $0x0  }
0xca: {  	s18 =	simm.s32 $0x4E20;
	s6 =	simm.s32 $0x26C0;
	[sflag:s14] =	ssyncadd.s32 $0xFFFFFB00  }
0xcb: {  	[tilespmem:s18], [sflag:$0x1] =	stream.indirect.gather [hbm4b:s4+s26], $0x100, s6, s26, $0xb8;
	[tilespmem:$0x14820] =	vst v63  }
0xcc: {  	s21 =	simm.s32 $0xEE20;
	s22 =	simm.s32 $0x4DD0;
	s20 =	rddreg [dreg:$0x1]  }
0xcd: {  	[tilespmem:s21], [sflag:$0x3] =	stream.indirect.gather [hbm4b:s20+s26], $0x80, s22, s26, $0xb8;
	[tilespmem:$0x14820] =	vst v63  }
0xce: {  	s19 =	simm.s32 $0x13E20  }
0xcf: {  	[tilespmem:s19], [sflag:$0x5] =	stream.indirect.gather [hbm4b:s5+s26], $0x10, s6, s26, $0xb8;
	[tilespmem:$0x14820] =	vst v63  }
0xd0: {  	_ =	swait.ge [sflag:s31], $0x5000  }
0xd1: {  	[sflag:s31] =	ssyncset.done $0x0  }
0xd2: {  	[sflag:s31] =	ssyncadd.s32 $0xFFFFB000  }
0xd3: {  	_ =	swait.ge [sflag:s1], $0x2800  }
0xd4: {  	[sflag:s1] =	ssyncset.done $0x0  }
0xd5: {  	[sflag:s1] =	ssyncadd.s32 $0xFFFFD800  }
0xd6: {  	_ =	swait.ge [sflag:s0], $0x500  }
0xd7: {  	[sflag:s0] =	ssyncset.done $0x0  }
0xd8: {  	s23 =	rddreg [dreg:$0xb];
	[sflag:s0] =	ssyncadd.s32 $0xFFFFFB00  }
0xd9: {  	[hbm4b:s23+s3] =	stream.linear.scatter [tilespmem:s18], [sflag:$0x7], $0x5000, $0x38;
	[tilespmem:$0x14820] =	vst v63  }
0xda: {  	s24 =	rddreg [dreg:$0xc]  }
0xdb: {  	[hbm4b:s24+s3] =	stream.linear.scatter [tilespmem:s21], [sflag:$0x9], $0x2800, $0x38;
	[tilespmem:$0x14820] =	vst v63  }
0xdc: {  	s25 =	rddreg [dreg:$0xd]  }
0xdd: {  	[hbm4b:s25+s3] =	stream.linear.scatter [tilespmem:s19], [sflag:$0xB], $0x500, $0x38;
	[tilespmem:$0x14820] =	vst v63  }
0xde: {  	_ =	swait.ge [sflag:s15], $0x5000  }
0xdf: {  	[sflag:s15] =	ssyncset.done $0x0  }
0xe0: {  	[sflag:s15] =	ssyncadd.s32 $0xFFFFB000  }
0xe1: {  	_ =	swait.ge [sflag:s16], $0x2800  }
0xe2: {  	[sflag:s16] =	ssyncset.done $0x0  }
0xe3: {  	[sflag:s16] =	ssyncadd.s32 $0xFFFFD800  }
0xe4: {  	_ =	swait.ge [sflag:s17], $0x500  }
0xe5: {  	[sflag:s17] =	ssyncset.done $0x0  }
0xe6: {  	[sflag:s17] =	ssyncadd.s32 $0xFFFFFB00  }
0xe7: {  	_ =	swait.ge [sflag:s12], $0x5000  }
0xe8: {  	[sflag:s12] =	ssyncset.done $0x0  }
0xe9: {  	[sflag:s12] =	ssyncadd.s32 $0xFFFFB000  }
0xea: {  	_ =	swait.ge [sflag:s13], $0x2800  }
0xeb: {  	[sflag:s13] =	ssyncset.done $0x0  }
0xec: {  	[sflag:s13] =	ssyncadd.s32 $0xFFFFD800  }
0xed: {  	_ =	swait.ge [sflag:s14], $0x500  }
0xee: {  	s28 =	rddreg [dreg:$0x15]  }
0xef: {  	s29 =	rddreg [dreg:$0xe];
	s6 =	sadd.s32 $0x1, s28  }
0xf0: {  	p0 =	sne.s32 s6, s29  }
.Ltmp1:
0xf1: {  	_ = 	snop;
	(pc) =	sbr.rel @p0 .LBB2_1-.Ltmp1, $3  }
0xf2: {  	_ =	sdelay $0x1  }
0xf3: {  	[sflag:s14] =	ssyncset.done $0x0  }
0xf4: {  	[sflag:s14] =	ssyncadd.s32 $0xFFFFFB00  }
0xf5: {  	_ =	sfence.sel $0x180000  }
0xf6: {  	[bflag:$0x0] =	sbarrier.arrive $0xFFFF  }
0xf7: {  	_ =	strace $0x90000047  }
0xf8: {  	s0 =	stileid.u32;
	[bflag:$0x2] =	sbarrier.arrive $0xFFFF  }
0xf9: {  	p0 =	sne.s32 s0, $0x0;
	s0 =	rddreg [dreg:$0x2]  }
0xfa: {  	s0 =	sadd.s32 @!p0 $0x100000, s0  }
0xfb: {  	[sflag:s0] =	ssyncadd.tile.s32 @!p0 $0x1;
	_ =	shalt  }
.Lfunc_end2:
_tile_overlayer_lowered:
.L_overlay_start_2:
0xfc: {  	(tag) =	ssettag $0x2  }
0xfd: {  	s0 =	rddreg [dreg:$0x0];
	s2 =	stileid.u32  }
0xfe: {  	s1 =	rddreg [dreg:$0x1];
	p0 =	sne.s32 s2, $0x0  }
0xff: {  	s3 =	rddreg [dreg:$0x2];
	[bflag:$0x3] =	sbarrier.arrive $0xFFFF;
	s2 =	simm.s32 @!p0 $0x1C0D  }
0x100: {  	[timem:s3], [sflag:s2] =	dma.local @!p0 [hbm:s0], s1  }
0x101: {  	s0 =	simm.s32 @!p0 $0xD  }
0x102: {  	_ =	swait.ge @!p0 [sflag:s0], s1  }
0x103: {  	s1 =	ssub.s32 @!p0 $0x0, s1;
	[sflag:s0] =	ssyncset.done @!p0 $0x0  }
0x104: {  	[sflag:s0] =	ssyncadd.s32 @!p0 s1  }
0x105: {  	[bflag:$0x3] =	sbarrier.arrive $0xFFFF  }
0x106: {  	_ =	shalt  }

</sc_bundles>
